<compile_context>
chip_gen: v7x
topology: tpu7x:2x2x1
jax: 0.10.2.dev20260603
libtpu: 0.0.44.dev20260713+nightly
codegen_flags: <defaults>
</compile_context>

<pallas_src>
import functools

import jax
import jax.numpy as jnp
from jax import lax
from jax.experimental import pallas as pl
from jax.experimental.pallas import tpu as pltpu
from jax.experimental.pallas import tpu_sc as plsc

N_NODES = 10000
N_EDGES = 320000
D_BLOCK = 128
D_EDGE = 16
D_OUT = D_EDGE + 2 * D_BLOCK
LANES = 16

NC = 2
NS = 16
NW = NC * NS

CHUNK = 128
HALF = CHUNK // 2
N_CHUNKS_TOT = N_EDGES // CHUNK
STEPS = -(-N_CHUNKS_TOT // NW)
N_PAIRS = (STEPS - 1) // 2


def _make_router():
    mesh = plsc.VectorSubcoreMesh(core_axis_name="c", subcore_axis_name="s")

    idx_t = pltpu.VMEM((HALF,), jnp.int32)
    per_set = dict(
        sidx_lo=idx_t, sidx_hi=idx_t, didx_lo=idx_t, didx_hi=idx_t,
        obufS=pltpu.VMEM((D_EDGE + D_BLOCK, CHUNK), jnp.float32),
        obufD=pltpu.VMEM((D_BLOCK, CHUNK), jnp.float32),
    )

    @functools.partial(
        pl.kernel,
        out_type=jax.ShapeDtypeStruct((D_OUT, N_EDGES), jnp.float32),
        mesh=mesh,
        compiler_params=pltpu.CompilerParams(needs_layout_passes=False),
        scratch_types=(
            [v for v in per_set.values()] * 2
            + [pltpu.VMEM((HALF, D_BLOCK), jnp.float32)] * 2
            + [pltpu.SemaphoreType.DMA] * 10
        ),
    )
    def router(tbl_hbm, attrT_hbm, eidx_hbm, outT_hbm,
               slA, shA, dlA, dhA, obufSA, obufDA,
               slB, shB, dlB, dhB, obufSB, obufDB,
               rows0, rows1,
               isemA, isemB, asemA, asemB, osemSA, osemSB, osemDA, osemDB,
               gsem0, gsem1):
        wid = lax.axis_index("s") * NC + lax.axis_index("c")

        A = dict(sl=slA, sh=shA, dl=dlA, dh=dhA, obufS=obufSA, obufD=obufDA,
                 isem=isemA, asem=asemA, osemS=osemSA, osemD=osemDA)
        B = dict(sl=slB, sh=shB, dl=dlB, dh=dhB, obufS=obufSB, obufD=obufDB,
                 isem=isemB, asem=asemB, osemS=osemSB, osemD=osemDB)

        def eoff(step):
            g = wid + NW * step
            g = jnp.where(g < N_CHUNKS_TOT, g, g - NW)
            return g * CHUNK

        def issue_idx(step, s):
            es = eoff(step)
            pltpu.async_copy(eidx_hbm.at[pl.ds(es, HALF)], s["sl"], s["isem"])
            pltpu.async_copy(eidx_hbm.at[pl.ds(es + HALF, HALF)], s["sh"], s["isem"])
            pltpu.async_copy(
                eidx_hbm.at[pl.ds(N_EDGES + es, HALF)], s["dl"], s["isem"])
            pltpu.async_copy(
                eidx_hbm.at[pl.ds(N_EDGES + es + HALF, HALF)], s["dh"], s["isem"])

        def wait_idx(s):
            for _ in range(4):
                pltpu.make_async_copy(
                    eidx_hbm.at[pl.ds(0, HALF)], s["sl"], s["isem"]).wait()

        def gather(idx_buf, rows, gsem):
            pltpu.async_copy(tbl_hbm.at[idx_buf], rows, gsem)

        def wait_gather(rows, gsem):
            pltpu.make_async_copy(tbl_hbm.at[slA], rows, gsem).wait()

        iota16 = lax.iota(jnp.int32, LANES)
        rots = [(iota16 + d) & (LANES - 1) for d in range(LANES)]

        def fill_half(rows, obuf, band, col0):
            bandvec = jnp.full((LANES,), band, jnp.int32)

            def hblock(h, c):
                h16 = h * LANES
                lcols = [jnp.full((LANES,), h16, jnp.int32) + r for r in rots]

                def gblock(g, c2):
                    g16 = g * LANES
                    egv = jnp.full((LANES,), g16, jnp.int32) + iota16
                    scg = jnp.full((LANES,), col0 + g16, jnp.int32) + iota16
                    for d in range(LANES):
                        vals = plsc.load_gather(rows, [egv, lcols[d]])
                        srow = lcols[d] if band == 0 else lcols[d] + bandvec
                        plsc.store_scatter(obuf, [srow, scg], vals)
                    return c2

                lax.fori_loop(0, HALF // LANES, gblock, 0)
                return c

            lax.fori_loop(0, D_BLOCK // LANES, hblock, 0)

        def store_S(es, s):
            pltpu.async_copy(
                s["obufS"],
                outT_hbm.at[pl.ds(0, D_EDGE + D_BLOCK), pl.ds(es, CHUNK)],
                s["osemS"])

        def wait_store_S(s):
            pltpu.make_async_copy(
                s["obufS"],
                outT_hbm.at[pl.ds(0, D_EDGE + D_BLOCK), pl.ds(0, CHUNK)],
                s["osemS"]).wait()

        def store_D(es, s):
            pltpu.async_copy(
                s["obufD"],
                outT_hbm.at[pl.ds(D_EDGE + D_BLOCK, D_BLOCK), pl.ds(es, CHUNK)],
                s["osemD"])

        def wait_store_D(s):
            pltpu.make_async_copy(
                s["obufD"],
                outT_hbm.at[pl.ds(D_EDGE + D_BLOCK, D_BLOCK), pl.ds(0, CHUNK)],
                s["osemD"]).wait()

        def chunk_body(step, s, s_next, guarded):
            es = eoff(step)

            def waits_S():
                wait_store_S(s)
                wait_store_D(s)

            if guarded is True:
                waits_S()
            else:
                pl.when(guarded)(waits_S)

            pltpu.async_copy(
                attrT_hbm.at[:, pl.ds(es, CHUNK)],
                s["obufS"].at[pl.ds(0, D_EDGE), :], s["asem"])

            wait_gather(rows0, gsem0)
            fill_half(rows0, s["obufS"], D_EDGE, 0)
            gather(s["dl"], rows0, gsem0)
            wait_gather(rows1, gsem1)
            fill_half(rows1, s["obufS"], D_EDGE, HALF)
            gather(s["dh"], rows1, gsem1)
            pltpu.make_async_copy(
                attrT_hbm.at[:, pl.ds(0, CHUNK)],
                s["obufS"].at[pl.ds(0, D_EDGE), :], s["asem"]).wait()
            store_S(es, s)

            wait_gather(rows0, gsem0)
            fill_half(rows0, s["obufD"], 0, 0)
            wait_idx(s_next)
            gather(s_next["sl"], rows0, gsem0)
            wait_gather(rows1, gsem1)
            fill_half(rows1, s["obufD"], 0, HALF)
            gather(s_next["sh"], rows1, gsem1)
            store_D(es, s)

            issue_idx(step + 2, s)

        issue_idx(0, A)
        wait_idx(A)
        gather(A["sl"], rows0, gsem0)
        gather(A["sh"], rows1, gsem1)
        issue_idx(1, B)

        def body(k, carry):
            chunk_body(2 * k, A, B, k > 0)

            @pl.when(k < N_PAIRS)
            def _():
                chunk_body(2 * k + 1, B, A, k > 0)

            return carry

        lax.fori_loop(0, N_PAIRS + 1, body, 0)

        wait_gather(rows0, gsem0)
        wait_gather(rows1, gsem1)
        wait_idx(A)
        wait_store_S(A)
        wait_store_D(A)
        wait_store_S(B)
        wait_store_D(B)

    return router


_router = _make_router()


def kernel(block_input, raw_input, edge_attr, edge_index):
    del raw_input
    eidx_flat = edge_index.astype(jnp.int32).reshape(-1)
    outT = _router(block_input, edge_attr.T, eidx_flat)
    return outT.T

# --- scband reference (transcript-rebuilt; emitter-appended) ---
"""Pipeline reference for scband-generator-feature-router-55430847922655 (READ-ONLY COPY).

The authoritative reference and input builder live on the scoring server;
editing this copy changes nothing except your own understanding.
"""

import jax, jax.numpy as jnp
import numpy as np

N_NODES = 10000
N_EDGES = 320000
D_BLOCK = 128
D_EDGE = 16


def setup_inputs(seed: int = 0) -> dict:
    key = jax.random.key(seed)
    k1, k2, k3, k4 = jax.random.split(key, 4)
    block_input = jax.random.normal(k1, (N_NODES, D_BLOCK), dtype=jnp.float32)
    raw_input = jax.random.normal(k2, (N_NODES, D_BLOCK), dtype=jnp.float32)
    edge_attr = jax.random.normal(k3, (N_EDGES, D_EDGE), dtype=jnp.float32)
    edge_index = jax.random.randint(k4, (2, N_EDGES), 0, N_NODES, dtype=jnp.int64)
    return {
        "block_input": block_input,
        "raw_input": raw_input,
        "edge_attr": edge_attr,
        "edge_index": edge_index,
    }


def _edge_feature_expansion(node_feat, edge_attr, edge_index):
    # EdgeFeatureExpansion with default (empty) expansions: route node features
    # of both endpoints onto each edge and concatenate with raw edge attrs.
    src = edge_index[0]
    dst = edge_index[1]
    h_src = jnp.take(node_feat, src, axis=0)
    h_dst = jnp.take(node_feat, dst, axis=0)
    return jnp.concatenate([edge_attr, h_src, h_dst], axis=-1)


def reference(block_input, raw_input, edge_attr, edge_index):
    # input_source == 'block': node_feat comes from block_input; raw_input unused.
    return _edge_feature_expansion(block_input, edge_attr, edge_index)

if __name__ == "__main__":
    import jax
    _d = setup_inputs()
    print(jax.jit(kernel)(*tuple(_d.values())))

</pallas_src>

<mosaic_0001>
#map = affine_map<(d0, d1) -> (0, 0)>
#map1 = affine_map<(d0, d1) -> (0)>
module attributes {stable_mosaic.version = 14 : i64} {
  func.func @router(%arg0: i32, %arg1: i32, %arg2: memref<10000x128xf32, #tpu.memory_space<hbm>>, %arg3: memref<16x320000xf32, #tpu.memory_space<hbm>>, %arg4: memref<640000xi32, #tpu.memory_space<hbm>>, %arg5: memref<272x320000xf32, #tpu.memory_space<hbm>>, %arg6: memref<64xi32, #tpu.memory_space<vmem>>, %arg7: memref<64xi32, #tpu.memory_space<vmem>>, %arg8: memref<64xi32, #tpu.memory_space<vmem>>, %arg9: memref<64xi32, #tpu.memory_space<vmem>>, %arg10: memref<144x128xf32, #tpu.memory_space<vmem>>, %arg11: memref<128x128xf32, #tpu.memory_space<vmem>>, %arg12: memref<64xi32, #tpu.memory_space<vmem>>, %arg13: memref<64xi32, #tpu.memory_space<vmem>>, %arg14: memref<64xi32, #tpu.memory_space<vmem>>, %arg15: memref<64xi32, #tpu.memory_space<vmem>>, %arg16: memref<144x128xf32, #tpu.memory_space<vmem>>, %arg17: memref<128x128xf32, #tpu.memory_space<vmem>>, %arg18: memref<64x128xf32, #tpu.memory_space<vmem>>, %arg19: memref<64x128xf32, #tpu.memory_space<vmem>>, %arg20: memref<!tpu.dma_semaphore, #tpu.memory_space<semaphore_mem>>, %arg21: memref<!tpu.dma_semaphore, #tpu.memory_space<semaphore_mem>>, %arg22: memref<!tpu.dma_semaphore, #tpu.memory_space<semaphore_mem>>, %arg23: memref<!tpu.dma_semaphore, #tpu.memory_space<semaphore_mem>>, %arg24: memref<!tpu.dma_semaphore, #tpu.memory_space<semaphore_mem>>, %arg25: memref<!tpu.dma_semaphore, #tpu.memory_space<semaphore_mem>>, %arg26: memref<!tpu.dma_semaphore, #tpu.memory_space<semaphore_mem>>, %arg27: memref<!tpu.dma_semaphore, #tpu.memory_space<semaphore_mem>>, %arg28: memref<!tpu.dma_semaphore, #tpu.memory_space<semaphore_mem>>, %arg29: memref<!tpu.dma_semaphore, #tpu.memory_space<semaphore_mem>>) attributes {dimension_semantics = [#tpu.dimension_semantics<core_parallel>, #tpu.dimension_semantics<subcore_parallel>], iteration_bounds = array<i64: 2, 16>, scalar_prefetch = 0 : i64, scratch_operands = 24 : i64, tpu.core_type = #tpu.core_type<sc_vector_subcore>, window_params = [{transform_indices = #map}, {transform_indices = #map}, {transform_indices = #map1}, {transform_indices = #map}]} {
    %mul3A = arith.constant 2 : i32
    %mul3A_0 = arith.muli %arg1, %mul3A : i32
    %add3A = arith.addi %mul3A_0, %arg0 : i32
    %iota3A = tpu.iota {dimensions = array<i32: 0>} : vector<16xi32>
    %add3A_1 = arith.constant 0 : i32
    %add3A_2 = vector.broadcast %add3A_1 : i32 to vector<16xi32>
    %add3A_3 = arith.addi %iota3A, %add3A_2 : vector<16xi32>
    %and3A = arith.constant 15 : i32
    %and3A_4 = vector.broadcast %and3A : i32 to vector<16xi32>
    %and3A_5 = arith.andi %add3A_3, %and3A_4 : vector<16xi32>
    %add3A_6 = arith.constant 1 : i32
    %add3A_7 = vector.broadcast %add3A_6 : i32 to vector<16xi32>
    %add3A_8 = arith.addi %iota3A, %add3A_7 : vector<16xi32>
    %and3A_9 = arith.constant 15 : i32
    %and3A_10 = vector.broadcast %and3A_9 : i32 to vector<16xi32>
    %and3A_11 = arith.andi %add3A_8, %and3A_10 : vector<16xi32>
    %add3A_12 = arith.constant 2 : i32
    %add3A_13 = vector.broadcast %add3A_12 : i32 to vector<16xi32>
    %add3A_14 = arith.addi %iota3A, %add3A_13 : vector<16xi32>
    %and3A_15 = arith.constant 15 : i32
    %and3A_16 = vector.broadcast %and3A_15 : i32 to vector<16xi32>
    %and3A_17 = arith.andi %add3A_14, %and3A_16 : vector<16xi32>
    %add3A_18 = arith.constant 3 : i32
    %add3A_19 = vector.broadcast %add3A_18 : i32 to vector<16xi32>
    %add3A_20 = arith.addi %iota3A, %add3A_19 : vector<16xi32>
    %and3A_21 = arith.constant 15 : i32
    %and3A_22 = vector.broadcast %and3A_21 : i32 to vector<16xi32>
    %and3A_23 = arith.andi %add3A_20, %and3A_22 : vector<16xi32>
    %add3A_24 = arith.constant 4 : i32
    %add3A_25 = vector.broadcast %add3A_24 : i32 to vector<16xi32>
    %add3A_26 = arith.addi %iota3A, %add3A_25 : vector<16xi32>
    %and3A_27 = arith.constant 15 : i32
    %and3A_28 = vector.broadcast %and3A_27 : i32 to vector<16xi32>
    %and3A_29 = arith.andi %add3A_26, %and3A_28 : vector<16xi32>
    %add3A_30 = arith.constant 5 : i32
    %add3A_31 = vector.broadcast %add3A_30 : i32 to vector<16xi32>
    %add3A_32 = arith.addi %iota3A, %add3A_31 : vector<16xi32>
    %and3A_33 = arith.constant 15 : i32
    %and3A_34 = vector.broadcast %and3A_33 : i32 to vector<16xi32>
    %and3A_35 = arith.andi %add3A_32, %and3A_34 : vector<16xi32>
    %add3A_36 = arith.constant 6 : i32
    %add3A_37 = vector.broadcast %add3A_36 : i32 to vector<16xi32>
    %add3A_38 = arith.addi %iota3A, %add3A_37 : vector<16xi32>
    %and3A_39 = arith.constant 15 : i32
    %and3A_40 = vector.broadcast %and3A_39 : i32 to vector<16xi32>
    %and3A_41 = arith.andi %add3A_38, %and3A_40 : vector<16xi32>
    %add3A_42 = arith.constant 7 : i32
    %add3A_43 = vector.broadcast %add3A_42 : i32 to vector<16xi32>
    %add3A_44 = arith.addi %iota3A, %add3A_43 : vector<16xi32>
    %and3A_45 = arith.constant 15 : i32
    %and3A_46 = vector.broadcast %and3A_45 : i32 to vector<16xi32>
    %and3A_47 = arith.andi %add3A_44, %and3A_46 : vector<16xi32>
    %add3A_48 = arith.constant 8 : i32
    %add3A_49 = vector.broadcast %add3A_48 : i32 to vector<16xi32>
    %add3A_50 = arith.addi %iota3A, %add3A_49 : vector<16xi32>
    %and3A_51 = arith.constant 15 : i32
    %and3A_52 = vector.broadcast %and3A_51 : i32 to vector<16xi32>
    %and3A_53 = arith.andi %add3A_50, %and3A_52 : vector<16xi32>
    %add3A_54 = arith.constant 9 : i32
    %add3A_55 = vector.broadcast %add3A_54 : i32 to vector<16xi32>
    %add3A_56 = arith.addi %iota3A, %add3A_55 : vector<16xi32>
    %and3A_57 = arith.constant 15 : i32
    %and3A_58 = vector.broadcast %and3A_57 : i32 to vector<16xi32>
    %and3A_59 = arith.andi %add3A_56, %and3A_58 : vector<16xi32>
    %add3A_60 = arith.constant 10 : i32
    %add3A_61 = vector.broadcast %add3A_60 : i32 to vector<16xi32>
    %add3A_62 = arith.addi %iota3A, %add3A_61 : vector<16xi32>
    %and3A_63 = arith.constant 15 : i32
    %and3A_64 = vector.broadcast %and3A_63 : i32 to vector<16xi32>
    %and3A_65 = arith.andi %add3A_62, %and3A_64 : vector<16xi32>
    %add3A_66 = arith.constant 11 : i32
    %add3A_67 = vector.broadcast %add3A_66 : i32 to vector<16xi32>
    %add3A_68 = arith.addi %iota3A, %add3A_67 : vector<16xi32>
    %and3A_69 = arith.constant 15 : i32
    %and3A_70 = vector.broadcast %and3A_69 : i32 to vector<16xi32>
    %and3A_71 = arith.andi %add3A_68, %and3A_70 : vector<16xi32>
    %add3A_72 = arith.constant 12 : i32
    %add3A_73 = vector.broadcast %add3A_72 : i32 to vector<16xi32>
    %add3A_74 = arith.addi %iota3A, %add3A_73 : vector<16xi32>
    %and3A_75 = arith.constant 15 : i32
    %and3A_76 = vector.broadcast %and3A_75 : i32 to vector<16xi32>
    %and3A_77 = arith.andi %add3A_74, %and3A_76 : vector<16xi32>
    %add3A_78 = arith.constant 13 : i32
    %add3A_79 = vector.broadcast %add3A_78 : i32 to vector<16xi32>
    %add3A_80 = arith.addi %iota3A, %add3A_79 : vector<16xi32>
    %and3A_81 = arith.constant 15 : i32
    %and3A_82 = vector.broadcast %and3A_81 : i32 to vector<16xi32>
    %and3A_83 = arith.andi %add3A_80, %and3A_82 : vector<16xi32>
    %add3A_84 = arith.constant 14 : i32
    %add3A_85 = vector.broadcast %add3A_84 : i32 to vector<16xi32>
    %add3A_86 = arith.addi %iota3A, %add3A_85 : vector<16xi32>
    %and3A_87 = arith.constant 15 : i32
    %and3A_88 = vector.broadcast %and3A_87 : i32 to vector<16xi32>
    %and3A_89 = arith.andi %add3A_86, %and3A_88 : vector<16xi32>
    %add3A_90 = arith.constant 15 : i32
    %add3A_91 = vector.broadcast %add3A_90 : i32 to vector<16xi32>
    %add3A_92 = arith.addi %iota3A, %add3A_91 : vector<16xi32>
    %and3A_93 = arith.constant 15 : i32
    %and3A_94 = vector.broadcast %and3A_93 : i32 to vector<16xi32>
    %and3A_95 = arith.andi %add3A_92, %and3A_94 : vector<16xi32>
    %add3A_96 = arith.constant 0 : i32
    %add3A_97 = arith.addi %add3A, %add3A_96 : i32
    %lt3A = arith.constant 2500 : i32
    %lt3A_98 = arith.cmpi slt, %add3A_97, %lt3A : i32
    %sub3A = arith.constant 32 : i32
    %sub3A_99 = arith.subi %add3A_97, %sub3A : i32
    %select_n3A = arith.select %lt3A_98, %add3A_97, %sub3A_99 : i32
    %mul3A_100 = arith.constant 128 : i32
    %mul3A_101 = arith.muli %select_n3A, %mul3A_100 : i32
    %dma_start3A = tpu.memref_slice %arg4[%mul3A_101] : memref<640000xi32, #tpu.memory_space<hbm>> -> memref<64xi32, #tpu.memory_space<hbm>>
    %dma_start3A_102 = tpu.memref_slice %arg4[%mul3A_101] : memref<640000xi32, #tpu.memory_space<hbm>> -> memref<64xi32, #tpu.memory_space<hbm>>
    tpu.enqueue_dma source(%dma_start3A_102 : memref<64xi32, #tpu.memory_space<hbm>>) target(%arg6 : memref<64xi32, #tpu.memory_space<vmem>>) target_semaphore(%arg20 : memref<!tpu.dma_semaphore, #tpu.memory_space<semaphore_mem>>)
    %add3A_103 = arith.constant 64 : i32
    %add3A_104 = arith.addi %mul3A_101, %add3A_103 : i32
    %dma_start3A_105 = tpu.memref_slice %arg4[%add3A_104] : memref<640000xi32, #tpu.memory_space<hbm>> -> memref<64xi32, #tpu.memory_space<hbm>>
    %dma_start3A_106 = tpu.memref_slice %arg4[%add3A_104] : memref<640000xi32, #tpu.memory_space<hbm>> -> memref<64xi32, #tpu.memory_space<hbm>>
    tpu.enqueue_dma source(%dma_start3A_106 : memref<64xi32, #tpu.memory_space<hbm>>) target(%arg7 : memref<64xi32, #tpu.memory_space<vmem>>) target_semaphore(%arg20 : memref<!tpu.dma_semaphore, #tpu.memory_space<semaphore_mem>>)
    %add3A_107 = arith.constant 320000 : i32
    %add3A_108 = arith.addi %add3A_107, %mul3A_101 : i32
    %dma_start3A_109 = tpu.memref_slice %arg4[%add3A_108] : memref<640000xi32, #tpu.memory_space<hbm>> -> memref<64xi32, #tpu.memory_space<hbm>>
    %dma_start3A_110 = tpu.memref_slice %arg4[%add3A_108] : memref<640000xi32, #tpu.memory_space<hbm>> -> memref<64xi32, #tpu.memory_space<hbm>>
    tpu.enqueue_dma source(%dma_start3A_110 : memref<64xi32, #tpu.memory_space<hbm>>) target(%arg8 : memref<64xi32, #tpu.memory_space<vmem>>) target_semaphore(%arg20 : memref<!tpu.dma_semaphore, #tpu.memory_space<semaphore_mem>>)
    %add3A_111 = arith.constant 320000 : i32
    %add3A_112 = arith.addi %add3A_111, %mul3A_101 : i32
    %add3A_113 = arith.constant 64 : i32
    %add3A_114 = arith.addi %add3A_112, %add3A_113 : i32
    %dma_start3A_115 = tpu.memref_slice %arg4[%add3A_114] : memref<640000xi32, #tpu.memory_space<hbm>> -> memref<64xi32, #tpu.memory_space<hbm>>
    %dma_start3A_116 = tpu.memref_slice %arg4[%add3A_114] : memref<640000xi32, #tpu.memory_space<hbm>> -> memref<64xi32, #tpu.memory_space<hbm>>
    tpu.enqueue_dma source(%dma_start3A_116 : memref<64xi32, #tpu.memory_space<hbm>>) target(%arg9 : memref<64xi32, #tpu.memory_space<vmem>>) target_semaphore(%arg20 : memref<!tpu.dma_semaphore, #tpu.memory_space<semaphore_mem>>)
    %dma_wait3A = arith.constant 0 : i32
    %dma_wait3A_117 = tpu.memref_slice %arg4[%dma_wait3A] : memref<640000xi32, #tpu.memory_space<hbm>> -> memref<64xi32, #tpu.memory_space<hbm>>
    %dma_wait3A_118 = arith.constant 0 : i32
    %dma_wait3A_119 = tpu.memref_slice %arg4[%dma_wait3A_118] : memref<640000xi32, #tpu.memory_space<hbm>> -> memref<64xi32, #tpu.memory_space<hbm>>
    tpu.wait_dma2 semaphore(%arg20 : memref<!tpu.dma_semaphore, #tpu.memory_space<semaphore_mem>>) src(%dma_wait3A_119 : memref<64xi32, #tpu.memory_space<hbm>>) dst(%arg6 : memref<64xi32, #tpu.memory_space<vmem>>)
    %dma_wait3A_120 = arith.constant 0 : i32
    %dma_wait3A_121 = tpu.memref_slice %arg4[%dma_wait3A_120] : memref<640000xi32, #tpu.memory_space<hbm>> -> memref<64xi32, #tpu.memory_space<hbm>>
    %dma_wait3A_122 = arith.constant 0 : i32
    %dma_wait3A_123 = tpu.memref_slice %arg4[%dma_wait3A_122] : memref<640000xi32, #tpu.memory_space<hbm>> -> memref<64xi32, #tpu.memory_space<hbm>>
    tpu.wait_dma2 semaphore(%arg20 : memref<!tpu.dma_semaphore, #tpu.memory_space<semaphore_mem>>) src(%dma_wait3A_123 : memref<64xi32, #tpu.memory_space<hbm>>) dst(%arg6 : memref<64xi32, #tpu.memory_space<vmem>>)
    %dma_wait3A_124 = arith.constant 0 : i32
    %dma_wait3A_125 = tpu.memref_slice %arg4[%dma_wait3A_124] : memref<640000xi32, #tpu.memory_space<hbm>> -> memref<64xi32, #tpu.memory_space<hbm>>
    %dma_wait3A_126 = arith.constant 0 : i32
    %dma_wait3A_127 = tpu.memref_slice %arg4[%dma_wait3A_126] : memref<640000xi32, #tpu.memory_space<hbm>> -> memref<64xi32, #tpu.memory_space<hbm>>
    tpu.wait_dma2 semaphore(%arg20 : memref<!tpu.dma_semaphore, #tpu.memory_space<semaphore_mem>>) src(%dma_wait3A_127 : memref<64xi32, #tpu.memory_space<hbm>>) dst(%arg6 : memref<64xi32, #tpu.memory_space<vmem>>)
    %dma_wait3A_128 = arith.constant 0 : i32
    %dma_wait3A_129 = tpu.memref_slice %arg4[%dma_wait3A_128] : memref<640000xi32, #tpu.memory_space<hbm>> -> memref<64xi32, #tpu.memory_space<hbm>>
    %dma_wait3A_130 = arith.constant 0 : i32
    %dma_wait3A_131 = tpu.memref_slice %arg4[%dma_wait3A_130] : memref<640000xi32, #tpu.memory_space<hbm>> -> memref<64xi32, #tpu.memory_space<hbm>>
    tpu.wait_dma2 semaphore(%arg20 : memref<!tpu.dma_semaphore, #tpu.memory_space<semaphore_mem>>) src(%dma_wait3A_131 : memref<64xi32, #tpu.memory_space<hbm>>) dst(%arg6 : memref<64xi32, #tpu.memory_space<vmem>>)
    %dma_start3A_132 = arith.constant 0 : i32
    %dma_start3A_133 = arith.constant 0 : i32
    %dma_start3A_134 = tpu.memref_slice %arg2[%dma_start3A_132, %dma_start3A_133] : memref<10000x128xf32, #tpu.memory_space<hbm>> -> memref<10000x128xf32, #tpu.memory_space<hbm>>
    tpu.enqueue_indirect_dma source(%dma_start3A_134 : memref<10000x128xf32, #tpu.memory_space<hbm>>) target(%arg18 : memref<64x128xf32, #tpu.memory_space<vmem>>) offsets(%arg6 : memref<64xi32, #tpu.memory_space<vmem>>) semaphore(%arg28 : memref<!tpu.dma_semaphore, #tpu.memory_space<semaphore_mem>>)
    %dma_start3A_135 = arith.constant 0 : i32
    %dma_start3A_136 = arith.constant 0 : i32
    %dma_start3A_137 = tpu.memref_slice %arg2[%dma_start3A_135, %dma_start3A_136] : memref<10000x128xf32, #tpu.memory_space<hbm>> -> memref<10000x128xf32, #tpu.memory_space<hbm>>
    tpu.enqueue_indirect_dma source(%dma_start3A_137 : memref<10000x128xf32, #tpu.memory_space<hbm>>) target(%arg19 : memref<64x128xf32, #tpu.memory_space<vmem>>) offsets(%arg7 : memref<64xi32, #tpu.memory_space<vmem>>) semaphore(%arg29 : memref<!tpu.dma_semaphore, #tpu.memory_space<semaphore_mem>>)
    %add3A_138 = arith.constant 32 : i32
    %add3A_139 = arith.addi %add3A, %add3A_138 : i32
    %lt3A_140 = arith.constant 2500 : i32
    %lt3A_141 = arith.cmpi slt, %add3A_139, %lt3A_140 : i32
    %sub3A_142 = arith.constant 32 : i32
    %sub3A_143 = arith.subi %add3A_139, %sub3A_142 : i32
    %select_n3A_144 = arith.select %lt3A_141, %add3A_139, %sub3A_143 : i32
    %mul3A_145 = arith.constant 128 : i32
    %mul3A_146 = arith.muli %select_n3A_144, %mul3A_145 : i32
    %dma_start3A_147 = tpu.memref_slice %arg4[%mul3A_146] : memref<640000xi32, #tpu.memory_space<hbm>> -> memref<64xi32, #tpu.memory_space<hbm>>
    %dma_start3A_148 = tpu.memref_slice %arg4[%mul3A_146] : memref<640000xi32, #tpu.memory_space<hbm>> -> memref<64xi32, #tpu.memory_space<hbm>>
    tpu.enqueue_dma source(%dma_start3A_148 : memref<64xi32, #tpu.memory_space<hbm>>) target(%arg12 : memref<64xi32, #tpu.memory_space<vmem>>) target_semaphore(%arg21 : memref<!tpu.dma_semaphore, #tpu.memory_space<semaphore_mem>>)
    %add3A_149 = arith.constant 64 : i32
    %add3A_150 = arith.addi %mul3A_146, %add3A_149 : i32
    %dma_start3A_151 = tpu.memref_slice %arg4[%add3A_150] : memref<640000xi32, #tpu.memory_space<hbm>> -> memref<64xi32, #tpu.memory_space<hbm>>
    %dma_start3A_152 = tpu.memref_slice %arg4[%add3A_150] : memref<640000xi32, #tpu.memory_space<hbm>> -> memref<64xi32, #tpu.memory_space<hbm>>
    tpu.enqueue_dma source(%dma_start3A_152 : memref<64xi32, #tpu.memory_space<hbm>>) target(%arg13 : memref<64xi32, #tpu.memory_space<vmem>>) target_semaphore(%arg21 : memref<!tpu.dma_semaphore, #tpu.memory_space<semaphore_mem>>)
    %add3A_153 = arith.constant 320000 : i32
    %add3A_154 = arith.addi %add3A_153, %mul3A_146 : i32
    %dma_start3A_155 = tpu.memref_slice %arg4[%add3A_154] : memref<640000xi32, #tpu.memory_space<hbm>> -> memref<64xi32, #tpu.memory_space<hbm>>
    %dma_start3A_156 = tpu.memref_slice %arg4[%add3A_154] : memref<640000xi32, #tpu.memory_space<hbm>> -> memref<64xi32, #tpu.memory_space<hbm>>
    tpu.enqueue_dma source(%dma_start3A_156 : memref<64xi32, #tpu.memory_space<hbm>>) target(%arg14 : memref<64xi32, #tpu.memory_space<vmem>>) target_semaphore(%arg21 : memref<!tpu.dma_semaphore, #tpu.memory_space<semaphore_mem>>)
    %add3A_157 = arith.constant 320000 : i32
    %add3A_158 = arith.addi %add3A_157, %mul3A_146 : i32
    %add3A_159 = arith.constant 64 : i32
    %add3A_160 = arith.addi %add3A_158, %add3A_159 : i32
    %dma_start3A_161 = tpu.memref_slice %arg4[%add3A_160] : memref<640000xi32, #tpu.memory_space<hbm>> -> memref<64xi32, #tpu.memory_space<hbm>>
    %dma_start3A_162 = tpu.memref_slice %arg4[%add3A_160] : memref<640000xi32, #tpu.memory_space<hbm>> -> memref<64xi32, #tpu.memory_space<hbm>>
    tpu.enqueue_dma source(%dma_start3A_162 : memref<64xi32, #tpu.memory_space<hbm>>) target(%arg15 : memref<64xi32, #tpu.memory_space<vmem>>) target_semaphore(%arg21 : memref<!tpu.dma_semaphore, #tpu.memory_space<semaphore_mem>>)
    %scan3A = arith.constant 0 : i32
    %scan3A_163 = arith.constant 0 : i32
    %scan3A_164 = arith.constant 40 : i32
    %scan3A_165 = arith.addi %scan3A_163, %scan3A_164 : i32
    %scan3A_166 = arith.constant 1 : i32
    scf.for %scan3A_214 = %scan3A_163 to %scan3A_165 step %scan3A_166  : i32 {
      %mul3A_215 = arith.constant 2 : i32
      %mul3A_216 = arith.muli %mul3A_215, %scan3A_214 : i32
      %gt3A = arith.constant 0 : i32
      %gt3A_217 = arith.cmpi sgt, %scan3A_214, %gt3A : i32
      %mul3A_218 = arith.constant 32 : i32
      %mul3A_219 = arith.muli %mul3A_218, %mul3A_216 : i32
      %add3A_220 = arith.addi %add3A, %mul3A_219 : i32
      %lt3A_221 = arith.constant 2500 : i32
      %lt3A_222 = arith.cmpi slt, %add3A_220, %lt3A_221 : i32
      %sub3A_223 = arith.constant 32 : i32
      %sub3A_224 = arith.subi %add3A_220, %sub3A_223 : i32
      %select_n3A_225 = arith.select %lt3A_222, %add3A_220, %sub3A_224 : i32
      %mul3A_226 = arith.constant 128 : i32
      %mul3A_227 = arith.muli %select_n3A_225, %mul3A_226 : i32
      %convert_element_type3A = arith.extui %gt3A_217 : i1 to i32
      %cond3A = arith.constant 0 : i32
      %cond3A_228 = arith.cmpi ne, %convert_element_type3A, %cond3A : i32
      scf.if %cond3A_228 {
        %dma_wait3A_363 = arith.constant 0 : i32
        %dma_wait3A_364 = arith.constant 0 : i32
        %dma_wait3A_365 = tpu.memref_slice %arg5[%dma_wait3A_363, %dma_wait3A_364] : memref<272x320000xf32, #tpu.memory_space<hbm>> -> memref<144x128xf32, #tpu.memory_space<hbm>>
        %dma_wait3A_366 = arith.constant 0 : i32
        %dma_wait3A_367 = arith.constant 0 : i32
        %dma_wait3A_368 = tpu.memref_slice %arg5[%dma_wait3A_366, %dma_wait3A_367] : memref<272x320000xf32, #tpu.memory_space<hbm>> -> memref<144x128xf32, #tpu.memory_space<hbm>>
        tpu.wait_dma2 semaphore(%arg24 : memref<!tpu.dma_semaphore, #tpu.memory_space<semaphore_mem>>) src(%arg10 : memref<144x128xf32, #tpu.memory_space<vmem>>) dst(%dma_wait3A_368 : memref<144x128xf32, #tpu.memory_space<hbm>>)
        %dma_wait3A_369 = arith.constant 144 : i32
        %dma_wait3A_370 = arith.constant 0 : i32
        %dma_wait3A_371 = tpu.memref_slice %arg5[%dma_wait3A_369, %dma_wait3A_370] : memref<272x320000xf32, #tpu.memory_space<hbm>> -> memref<128x128xf32, #tpu.memory_space<hbm>>
        %dma_wait3A_372 = arith.constant 144 : i32
        %dma_wait3A_373 = arith.constant 0 : i32
        %dma_wait3A_374 = tpu.memref_slice %arg5[%dma_wait3A_372, %dma_wait3A_373] : memref<272x320000xf32, #tpu.memory_space<hbm>> -> memref<128x128xf32, #tpu.memory_space<hbm>>
        tpu.wait_dma2 semaphore(%arg26 : memref<!tpu.dma_semaphore, #tpu.memory_space<semaphore_mem>>) src(%arg11 : memref<128x128xf32, #tpu.memory_space<vmem>>) dst(%dma_wait3A_374 : memref<128x128xf32, #tpu.memory_space<hbm>>)
      } else {
      }
      %dma_start3A_229 = arith.constant 0 : i32
      %dma_start3A_230 = arith.constant 0 : i32
      %dma_start3A_231 = tpu.memref_slice %arg10[%dma_start3A_229, %dma_start3A_230] : memref<144x128xf32, #tpu.memory_space<vmem>> -> memref<16x128xf32, #tpu.memory_space<vmem>>
      %dma_start3A_232 = arith.constant 0 : i32
      %dma_start3A_233 = tpu.memref_slice %arg3[%dma_start3A_232, %mul3A_227] : memref<16x320000xf32, #tpu.memory_space<hbm>> -> memref<16x128xf32, #tpu.memory_space<hbm>>
      %dma_start3A_234 = arith.constant 0 : i32
      %dma_start3A_235 = arith.constant 0 : i32
      %dma_start3A_236 = tpu.memref_slice %arg10[%dma_start3A_234, %dma_start3A_235] : memref<144x128xf32, #tpu.memory_space<vmem>> -> memref<16x128xf32, #tpu.memory_space<vmem>>
      %dma_start3A_237 = arith.constant 0 : i32
      %dma_start3A_238 = tpu.memref_slice %arg3[%dma_start3A_237, %mul3A_227] : memref<16x320000xf32, #tpu.memory_space<hbm>> -> memref<16x128xf32, #tpu.memory_space<hbm>>
      tpu.enqueue_dma source(%dma_start3A_238 : memref<16x128xf32, #tpu.memory_space<hbm>>) target(%dma_start3A_236 : memref<16x128xf32, #tpu.memory_space<vmem>>) target_semaphore(%arg22 : memref<!tpu.dma_semaphore, #tpu.memory_space<semaphore_mem>>)
      %dma_wait3A_239 = arith.constant 0 : i32
      %dma_wait3A_240 = arith.constant 0 : i32
      %dma_wait3A_241 = tpu.memref_slice %arg2[%dma_wait3A_239, %dma_wait3A_240] : memref<10000x128xf32, #tpu.memory_space<hbm>> -> memref<10000x128xf32, #tpu.memory_space<hbm>>
      tpu.wait_indirect_dma semaphore(%arg28 : memref<!tpu.dma_semaphore, #tpu.memory_space<semaphore_mem>>) src(%dma_wait3A_241 : memref<10000x128xf32, #tpu.memory_space<hbm>>) dst(%arg18 : memref<64x128xf32, #tpu.memory_space<vmem>>)
      %broadcast_in_dim3A = arith.constant 16 : i32
      %broadcast_in_dim3A_242 = vector.broadcast %broadcast_in_dim3A : i32 to vector<16xi32>
      %scan3A_243 = arith.constant 0 : i32
      %scan3A_244 = arith.constant 0 : i32
      %scan3A_245 = arith.constant 8 : i32
      %scan3A_246 = arith.addi %scan3A_244, %scan3A_245 : i32
      %scan3A_247 = arith.constant 1 : i32
      scf.for %scan3A_363 = %scan3A_244 to %scan3A_246 step %scan3A_247  : i32 {
        %mul3A_364 = arith.constant 16 : i32
        %mul3A_365 = arith.muli %scan3A_363, %mul3A_364 : i32
        %broadcast_in_dim3A_366 = vector.broadcast %mul3A_365 : i32 to vector<16xi32>
        %add3A_367 = arith.addi %broadcast_in_dim3A_366, %and3A_5 : vector<16xi32>
        %broadcast_in_dim3A_368 = vector.broadcast %mul3A_365 : i32 to vector<16xi32>
        %add3A_369 = arith.addi %broadcast_in_dim3A_368, %and3A_11 : vector<16xi32>
        %broadcast_in_dim3A_370 = vector.broadcast %mul3A_365 : i32 to vector<16xi32>
        %add3A_371 = arith.addi %broadcast_in_dim3A_370, %and3A_17 : vector<16xi32>
        %broadcast_in_dim3A_372 = vector.broadcast %mul3A_365 : i32 to vector<16xi32>
        %add3A_373 = arith.addi %broadcast_in_dim3A_372, %and3A_23 : vector<16xi32>
        %broadcast_in_dim3A_374 = vector.broadcast %mul3A_365 : i32 to vector<16xi32>
        %add3A_375 = arith.addi %broadcast_in_dim3A_374, %and3A_29 : vector<16xi32>
        %broadcast_in_dim3A_376 = vector.broadcast %mul3A_365 : i32 to vector<16xi32>
        %add3A_377 = arith.addi %broadcast_in_dim3A_376, %and3A_35 : vector<16xi32>
        %broadcast_in_dim3A_378 = vector.broadcast %mul3A_365 : i32 to vector<16xi32>
        %add3A_379 = arith.addi %broadcast_in_dim3A_378, %and3A_41 : vector<16xi32>
        %broadcast_in_dim3A_380 = vector.broadcast %mul3A_365 : i32 to vector<16xi32>
        %add3A_381 = arith.addi %broadcast_in_dim3A_380, %and3A_47 : vector<16xi32>
        %broadcast_in_dim3A_382 = vector.broadcast %mul3A_365 : i32 to vector<16xi32>
        %add3A_383 = arith.addi %broadcast_in_dim3A_382, %and3A_53 : vector<16xi32>
        %broadcast_in_dim3A_384 = vector.broadcast %mul3A_365 : i32 to vector<16xi32>
        %add3A_385 = arith.addi %broadcast_in_dim3A_384, %and3A_59 : vector<16xi32>
        %broadcast_in_dim3A_386 = vector.broadcast %mul3A_365 : i32 to vector<16xi32>
        %add3A_387 = arith.addi %broadcast_in_dim3A_386, %and3A_65 : vector<16xi32>
        %broadcast_in_dim3A_388 = vector.broadcast %mul3A_365 : i32 to vector<16xi32>
        %add3A_389 = arith.addi %broadcast_in_dim3A_388, %and3A_71 : vector<16xi32>
        %broadcast_in_dim3A_390 = vector.broadcast %mul3A_365 : i32 to vector<16xi32>
        %add3A_391 = arith.addi %broadcast_in_dim3A_390, %and3A_77 : vector<16xi32>
        %broadcast_in_dim3A_392 = vector.broadcast %mul3A_365 : i32 to vector<16xi32>
        %add3A_393 = arith.addi %broadcast_in_dim3A_392, %and3A_83 : vector<16xi32>
        %broadcast_in_dim3A_394 = vector.broadcast %mul3A_365 : i32 to vector<16xi32>
        %add3A_395 = arith.addi %broadcast_in_dim3A_394, %and3A_89 : vector<16xi32>
        %broadcast_in_dim3A_396 = vector.broadcast %mul3A_365 : i32 to vector<16xi32>
        %add3A_397 = arith.addi %broadcast_in_dim3A_396, %and3A_95 : vector<16xi32>
        %scan3A_398 = arith.constant 0 : i32
        %scan3A_399 = arith.constant 0 : i32
        %scan3A_400 = arith.constant 4 : i32
        %scan3A_401 = arith.addi %scan3A_399, %scan3A_400 : i32
        %scan3A_402 = arith.constant 1 : i32
        scf.for %scan3A_404 = %scan3A_399 to %scan3A_401 step %scan3A_402  : i32 {
          %mul3A_405 = arith.constant 16 : i32
          %mul3A_406 = arith.muli %scan3A_404, %mul3A_405 : i32
          %broadcast_in_dim3A_407 = vector.broadcast %mul3A_406 : i32 to vector<16xi32>
          %add3A_408 = arith.addi %broadcast_in_dim3A_407, %iota3A : vector<16xi32>
          %add3A_409 = arith.constant 0 : i32
          %add3A_410 = arith.addi %add3A_409, %mul3A_406 : i32
          %broadcast_in_dim3A_411 = vector.broadcast %add3A_410 : i32 to vector<16xi32>
          %add3A_412 = arith.addi %broadcast_in_dim3A_411, %iota3A : vector<16xi32>
          %gather3A = tpu.vector_load_idx %arg18[%add3A_408, %add3A_367] : memref<64x128xf32, #tpu.memory_space<vmem>>[vector<16xi32>, vector<16xi32>], vector<16xf32>,
          %add3A_413 = arith.addi %add3A_367, %broadcast_in_dim3A_242 : vector<16xi32>
          tpu.vector_store_idx %arg10[%add3A_413, %add3A_412], %gather3A : memref<144x128xf32, #tpu.memory_space<vmem>>[vector<16xi32>, vector<16xi32>], vector<16xf32>,
          %gather3A_414 = tpu.vector_load_idx %arg18[%add3A_408, %add3A_369] : memref<64x128xf32, #tpu.memory_space<vmem>>[vector<16xi32>, vector<16xi32>], vector<16xf32>,
          %add3A_415 = arith.addi %add3A_369, %broadcast_in_dim3A_242 : vector<16xi32>
          tpu.vector_store_idx %arg10[%add3A_415, %add3A_412], %gather3A_414 : memref<144x128xf32, #tpu.memory_space<vmem>>[vector<16xi32>, vector<16xi32>], vector<16xf32>,
          %gather3A_416 = tpu.vector_load_idx %arg18[%add3A_408, %add3A_371] : memref<64x128xf32, #tpu.memory_space<vmem>>[vector<16xi32>, vector<16xi32>], vector<16xf32>,
          %add3A_417 = arith.addi %add3A_371, %broadcast_in_dim3A_242 : vector<16xi32>
          tpu.vector_store_idx %arg10[%add3A_417, %add3A_412], %gather3A_416 : memref<144x128xf32, #tpu.memory_space<vmem>>[vector<16xi32>, vector<16xi32>], vector<16xf32>,
          %gather3A_418 = tpu.vector_load_idx %arg18[%add3A_408, %add3A_373] : memref<64x128xf32, #tpu.memory_space<vmem>>[vector<16xi32>, vector<16xi32>], vector<16xf32>,
          %add3A_419 = arith.addi %add3A_373, %broadcast_in_dim3A_242 : vector<16xi32>
          tpu.vector_store_idx %arg10[%add3A_419, %add3A_412], %gather3A_418 : memref<144x128xf32, #tpu.memory_space<vmem>>[vector<16xi32>, vector<16xi32>], vector<16xf32>,
          %gather3A_420 = tpu.vector_load_idx %arg18[%add3A_408, %add3A_375] : memref<64x128xf32, #tpu.memory_space<vmem>>[vector<16xi32>, vector<16xi32>], vector<16xf32>,
          %add3A_421 = arith.addi %add3A_375, %broadcast_in_dim3A_242 : vector<16xi32>
          tpu.vector_store_idx %arg10[%add3A_421, %add3A_412], %gather3A_420 : memref<144x128xf32, #tpu.memory_space<vmem>>[vector<16xi32>, vector<16xi32>], vector<16xf32>,
          %gather3A_422 = tpu.vector_load_idx %arg18[%add3A_408, %add3A_377] : memref<64x128xf32, #tpu.memory_space<vmem>>[vector<16xi32>, vector<16xi32>], vector<16xf32>,
          %add3A_423 = arith.addi %add3A_377, %broadcast_in_dim3A_242 : vector<16xi32>
          tpu.vector_store_idx %arg10[%add3A_423, %add3A_412], %gather3A_422 : memref<144x128xf32, #tpu.memory_space<vmem>>[vector<16xi32>, vector<16xi32>], vector<16xf32>,
          %gather3A_424 = tpu.vector_load_idx %arg18[%add3A_408, %add3A_379] : memref<64x128xf32, #tpu.memory_space<vmem>>[vector<16xi32>, vector<16xi32>], vector<16xf32>,
          %add3A_425 = arith.addi %add3A_379, %broadcast_in_dim3A_242 : vector<16xi32>
          tpu.vector_store_idx %arg10[%add3A_425, %add3A_412], %gather3A_424 : memref<144x128xf32, #tpu.memory_space<vmem>>[vector<16xi32>, vector<16xi32>], vector<16xf32>,
          %gather3A_426 = tpu.vector_load_idx %arg18[%add3A_408, %add3A_381] : memref<64x128xf32, #tpu.memory_space<vmem>>[vector<16xi32>, vector<16xi32>], vector<16xf32>,
          %add3A_427 = arith.addi %add3A_381, %broadcast_in_dim3A_242 : vector<16xi32>
          tpu.vector_store_idx %arg10[%add3A_427, %add3A_412], %gather3A_426 : memref<144x128xf32, #tpu.memory_space<vmem>>[vector<16xi32>, vector<16xi32>], vector<16xf32>,
          %gather3A_428 = tpu.vector_load_idx %arg18[%add3A_408, %add3A_383] : memref<64x128xf32, #tpu.memory_space<vmem>>[vector<16xi32>, vector<16xi32>], vector<16xf32>,
          %add3A_429 = arith.addi %add3A_383, %broadcast_in_dim3A_242 : vector<16xi32>
          tpu.vector_store_idx %arg10[%add3A_429, %add3A_412], %gather3A_428 : memref<144x128xf32, #tpu.memory_space<vmem>>[vector<16xi32>, vector<16xi32>], vector<16xf32>,
          %gather3A_430 = tpu.vector_load_idx %arg18[%add3A_408, %add3A_385] : memref<64x128xf32, #tpu.memory_space<vmem>>[vector<16xi32>, vector<16xi32>], vector<16xf32>,
          %add3A_431 = arith.addi %add3A_385, %broadcast_in_dim3A_242 : vector<16xi32>
          tpu.vector_store_idx %arg10[%add3A_431, %add3A_412], %gather3A_430 : memref<144x128xf32, #tpu.memory_space<vmem>>[vector<16xi32>, vector<16xi32>], vector<16xf32>,
          %gather3A_432 = tpu.vector_load_idx %arg18[%add3A_408, %add3A_387] : memref<64x128xf32, #tpu.memory_space<vmem>>[vector<16xi32>, vector<16xi32>], vector<16xf32>,
          %add3A_433 = arith.addi %add3A_387, %broadcast_in_dim3A_242 : vector<16xi32>
          tpu.vector_store_idx %arg10[%add3A_433, %add3A_412], %gather3A_432 : memref<144x128xf32, #tpu.memory_space<vmem>>[vector<16xi32>, vector<16xi32>], vector<16xf32>,
          %gather3A_434 = tpu.vector_load_idx %arg18[%add3A_408, %add3A_389] : memref<64x128xf32, #tpu.memory_space<vmem>>[vector<16xi32>, vector<16xi32>], vector<16xf32>,
          %add3A_435 = arith.addi %add3A_389, %broadcast_in_dim3A_242 : vector<16xi32>
          tpu.vector_store_idx %arg10[%add3A_435, %add3A_412], %gather3A_434 : memref<144x128xf32, #tpu.memory_space<vmem>>[vector<16xi32>, vector<16xi32>], vector<16xf32>,
          %gather3A_436 = tpu.vector_load_idx %arg18[%add3A_408, %add3A_391] : memref<64x128xf32, #tpu.memory_space<vmem>>[vector<16xi32>, vector<16xi32>], vector<16xf32>,
          %add3A_437 = arith.addi %add3A_391, %broadcast_in_dim3A_242 : vector<16xi32>
          tpu.vector_store_idx %arg10[%add3A_437, %add3A_412], %gather3A_436 : memref<144x128xf32, #tpu.memory_space<vmem>>[vector<16xi32>, vector<16xi32>], vector<16xf32>,
          %gather3A_438 = tpu.vector_load_idx %arg18[%add3A_408, %add3A_393] : memref<64x128xf32, #tpu.memory_space<vmem>>[vector<16xi32>, vector<16xi32>], vector<16xf32>,
          %add3A_439 = arith.addi %add3A_393, %broadcast_in_dim3A_242 : vector<16xi32>
          tpu.vector_store_idx %arg10[%add3A_439, %add3A_412], %gather3A_438 : memref<144x128xf32, #tpu.memory_space<vmem>>[vector<16xi32>, vector<16xi32>], vector<16xf32>,
          %gather3A_440 = tpu.vector_load_idx %arg18[%add3A_408, %add3A_395] : memref<64x128xf32, #tpu.memory_space<vmem>>[vector<16xi32>, vector<16xi32>], vector<16xf32>,
          %add3A_441 = arith.addi %add3A_395, %broadcast_in_dim3A_242 : vector<16xi32>
          tpu.vector_store_idx %arg10[%add3A_441, %add3A_412], %gather3A_440 : memref<144x128xf32, #tpu.memory_space<vmem>>[vector<16xi32>, vector<16xi32>], vector<16xf32>,
          %gather3A_442 = tpu.vector_load_idx %arg18[%add3A_408, %add3A_397] : memref<64x128xf32, #tpu.memory_space<vmem>>[vector<16xi32>, vector<16xi32>], vector<16xf32>,
          %add3A_443 = arith.addi %add3A_397, %broadcast_in_dim3A_242 : vector<16xi32>
          tpu.vector_store_idx %arg10[%add3A_443, %add3A_412], %gather3A_442 : memref<144x128xf32, #tpu.memory_space<vmem>>[vector<16xi32>, vector<16xi32>], vector<16xf32>,
        }
        %scan3A_403 = arith.constant 4 : i32
      }
      %scan3A_248 = arith.constant 8 : i32
      %dma_start3A_249 = arith.constant 0 : i32
      %dma_start3A_250 = arith.constant 0 : i32
      %dma_start3A_251 = tpu.memref_slice %arg2[%dma_start3A_249, %dma_start3A_250] : memref<10000x128xf32, #tpu.memory_space<hbm>> -> memref<10000x128xf32, #tpu.memory_space<hbm>>
      tpu.enqueue_indirect_dma source(%dma_start3A_251 : memref<10000x128xf32, #tpu.memory_space<hbm>>) target(%arg18 : memref<64x128xf32, #tpu.memory_space<vmem>>) offsets(%arg8 : memref<64xi32, #tpu.memory_space<vmem>>) semaphore(%arg28 : memref<!tpu.dma_semaphore, #tpu.memory_space<semaphore_mem>>)
      %dma_wait3A_252 = arith.constant 0 : i32
      %dma_wait3A_253 = arith.constant 0 : i32
      %dma_wait3A_254 = tpu.memref_slice %arg2[%dma_wait3A_252, %dma_wait3A_253] : memref<10000x128xf32, #tpu.memory_space<hbm>> -> memref<10000x128xf32, #tpu.memory_space<hbm>>
      tpu.wait_indirect_dma semaphore(%arg29 : memref<!tpu.dma_semaphore, #tpu.memory_space<semaphore_mem>>) src(%dma_wait3A_254 : memref<10000x128xf32, #tpu.memory_space<hbm>>) dst(%arg19 : memref<64x128xf32, #tpu.memory_space<vmem>>)
      %broadcast_in_dim3A_255 = arith.constant 16 : i32
      %broadcast_in_dim3A_256 = vector.broadcast %broadcast_in_dim3A_255 : i32 to vector<16xi32>
      %scan3A_257 = arith.constant 0 : i32
      %scan3A_258 = arith.constant 0 : i32
      %scan3A_259 = arith.constant 8 : i32
      %scan3A_260 = arith.addi %scan3A_258, %scan3A_259 : i32
      %scan3A_261 = arith.constant 1 : i32
      scf.for %scan3A_363 = %scan3A_258 to %scan3A_260 step %scan3A_261  : i32 {
        %mul3A_364 = arith.constant 16 : i32
        %mul3A_365 = arith.muli %scan3A_363, %mul3A_364 : i32
        %broadcast_in_dim3A_366 = vector.broadcast %mul3A_365 : i32 to vector<16xi32>
        %add3A_367 = arith.addi %broadcast_in_dim3A_366, %and3A_5 : vector<16xi32>
        %broadcast_in_dim3A_368 = vector.broadcast %mul3A_365 : i32 to vector<16xi32>
        %add3A_369 = arith.addi %broadcast_in_dim3A_368, %and3A_11 : vector<16xi32>
        %broadcast_in_dim3A_370 = vector.broadcast %mul3A_365 : i32 to vector<16xi32>
        %add3A_371 = arith.addi %broadcast_in_dim3A_370, %and3A_17 : vector<16xi32>
        %broadcast_in_dim3A_372 = vector.broadcast %mul3A_365 : i32 to vector<16xi32>
        %add3A_373 = arith.addi %broadcast_in_dim3A_372, %and3A_23 : vector<16xi32>
        %broadcast_in_dim3A_374 = vector.broadcast %mul3A_365 : i32 to vector<16xi32>
        %add3A_375 = arith.addi %broadcast_in_dim3A_374, %and3A_29 : vector<16xi32>
        %broadcast_in_dim3A_376 = vector.broadcast %mul3A_365 : i32 to vector<16xi32>
        %add3A_377 = arith.addi %broadcast_in_dim3A_376, %and3A_35 : vector<16xi32>
        %broadcast_in_dim3A_378 = vector.broadcast %mul3A_365 : i32 to vector<16xi32>
        %add3A_379 = arith.addi %broadcast_in_dim3A_378, %and3A_41 : vector<16xi32>
        %broadcast_in_dim3A_380 = vector.broadcast %mul3A_365 : i32 to vector<16xi32>
        %add3A_381 = arith.addi %broadcast_in_dim3A_380, %and3A_47 : vector<16xi32>
        %broadcast_in_dim3A_382 = vector.broadcast %mul3A_365 : i32 to vector<16xi32>
        %add3A_383 = arith.addi %broadcast_in_dim3A_382, %and3A_53 : vector<16xi32>
        %broadcast_in_dim3A_384 = vector.broadcast %mul3A_365 : i32 to vector<16xi32>
        %add3A_385 = arith.addi %broadcast_in_dim3A_384, %and3A_59 : vector<16xi32>
        %broadcast_in_dim3A_386 = vector.broadcast %mul3A_365 : i32 to vector<16xi32>
        %add3A_387 = arith.addi %broadcast_in_dim3A_386, %and3A_65 : vector<16xi32>
        %broadcast_in_dim3A_388 = vector.broadcast %mul3A_365 : i32 to vector<16xi32>
        %add3A_389 = arith.addi %broadcast_in_dim3A_388, %and3A_71 : vector<16xi32>
        %broadcast_in_dim3A_390 = vector.broadcast %mul3A_365 : i32 to vector<16xi32>
        %add3A_391 = arith.addi %broadcast_in_dim3A_390, %and3A_77 : vector<16xi32>
        %broadcast_in_dim3A_392 = vector.broadcast %mul3A_365 : i32 to vector<16xi32>
        %add3A_393 = arith.addi %broadcast_in_dim3A_392, %and3A_83 : vector<16xi32>
        %broadcast_in_dim3A_394 = vector.broadcast %mul3A_365 : i32 to vector<16xi32>
        %add3A_395 = arith.addi %broadcast_in_dim3A_394, %and3A_89 : vector<16xi32>
        %broadcast_in_dim3A_396 = vector.broadcast %mul3A_365 : i32 to vector<16xi32>
        %add3A_397 = arith.addi %broadcast_in_dim3A_396, %and3A_95 : vector<16xi32>
        %scan3A_398 = arith.constant 0 : i32
        %scan3A_399 = arith.constant 0 : i32
        %scan3A_400 = arith.constant 4 : i32
        %scan3A_401 = arith.addi %scan3A_399, %scan3A_400 : i32
        %scan3A_402 = arith.constant 1 : i32
        scf.for %scan3A_404 = %scan3A_399 to %scan3A_401 step %scan3A_402  : i32 {
          %mul3A_405 = arith.constant 16 : i32
          %mul3A_406 = arith.muli %scan3A_404, %mul3A_405 : i32
          %broadcast_in_dim3A_407 = vector.broadcast %mul3A_406 : i32 to vector<16xi32>
          %add3A_408 = arith.addi %broadcast_in_dim3A_407, %iota3A : vector<16xi32>
          %add3A_409 = arith.constant 64 : i32
          %add3A_410 = arith.addi %add3A_409, %mul3A_406 : i32
          %broadcast_in_dim3A_411 = vector.broadcast %add3A_410 : i32 to vector<16xi32>
          %add3A_412 = arith.addi %broadcast_in_dim3A_411, %iota3A : vector<16xi32>
          %gather3A = tpu.vector_load_idx %arg19[%add3A_408, %add3A_367] : memref<64x128xf32, #tpu.memory_space<vmem>>[vector<16xi32>, vector<16xi32>], vector<16xf32>,
          %add3A_413 = arith.addi %add3A_367, %broadcast_in_dim3A_256 : vector<16xi32>
          tpu.vector_store_idx %arg10[%add3A_413, %add3A_412], %gather3A : memref<144x128xf32, #tpu.memory_space<vmem>>[vector<16xi32>, vector<16xi32>], vector<16xf32>,
          %gather3A_414 = tpu.vector_load_idx %arg19[%add3A_408, %add3A_369] : memref<64x128xf32, #tpu.memory_space<vmem>>[vector<16xi32>, vector<16xi32>], vector<16xf32>,
          %add3A_415 = arith.addi %add3A_369, %broadcast_in_dim3A_256 : vector<16xi32>
          tpu.vector_store_idx %arg10[%add3A_415, %add3A_412], %gather3A_414 : memref<144x128xf32, #tpu.memory_space<vmem>>[vector<16xi32>, vector<16xi32>], vector<16xf32>,
          %gather3A_416 = tpu.vector_load_idx %arg19[%add3A_408, %add3A_371] : memref<64x128xf32, #tpu.memory_space<vmem>>[vector<16xi32>, vector<16xi32>], vector<16xf32>,
          %add3A_417 = arith.addi %add3A_371, %broadcast_in_dim3A_256 : vector<16xi32>
          tpu.vector_store_idx %arg10[%add3A_417, %add3A_412], %gather3A_416 : memref<144x128xf32, #tpu.memory_space<vmem>>[vector<16xi32>, vector<16xi32>], vector<16xf32>,
          %gather3A_418 = tpu.vector_load_idx %arg19[%add3A_408, %add3A_373] : memref<64x128xf32, #tpu.memory_space<vmem>>[vector<16xi32>, vector<16xi32>], vector<16xf32>,
          %add3A_419 = arith.addi %add3A_373, %broadcast_in_dim3A_256 : vector<16xi32>
          tpu.vector_store_idx %arg10[%add3A_419, %add3A_412], %gather3A_418 : memref<144x128xf32, #tpu.memory_space<vmem>>[vector<16xi32>, vector<16xi32>], vector<16xf32>,
          %gather3A_420 = tpu.vector_load_idx %arg19[%add3A_408, %add3A_375] : memref<64x128xf32, #tpu.memory_space<vmem>>[vector<16xi32>, vector<16xi32>], vector<16xf32>,
          %add3A_421 = arith.addi %add3A_375, %broadcast_in_dim3A_256 : vector<16xi32>
          tpu.vector_store_idx %arg10[%add3A_421, %add3A_412], %gather3A_420 : memref<144x128xf32, #tpu.memory_space<vmem>>[vector<16xi32>, vector<16xi32>], vector<16xf32>,
          %gather3A_422 = tpu.vector_load_idx %arg19[%add3A_408, %add3A_377] : memref<64x128xf32, #tpu.memory_space<vmem>>[vector<16xi32>, vector<16xi32>], vector<16xf32>,
          %add3A_423 = arith.addi %add3A_377, %broadcast_in_dim3A_256 : vector<16xi32>
          tpu.vector_store_idx %arg10[%add3A_423, %add3A_412], %gather3A_422 : memref<144x128xf32, #tpu.memory_space<vmem>>[vector<16xi32>, vector<16xi32>], vector<16xf32>,
          %gather3A_424 = tpu.vector_load_idx %arg19[%add3A_408, %add3A_379] : memref<64x128xf32, #tpu.memory_space<vmem>>[vector<16xi32>, vector<16xi32>], vector<16xf32>,
          %add3A_425 = arith.addi %add3A_379, %broadcast_in_dim3A_256 : vector<16xi32>
          tpu.vector_store_idx %arg10[%add3A_425, %add3A_412], %gather3A_424 : memref<144x128xf32, #tpu.memory_space<vmem>>[vector<16xi32>, vector<16xi32>], vector<16xf32>,
          %gather3A_426 = tpu.vector_load_idx %arg19[%add3A_408, %add3A_381] : memref<64x128xf32, #tpu.memory_space<vmem>>[vector<16xi32>, vector<16xi32>], vector<16xf32>,
          %add3A_427 = arith.addi %add3A_381, %broadcast_in_dim3A_256 : vector<16xi32>
          tpu.vector_store_idx %arg10[%add3A_427, %add3A_412], %gather3A_426 : memref<144x128xf32, #tpu.memory_space<vmem>>[vector<16xi32>, vector<16xi32>], vector<16xf32>,
          %gather3A_428 = tpu.vector_load_idx %arg19[%add3A_408, %add3A_383] : memref<64x128xf32, #tpu.memory_space<vmem>>[vector<16xi32>, vector<16xi32>], vector<16xf32>,
          %add3A_429 = arith.addi %add3A_383, %broadcast_in_dim3A_256 : vector<16xi32>
          tpu.vector_store_idx %arg10[%add3A_429, %add3A_412], %gather3A_428 : memref<144x128xf32, #tpu.memory_space<vmem>>[vector<16xi32>, vector<16xi32>], vector<16xf32>,
          %gather3A_430 = tpu.vector_load_idx %arg19[%add3A_408, %add3A_385] : memref<64x128xf32, #tpu.memory_space<vmem>>[vector<16xi32>, vector<16xi32>], vector<16xf32>,
          %add3A_431 = arith.addi %add3A_385, %broadcast_in_dim3A_256 : vector<16xi32>
          tpu.vector_store_idx %arg10[%add3A_431, %add3A_412], %gather3A_430 : memref<144x128xf32, #tpu.memory_space<vmem>>[vector<16xi32>, vector<16xi32>], vector<16xf32>,
          %gather3A_432 = tpu.vector_load_idx %arg19[%add3A_408, %add3A_387] : memref<64x128xf32, #tpu.memory_space<vmem>>[vector<16xi32>, vector<16xi32>], vector<16xf32>,
          %add3A_433 = arith.addi %add3A_387, %broadcast_in_dim3A_256 : vector<16xi32>
          tpu.vector_store_idx %arg10[%add3A_433, %add3A_412], %gather3A_432 : memref<144x128xf32, #tpu.memory_space<vmem>>[vector<16xi32>, vector<16xi32>], vector<16xf32>,
          %gather3A_434 = tpu.vector_load_idx %arg19[%add3A_408, %add3A_389] : memref<64x128xf32, #tpu.memory_space<vmem>>[vector<16xi32>, vector<16xi32>], vector<16xf32>,
          %add3A_435 = arith.addi %add3A_389, %broadcast_in_dim3A_256 : vector<16xi32>
          tpu.vector_store_idx %arg10[%add3A_435, %add3A_412], %gather3A_434 : memref<144x128xf32, #tpu.memory_space<vmem>>[vector<16xi32>, vector<16xi32>], vector<16xf32>,
          %gather3A_436 = tpu.vector_load_idx %arg19[%add3A_408, %add3A_391] : memref<64x128xf32, #tpu.memory_space<vmem>>[vector<16xi32>, vector<16xi32>], vector<16xf32>,
          %add3A_437 = arith.addi %add3A_391, %broadcast_in_dim3A_256 : vector<16xi32>
          tpu.vector_store_idx %arg10[%add3A_437, %add3A_412], %gather3A_436 : memref<144x128xf32, #tpu.memory_space<vmem>>[vector<16xi32>, vector<16xi32>], vector<16xf32>,
          %gather3A_438 = tpu.vector_load_idx %arg19[%add3A_408, %add3A_393] : memref<64x128xf32, #tpu.memory_space<vmem>>[vector<16xi32>, vector<16xi32>], vector<16xf32>,
          %add3A_439 = arith.addi %add3A_393, %broadcast_in_dim3A_256 : vector<16xi32>
          tpu.vector_store_idx %arg10[%add3A_439, %add3A_412], %gather3A_438 : memref<144x128xf32, #tpu.memory_space<vmem>>[vector<16xi32>, vector<16xi32>], vector<16xf32>,
          %gather3A_440 = tpu.vector_load_idx %arg19[%add3A_408, %add3A_395] : memref<64x128xf32, #tpu.memory_space<vmem>>[vector<16xi32>, vector<16xi32>], vector<16xf32>,
          %add3A_441 = arith.addi %add3A_395, %broadcast_in_dim3A_256 : vector<16xi32>
          tpu.vector_store_idx %arg10[%add3A_441, %add3A_412], %gather3A_440 : memref<144x128xf32, #tpu.memory_space<vmem>>[vector<16xi32>, vector<16xi32>], vector<16xf32>,
          %gather3A_442 = tpu.vector_load_idx %arg19[%add3A_408, %add3A_397] : memref<64x128xf32, #tpu.memory_space<vmem>>[vector<16xi32>, vector<16xi32>], vector<16xf32>,
          %add3A_443 = arith.addi %add3A_397, %broadcast_in_dim3A_256 : vector<16xi32>
          tpu.vector_store_idx %arg10[%add3A_443, %add3A_412], %gather3A_442 : memref<144x128xf32, #tpu.memory_space<vmem>>[vector<16xi32>, vector<16xi32>], vector<16xf32>,
        }
        %scan3A_403 = arith.constant 4 : i32
      }
      %scan3A_262 = arith.constant 8 : i32
      %dma_start3A_263 = arith.constant 0 : i32
      %dma_start3A_264 = arith.constant 0 : i32
      %dma_start3A_265 = tpu.memref_slice %arg2[%dma_start3A_263, %dma_start3A_264] : memref<10000x128xf32, #tpu.memory_space<hbm>> -> memref<10000x128xf32, #tpu.memory_space<hbm>>
      tpu.enqueue_indirect_dma source(%dma_start3A_265 : memref<10000x128xf32, #tpu.memory_space<hbm>>) target(%arg19 : memref<64x128xf32, #tpu.memory_space<vmem>>) offsets(%arg9 : memref<64xi32, #tpu.memory_space<vmem>>) semaphore(%arg29 : memref<!tpu.dma_semaphore, #tpu.memory_space<semaphore_mem>>)
      %dma_wait3A_266 = arith.constant 0 : i32
      %dma_wait3A_267 = arith.constant 0 : i32
      %dma_wait3A_268 = tpu.memref_slice %arg10[%dma_wait3A_266, %dma_wait3A_267] : memref<144x128xf32, #tpu.memory_space<vmem>> -> memref<16x128xf32, #tpu.memory_space<vmem>>
      %dma_wait3A_269 = arith.constant 0 : i32
      %dma_wait3A_270 = arith.constant 0 : i32
      %dma_wait3A_271 = tpu.memref_slice %arg3[%dma_wait3A_269, %dma_wait3A_270] : memref<16x320000xf32, #tpu.memory_space<hbm>> -> memref<16x128xf32, #tpu.memory_space<hbm>>
      %dma_wait3A_272 = arith.constant 0 : i32
      %dma_wait3A_273 = arith.constant 0 : i32
      %dma_wait3A_274 = tpu.memref_slice %arg10[%dma_wait3A_272, %dma_wait3A_273] : memref<144x128xf32, #tpu.memory_space<vmem>> -> memref<16x128xf32, #tpu.memory_space<vmem>>
      %dma_wait3A_275 = arith.constant 0 : i32
      %dma_wait3A_276 = arith.constant 0 : i32
      %dma_wait3A_277 = tpu.memref_slice %arg3[%dma_wait3A_275, %dma_wait3A_276] : memref<16x320000xf32, #tpu.memory_space<hbm>> -> memref<16x128xf32, #tpu.memory_space<hbm>>
      tpu.wait_dma2 semaphore(%arg22 : memref<!tpu.dma_semaphore, #tpu.memory_space<semaphore_mem>>) src(%dma_wait3A_277 : memref<16x128xf32, #tpu.memory_space<hbm>>) dst(%dma_wait3A_274 : memref<16x128xf32, #tpu.memory_space<vmem>>)
      %dma_start3A_278 = arith.constant 0 : i32
      %dma_start3A_279 = tpu.memref_slice %arg5[%dma_start3A_278, %mul3A_227] : memref<272x320000xf32, #tpu.memory_space<hbm>> -> memref<144x128xf32, #tpu.memory_space<hbm>>
      %dma_start3A_280 = arith.constant 0 : i32
      %dma_start3A_281 = tpu.memref_slice %arg5[%dma_start3A_280, %mul3A_227] : memref<272x320000xf32, #tpu.memory_space<hbm>> -> memref<144x128xf32, #tpu.memory_space<hbm>>
      tpu.enqueue_dma source(%arg10 : memref<144x128xf32, #tpu.memory_space<vmem>>) target(%dma_start3A_281 : memref<144x128xf32, #tpu.memory_space<hbm>>) target_semaphore(%arg24 : memref<!tpu.dma_semaphore, #tpu.memory_space<semaphore_mem>>)
      %dma_wait3A_282 = arith.constant 0 : i32
      %dma_wait3A_283 = arith.constant 0 : i32
      %dma_wait3A_284 = tpu.memref_slice %arg2[%dma_wait3A_282, %dma_wait3A_283] : memref<10000x128xf32, #tpu.memory_space<hbm>> -> memref<10000x128xf32, #tpu.memory_space<hbm>>
      tpu.wait_indirect_dma semaphore(%arg28 : memref<!tpu.dma_semaphore, #tpu.memory_space<semaphore_mem>>) src(%dma_wait3A_284 : memref<10000x128xf32, #tpu.memory_space<hbm>>) dst(%arg18 : memref<64x128xf32, #tpu.memory_space<vmem>>)
      %broadcast_in_dim3A_285 = arith.constant 0 : i32
      %broadcast_in_dim3A_286 = vector.broadcast %broadcast_in_dim3A_285 : i32 to vector<16xi32>
      %scan3A_287 = arith.constant 0 : i32
      %scan3A_288 = arith.constant 0 : i32
      %scan3A_289 = arith.constant 8 : i32
      %scan3A_290 = arith.addi %scan3A_288, %scan3A_289 : i32
      %scan3A_291 = arith.constant 1 : i32
      scf.for %scan3A_363 = %scan3A_288 to %scan3A_290 step %scan3A_291  : i32 {
        %mul3A_364 = arith.constant 16 : i32
        %mul3A_365 = arith.muli %scan3A_363, %mul3A_364 : i32
        %broadcast_in_dim3A_366 = vector.broadcast %mul3A_365 : i32 to vector<16xi32>
        %add3A_367 = arith.addi %broadcast_in_dim3A_366, %and3A_5 : vector<16xi32>
        %broadcast_in_dim3A_368 = vector.broadcast %mul3A_365 : i32 to vector<16xi32>
        %add3A_369 = arith.addi %broadcast_in_dim3A_368, %and3A_11 : vector<16xi32>
        %broadcast_in_dim3A_370 = vector.broadcast %mul3A_365 : i32 to vector<16xi32>
        %add3A_371 = arith.addi %broadcast_in_dim3A_370, %and3A_17 : vector<16xi32>
        %broadcast_in_dim3A_372 = vector.broadcast %mul3A_365 : i32 to vector<16xi32>
        %add3A_373 = arith.addi %broadcast_in_dim3A_372, %and3A_23 : vector<16xi32>
        %broadcast_in_dim3A_374 = vector.broadcast %mul3A_365 : i32 to vector<16xi32>
        %add3A_375 = arith.addi %broadcast_in_dim3A_374, %and3A_29 : vector<16xi32>
        %broadcast_in_dim3A_376 = vector.broadcast %mul3A_365 : i32 to vector<16xi32>
        %add3A_377 = arith.addi %broadcast_in_dim3A_376, %and3A_35 : vector<16xi32>
        %broadcast_in_dim3A_378 = vector.broadcast %mul3A_365 : i32 to vector<16xi32>
        %add3A_379 = arith.addi %broadcast_in_dim3A_378, %and3A_41 : vector<16xi32>
        %broadcast_in_dim3A_380 = vector.broadcast %mul3A_365 : i32 to vector<16xi32>
        %add3A_381 = arith.addi %broadcast_in_dim3A_380, %and3A_47 : vector<16xi32>
        %broadcast_in_dim3A_382 = vector.broadcast %mul3A_365 : i32 to vector<16xi32>
        %add3A_383 = arith.addi %broadcast_in_dim3A_382, %and3A_53 : vector<16xi32>
        %broadcast_in_dim3A_384 = vector.broadcast %mul3A_365 : i32 to vector<16xi32>
        %add3A_385 = arith.addi %broadcast_in_dim3A_384, %and3A_59 : vector<16xi32>
        %broadcast_in_dim3A_386 = vector.broadcast %mul3A_365 : i32 to vector<16xi32>
        %add3A_387 = arith.addi %broadcast_in_dim3A_386, %and3A_65 : vector<16xi32>
        %broadcast_in_dim3A_388 = vector.broadcast %mul3A_365 : i32 to vector<16xi32>
        %add3A_389 = arith.addi %broadcast_in_dim3A_388, %and3A_71 : vector<16xi32>
        %broadcast_in_dim3A_390 = vector.broadcast %mul3A_365 : i32 to vector<16xi32>
        %add3A_391 = arith.addi %broadcast_in_dim3A_390, %and3A_77 : vector<16xi32>
        %broadcast_in_dim3A_392 = vector.broadcast %mul3A_365 : i32 to vector<16xi32>
        %add3A_393 = arith.addi %broadcast_in_dim3A_392, %and3A_83 : vector<16xi32>
        %broadcast_in_dim3A_394 = vector.broadcast %mul3A_365 : i32 to vector<16xi32>
        %add3A_395 = arith.addi %broadcast_in_dim3A_394, %and3A_89 : vector<16xi32>
        %broadcast_in_dim3A_396 = vector.broadcast %mul3A_365 : i32 to vector<16xi32>
        %add3A_397 = arith.addi %broadcast_in_dim3A_396, %and3A_95 : vector<16xi32>
        %scan3A_398 = arith.constant 0 : i32
        %scan3A_399 = arith.constant 0 : i32
        %scan3A_400 = arith.constant 4 : i32
        %scan3A_401 = arith.addi %scan3A_399, %scan3A_400 : i32
        %scan3A_402 = arith.constant 1 : i32
        scf.for %scan3A_404 = %scan3A_399 to %scan3A_401 step %scan3A_402  : i32 {
          %mul3A_405 = arith.constant 16 : i32
          %mul3A_406 = arith.muli %scan3A_404, %mul3A_405 : i32
          %broadcast_in_dim3A_407 = vector.broadcast %mul3A_406 : i32 to vector<16xi32>
          %add3A_408 = arith.addi %broadcast_in_dim3A_407, %iota3A : vector<16xi32>
          %add3A_409 = arith.constant 0 : i32
          %add3A_410 = arith.addi %add3A_409, %mul3A_406 : i32
          %broadcast_in_dim3A_411 = vector.broadcast %add3A_410 : i32 to vector<16xi32>
          %add3A_412 = arith.addi %broadcast_in_dim3A_411, %iota3A : vector<16xi32>
          %gather3A = tpu.vector_load_idx %arg18[%add3A_408, %add3A_367] : memref<64x128xf32, #tpu.memory_space<vmem>>[vector<16xi32>, vector<16xi32>], vector<16xf32>,
          tpu.vector_store_idx %arg11[%add3A_367, %add3A_412], %gather3A : memref<128x128xf32, #tpu.memory_space<vmem>>[vector<16xi32>, vector<16xi32>], vector<16xf32>,
          %gather3A_413 = tpu.vector_load_idx %arg18[%add3A_408, %add3A_369] : memref<64x128xf32, #tpu.memory_space<vmem>>[vector<16xi32>, vector<16xi32>], vector<16xf32>,
          tpu.vector_store_idx %arg11[%add3A_369, %add3A_412], %gather3A_413 : memref<128x128xf32, #tpu.memory_space<vmem>>[vector<16xi32>, vector<16xi32>], vector<16xf32>,
          %gather3A_414 = tpu.vector_load_idx %arg18[%add3A_408, %add3A_371] : memref<64x128xf32, #tpu.memory_space<vmem>>[vector<16xi32>, vector<16xi32>], vector<16xf32>,
          tpu.vector_store_idx %arg11[%add3A_371, %add3A_412], %gather3A_414 : memref<128x128xf32, #tpu.memory_space<vmem>>[vector<16xi32>, vector<16xi32>], vector<16xf32>,
          %gather3A_415 = tpu.vector_load_idx %arg18[%add3A_408, %add3A_373] : memref<64x128xf32, #tpu.memory_space<vmem>>[vector<16xi32>, vector<16xi32>], vector<16xf32>,
          tpu.vector_store_idx %arg11[%add3A_373, %add3A_412], %gather3A_415 : memref<128x128xf32, #tpu.memory_space<vmem>>[vector<16xi32>, vector<16xi32>], vector<16xf32>,
          %gather3A_416 = tpu.vector_load_idx %arg18[%add3A_408, %add3A_375] : memref<64x128xf32, #tpu.memory_space<vmem>>[vector<16xi32>, vector<16xi32>], vector<16xf32>,
          tpu.vector_store_idx %arg11[%add3A_375, %add3A_412], %gather3A_416 : memref<128x128xf32, #tpu.memory_space<vmem>>[vector<16xi32>, vector<16xi32>], vector<16xf32>,
          %gather3A_417 = tpu.vector_load_idx %arg18[%add3A_408, %add3A_377] : memref<64x128xf32, #tpu.memory_space<vmem>>[vector<16xi32>, vector<16xi32>], vector<16xf32>,
          tpu.vector_store_idx %arg11[%add3A_377, %add3A_412], %gather3A_417 : memref<128x128xf32, #tpu.memory_space<vmem>>[vector<16xi32>, vector<16xi32>], vector<16xf32>,
          %gather3A_418 = tpu.vector_load_idx %arg18[%add3A_408, %add3A_379] : memref<64x128xf32, #tpu.memory_space<vmem>>[vector<16xi32>, vector<16xi32>], vector<16xf32>,
          tpu.vector_store_idx %arg11[%add3A_379, %add3A_412], %gather3A_418 : memref<128x128xf32, #tpu.memory_space<vmem>>[vector<16xi32>, vector<16xi32>], vector<16xf32>,
          %gather3A_419 = tpu.vector_load_idx %arg18[%add3A_408, %add3A_381] : memref<64x128xf32, #tpu.memory_space<vmem>>[vector<16xi32>, vector<16xi32>], vector<16xf32>,
          tpu.vector_store_idx %arg11[%add3A_381, %add3A_412], %gather3A_419 : memref<128x128xf32, #tpu.memory_space<vmem>>[vector<16xi32>, vector<16xi32>], vector<16xf32>,
          %gather3A_420 = tpu.vector_load_idx %arg18[%add3A_408, %add3A_383] : memref<64x128xf32, #tpu.memory_space<vmem>>[vector<16xi32>, vector<16xi32>], vector<16xf32>,
          tpu.vector_store_idx %arg11[%add3A_383, %add3A_412], %gather3A_420 : memref<128x128xf32, #tpu.memory_space<vmem>>[vector<16xi32>, vector<16xi32>], vector<16xf32>,
          %gather3A_421 = tpu.vector_load_idx %arg18[%add3A_408, %add3A_385] : memref<64x128xf32, #tpu.memory_space<vmem>>[vector<16xi32>, vector<16xi32>], vector<16xf32>,
          tpu.vector_store_idx %arg11[%add3A_385, %add3A_412], %gather3A_421 : memref<128x128xf32, #tpu.memory_space<vmem>>[vector<16xi32>, vector<16xi32>], vector<16xf32>,
          %gather3A_422 = tpu.vector_load_idx %arg18[%add3A_408, %add3A_387] : memref<64x128xf32, #tpu.memory_space<vmem>>[vector<16xi32>, vector<16xi32>], vector<16xf32>,
          tpu.vector_store_idx %arg11[%add3A_387, %add3A_412], %gather3A_422 : memref<128x128xf32, #tpu.memory_space<vmem>>[vector<16xi32>, vector<16xi32>], vector<16xf32>,
          %gather3A_423 = tpu.vector_load_idx %arg18[%add3A_408, %add3A_389] : memref<64x128xf32, #tpu.memory_space<vmem>>[vector<16xi32>, vector<16xi32>], vector<16xf32>,
          tpu.vector_store_idx %arg11[%add3A_389, %add3A_412], %gather3A_423 : memref<128x128xf32, #tpu.memory_space<vmem>>[vector<16xi32>, vector<16xi32>], vector<16xf32>,
          %gather3A_424 = tpu.vector_load_idx %arg18[%add3A_408, %add3A_391] : memref<64x128xf32, #tpu.memory_space<vmem>>[vector<16xi32>, vector<16xi32>], vector<16xf32>,
          tpu.vector_store_idx %arg11[%add3A_391, %add3A_412], %gather3A_424 : memref<128x128xf32, #tpu.memory_space<vmem>>[vector<16xi32>, vector<16xi32>], vector<16xf32>,
          %gather3A_425 = tpu.vector_load_idx %arg18[%add3A_408, %add3A_393] : memref<64x128xf32, #tpu.memory_space<vmem>>[vector<16xi32>, vector<16xi32>], vector<16xf32>,
          tpu.vector_store_idx %arg11[%add3A_393, %add3A_412], %gather3A_425 : memref<128x128xf32, #tpu.memory_space<vmem>>[vector<16xi32>, vector<16xi32>], vector<16xf32>,
          %gather3A_426 = tpu.vector_load_idx %arg18[%add3A_408, %add3A_395] : memref<64x128xf32, #tpu.memory_space<vmem>>[vector<16xi32>, vector<16xi32>], vector<16xf32>,
          tpu.vector_store_idx %arg11[%add3A_395, %add3A_412], %gather3A_426 : memref<128x128xf32, #tpu.memory_space<vmem>>[vector<16xi32>, vector<16xi32>], vector<16xf32>,
          %gather3A_427 = tpu.vector_load_idx %arg18[%add3A_408, %add3A_397] : memref<64x128xf32, #tpu.memory_space<vmem>>[vector<16xi32>, vector<16xi32>], vector<16xf32>,
          tpu.vector_store_idx %arg11[%add3A_397, %add3A_412], %gather3A_427 : memref<128x128xf32, #tpu.memory_space<vmem>>[vector<16xi32>, vector<16xi32>], vector<16xf32>,
        }
        %scan3A_403 = arith.constant 4 : i32
      }
      %scan3A_292 = arith.constant 8 : i32
      %dma_wait3A_293 = arith.constant 0 : i32
      %dma_wait3A_294 = tpu.memref_slice %arg4[%dma_wait3A_293] : memref<640000xi32, #tpu.memory_space<hbm>> -> memref<64xi32, #tpu.memory_space<hbm>>
      %dma_wait3A_295 = arith.constant 0 : i32
      %dma_wait3A_296 = tpu.memref_slice %arg4[%dma_wait3A_295] : memref<640000xi32, #tpu.memory_space<hbm>> -> memref<64xi32, #tpu.memory_space<hbm>>
      tpu.wait_dma2 semaphore(%arg21 : memref<!tpu.dma_semaphore, #tpu.memory_space<semaphore_mem>>) src(%dma_wait3A_296 : memref<64xi32, #tpu.memory_space<hbm>>) dst(%arg12 : memref<64xi32, #tpu.memory_space<vmem>>)
      %dma_wait3A_297 = arith.constant 0 : i32
      %dma_wait3A_298 = tpu.memref_slice %arg4[%dma_wait3A_297] : memref<640000xi32, #tpu.memory_space<hbm>> -> memref<64xi32, #tpu.memory_space<hbm>>
      %dma_wait3A_299 = arith.constant 0 : i32
      %dma_wait3A_300 = tpu.memref_slice %arg4[%dma_wait3A_299] : memref<640000xi32, #tpu.memory_space<hbm>> -> memref<64xi32, #tpu.memory_space<hbm>>
      tpu.wait_dma2 semaphore(%arg21 : memref<!tpu.dma_semaphore, #tpu.memory_space<semaphore_mem>>) src(%dma_wait3A_300 : memref<64xi32, #tpu.memory_space<hbm>>) dst(%arg12 : memref<64xi32, #tpu.memory_space<vmem>>)
      %dma_wait3A_301 = arith.constant 0 : i32
      %dma_wait3A_302 = tpu.memref_slice %arg4[%dma_wait3A_301] : memref<640000xi32, #tpu.memory_space<hbm>> -> memref<64xi32, #tpu.memory_space<hbm>>
      %dma_wait3A_303 = arith.constant 0 : i32
      %dma_wait3A_304 = tpu.memref_slice %arg4[%dma_wait3A_303] : memref<640000xi32, #tpu.memory_space<hbm>> -> memref<64xi32, #tpu.memory_space<hbm>>
      tpu.wait_dma2 semaphore(%arg21 : memref<!tpu.dma_semaphore, #tpu.memory_space<semaphore_mem>>) src(%dma_wait3A_304 : memref<64xi32, #tpu.memory_space<hbm>>) dst(%arg12 : memref<64xi32, #tpu.memory_space<vmem>>)
      %dma_wait3A_305 = arith.constant 0 : i32
      %dma_wait3A_306 = tpu.memref_slice %arg4[%dma_wait3A_305] : memref<640000xi32, #tpu.memory_space<hbm>> -> memref<64xi32, #tpu.memory_space<hbm>>
      %dma_wait3A_307 = arith.constant 0 : i32
      %dma_wait3A_308 = tpu.memref_slice %arg4[%dma_wait3A_307] : memref<640000xi32, #tpu.memory_space<hbm>> -> memref<64xi32, #tpu.memory_space<hbm>>
      tpu.wait_dma2 semaphore(%arg21 : memref<!tpu.dma_semaphore, #tpu.memory_space<semaphore_mem>>) src(%dma_wait3A_308 : memref<64xi32, #tpu.memory_space<hbm>>) dst(%arg12 : memref<64xi32, #tpu.memory_space<vmem>>)
      %dma_start3A_309 = arith.constant 0 : i32
      %dma_start3A_310 = arith.constant 0 : i32
      %dma_start3A_311 = tpu.memref_slice %arg2[%dma_start3A_309, %dma_start3A_310] : memref<10000x128xf32, #tpu.memory_space<hbm>> -> memref<10000x128xf32, #tpu.memory_space<hbm>>
      tpu.enqueue_indirect_dma source(%dma_start3A_311 : memref<10000x128xf32, #tpu.memory_space<hbm>>) target(%arg18 : memref<64x128xf32, #tpu.memory_space<vmem>>) offsets(%arg12 : memref<64xi32, #tpu.memory_space<vmem>>) semaphore(%arg28 : memref<!tpu.dma_semaphore, #tpu.memory_space<semaphore_mem>>)
      %dma_wait3A_312 = arith.constant 0 : i32
      %dma_wait3A_313 = arith.constant 0 : i32
      %dma_wait3A_314 = tpu.memref_slice %arg2[%dma_wait3A_312, %dma_wait3A_313] : memref<10000x128xf32, #tpu.memory_space<hbm>> -> memref<10000x128xf32, #tpu.memory_space<hbm>>
      tpu.wait_indirect_dma semaphore(%arg29 : memref<!tpu.dma_semaphore, #tpu.memory_space<semaphore_mem>>) src(%dma_wait3A_314 : memref<10000x128xf32, #tpu.memory_space<hbm>>) dst(%arg19 : memref<64x128xf32, #tpu.memory_space<vmem>>)
      %broadcast_in_dim3A_315 = arith.constant 0 : i32
      %broadcast_in_dim3A_316 = vector.broadcast %broadcast_in_dim3A_315 : i32 to vector<16xi32>
      %scan3A_317 = arith.constant 0 : i32
      %scan3A_318 = arith.constant 0 : i32
      %scan3A_319 = arith.constant 8 : i32
      %scan3A_320 = arith.addi %scan3A_318, %scan3A_319 : i32
      %scan3A_321 = arith.constant 1 : i32
      scf.for %scan3A_363 = %scan3A_318 to %scan3A_320 step %scan3A_321  : i32 {
        %mul3A_364 = arith.constant 16 : i32
        %mul3A_365 = arith.muli %scan3A_363, %mul3A_364 : i32
        %broadcast_in_dim3A_366 = vector.broadcast %mul3A_365 : i32 to vector<16xi32>
        %add3A_367 = arith.addi %broadcast_in_dim3A_366, %and3A_5 : vector<16xi32>
        %broadcast_in_dim3A_368 = vector.broadcast %mul3A_365 : i32 to vector<16xi32>
        %add3A_369 = arith.addi %broadcast_in_dim3A_368, %and3A_11 : vector<16xi32>
        %broadcast_in_dim3A_370 = vector.broadcast %mul3A_365 : i32 to vector<16xi32>
        %add3A_371 = arith.addi %broadcast_in_dim3A_370, %and3A_17 : vector<16xi32>
        %broadcast_in_dim3A_372 = vector.broadcast %mul3A_365 : i32 to vector<16xi32>
        %add3A_373 = arith.addi %broadcast_in_dim3A_372, %and3A_23 : vector<16xi32>
        %broadcast_in_dim3A_374 = vector.broadcast %mul3A_365 : i32 to vector<16xi32>
        %add3A_375 = arith.addi %broadcast_in_dim3A_374, %and3A_29 : vector<16xi32>
        %broadcast_in_dim3A_376 = vector.broadcast %mul3A_365 : i32 to vector<16xi32>
        %add3A_377 = arith.addi %broadcast_in_dim3A_376, %and3A_35 : vector<16xi32>
        %broadcast_in_dim3A_378 = vector.broadcast %mul3A_365 : i32 to vector<16xi32>
        %add3A_379 = arith.addi %broadcast_in_dim3A_378, %and3A_41 : vector<16xi32>
        %broadcast_in_dim3A_380 = vector.broadcast %mul3A_365 : i32 to vector<16xi32>
        %add3A_381 = arith.addi %broadcast_in_dim3A_380, %and3A_47 : vector<16xi32>
        %broadcast_in_dim3A_382 = vector.broadcast %mul3A_365 : i32 to vector<16xi32>
        %add3A_383 = arith.addi %broadcast_in_dim3A_382, %and3A_53 : vector<16xi32>
        %broadcast_in_dim3A_384 = vector.broadcast %mul3A_365 : i32 to vector<16xi32>
        %add3A_385 = arith.addi %broadcast_in_dim3A_384, %and3A_59 : vector<16xi32>
        %broadcast_in_dim3A_386 = vector.broadcast %mul3A_365 : i32 to vector<16xi32>
        %add3A_387 = arith.addi %broadcast_in_dim3A_386, %and3A_65 : vector<16xi32>
        %broadcast_in_dim3A_388 = vector.broadcast %mul3A_365 : i32 to vector<16xi32>
        %add3A_389 = arith.addi %broadcast_in_dim3A_388, %and3A_71 : vector<16xi32>
        %broadcast_in_dim3A_390 = vector.broadcast %mul3A_365 : i32 to vector<16xi32>
        %add3A_391 = arith.addi %broadcast_in_dim3A_390, %and3A_77 : vector<16xi32>
        %broadcast_in_dim3A_392 = vector.broadcast %mul3A_365 : i32 to vector<16xi32>
        %add3A_393 = arith.addi %broadcast_in_dim3A_392, %and3A_83 : vector<16xi32>
        %broadcast_in_dim3A_394 = vector.broadcast %mul3A_365 : i32 to vector<16xi32>
        %add3A_395 = arith.addi %broadcast_in_dim3A_394, %and3A_89 : vector<16xi32>
        %broadcast_in_dim3A_396 = vector.broadcast %mul3A_365 : i32 to vector<16xi32>
        %add3A_397 = arith.addi %broadcast_in_dim3A_396, %and3A_95 : vector<16xi32>
        %scan3A_398 = arith.constant 0 : i32
        %scan3A_399 = arith.constant 0 : i32
        %scan3A_400 = arith.constant 4 : i32
        %scan3A_401 = arith.addi %scan3A_399, %scan3A_400 : i32
        %scan3A_402 = arith.constant 1 : i32
        scf.for %scan3A_404 = %scan3A_399 to %scan3A_401 step %scan3A_402  : i32 {
          %mul3A_405 = arith.constant 16 : i32
          %mul3A_406 = arith.muli %scan3A_404, %mul3A_405 : i32
          %broadcast_in_dim3A_407 = vector.broadcast %mul3A_406 : i32 to vector<16xi32>
          %add3A_408 = arith.addi %broadcast_in_dim3A_407, %iota3A : vector<16xi32>
          %add3A_409 = arith.constant 64 : i32
          %add3A_410 = arith.addi %add3A_409, %mul3A_406 : i32
          %broadcast_in_dim3A_411 = vector.broadcast %add3A_410 : i32 to vector<16xi32>
          %add3A_412 = arith.addi %broadcast_in_dim3A_411, %iota3A : vector<16xi32>
          %gather3A = tpu.vector_load_idx %arg19[%add3A_408, %add3A_367] : memref<64x128xf32, #tpu.memory_space<vmem>>[vector<16xi32>, vector<16xi32>], vector<16xf32>,
          tpu.vector_store_idx %arg11[%add3A_367, %add3A_412], %gather3A : memref<128x128xf32, #tpu.memory_space<vmem>>[vector<16xi32>, vector<16xi32>], vector<16xf32>,
          %gather3A_413 = tpu.vector_load_idx %arg19[%add3A_408, %add3A_369] : memref<64x128xf32, #tpu.memory_space<vmem>>[vector<16xi32>, vector<16xi32>], vector<16xf32>,
          tpu.vector_store_idx %arg11[%add3A_369, %add3A_412], %gather3A_413 : memref<128x128xf32, #tpu.memory_space<vmem>>[vector<16xi32>, vector<16xi32>], vector<16xf32>,
          %gather3A_414 = tpu.vector_load_idx %arg19[%add3A_408, %add3A_371] : memref<64x128xf32, #tpu.memory_space<vmem>>[vector<16xi32>, vector<16xi32>], vector<16xf32>,
          tpu.vector_store_idx %arg11[%add3A_371, %add3A_412], %gather3A_414 : memref<128x128xf32, #tpu.memory_space<vmem>>[vector<16xi32>, vector<16xi32>], vector<16xf32>,
          %gather3A_415 = tpu.vector_load_idx %arg19[%add3A_408, %add3A_373] : memref<64x128xf32, #tpu.memory_space<vmem>>[vector<16xi32>, vector<16xi32>], vector<16xf32>,
          tpu.vector_store_idx %arg11[%add3A_373, %add3A_412], %gather3A_415 : memref<128x128xf32, #tpu.memory_space<vmem>>[vector<16xi32>, vector<16xi32>], vector<16xf32>,
          %gather3A_416 = tpu.vector_load_idx %arg19[%add3A_408, %add3A_375] : memref<64x128xf32, #tpu.memory_space<vmem>>[vector<16xi32>, vector<16xi32>], vector<16xf32>,
          tpu.vector_store_idx %arg11[%add3A_375, %add3A_412], %gather3A_416 : memref<128x128xf32, #tpu.memory_space<vmem>>[vector<16xi32>, vector<16xi32>], vector<16xf32>,
          %gather3A_417 = tpu.vector_load_idx %arg19[%add3A_408, %add3A_377] : memref<64x128xf32, #tpu.memory_space<vmem>>[vector<16xi32>, vector<16xi32>], vector<16xf32>,
          tpu.vector_store_idx %arg11[%add3A_377, %add3A_412], %gather3A_417 : memref<128x128xf32, #tpu.memory_space<vmem>>[vector<16xi32>, vector<16xi32>], vector<16xf32>,
          %gather3A_418 = tpu.vector_load_idx %arg19[%add3A_408, %add3A_379] : memref<64x128xf32, #tpu.memory_space<vmem>>[vector<16xi32>, vector<16xi32>], vector<16xf32>,
          tpu.vector_store_idx %arg11[%add3A_379, %add3A_412], %gather3A_418 : memref<128x128xf32, #tpu.memory_space<vmem>>[vector<16xi32>, vector<16xi32>], vector<16xf32>,
          %gather3A_419 = tpu.vector_load_idx %arg19[%add3A_408, %add3A_381] : memref<64x128xf32, #tpu.memory_space<vmem>>[vector<16xi32>, vector<16xi32>], vector<16xf32>,
          tpu.vector_store_idx %arg11[%add3A_381, %add3A_412], %gather3A_419 : memref<128x128xf32, #tpu.memory_space<vmem>>[vector<16xi32>, vector<16xi32>], vector<16xf32>,
          %gather3A_420 = tpu.vector_load_idx %arg19[%add3A_408, %add3A_383] : memref<64x128xf32, #tpu.memory_space<vmem>>[vector<16xi32>, vector<16xi32>], vector<16xf32>,
          tpu.vector_store_idx %arg11[%add3A_383, %add3A_412], %gather3A_420 : memref<128x128xf32, #tpu.memory_space<vmem>>[vector<16xi32>, vector<16xi32>], vector<16xf32>,
          %gather3A_421 = tpu.vector_load_idx %arg19[%add3A_408, %add3A_385] : memref<64x128xf32, #tpu.memory_space<vmem>>[vector<16xi32>, vector<16xi32>], vector<16xf32>,
          tpu.vector_store_idx %arg11[%add3A_385, %add3A_412], %gather3A_421 : memref<128x128xf32, #tpu.memory_space<vmem>>[vector<16xi32>, vector<16xi32>], vector<16xf32>,
          %gather3A_422 = tpu.vector_load_idx %arg19[%add3A_408, %add3A_387] : memref<64x128xf32, #tpu.memory_space<vmem>>[vector<16xi32>, vector<16xi32>], vector<16xf32>,
          tpu.vector_store_idx %arg11[%add3A_387, %add3A_412], %gather3A_422 : memref<128x128xf32, #tpu.memory_space<vmem>>[vector<16xi32>, vector<16xi32>], vector<16xf32>,
          %gather3A_423 = tpu.vector_load_idx %arg19[%add3A_408, %add3A_389] : memref<64x128xf32, #tpu.memory_space<vmem>>[vector<16xi32>, vector<16xi32>], vector<16xf32>,
          tpu.vector_store_idx %arg11[%add3A_389, %add3A_412], %gather3A_423 : memref<128x128xf32, #tpu.memory_space<vmem>>[vector<16xi32>, vector<16xi32>], vector<16xf32>,
          %gather3A_424 = tpu.vector_load_idx %arg19[%add3A_408, %add3A_391] : memref<64x128xf32, #tpu.memory_space<vmem>>[vector<16xi32>, vector<16xi32>], vector<16xf32>,
          tpu.vector_store_idx %arg11[%add3A_391, %add3A_412], %gather3A_424 : memref<128x128xf32, #tpu.memory_space<vmem>>[vector<16xi32>, vector<16xi32>], vector<16xf32>,
          %gather3A_425 = tpu.vector_load_idx %arg19[%add3A_408, %add3A_393] : memref<64x128xf32, #tpu.memory_space<vmem>>[vector<16xi32>, vector<16xi32>], vector<16xf32>,
          tpu.vector_store_idx %arg11[%add3A_393, %add3A_412], %gather3A_425 : memref<128x128xf32, #tpu.memory_space<vmem>>[vector<16xi32>, vector<16xi32>], vector<16xf32>,
          %gather3A_426 = tpu.vector_load_idx %arg19[%add3A_408, %add3A_395] : memref<64x128xf32, #tpu.memory_space<vmem>>[vector<16xi32>, vector<16xi32>], vector<16xf32>,
          tpu.vector_store_idx %arg11[%add3A_395, %add3A_412], %gather3A_426 : memref<128x128xf32, #tpu.memory_space<vmem>>[vector<16xi32>, vector<16xi32>], vector<16xf32>,
          %gather3A_427 = tpu.vector_load_idx %arg19[%add3A_408, %add3A_397] : memref<64x128xf32, #tpu.memory_space<vmem>>[vector<16xi32>, vector<16xi32>], vector<16xf32>,
          tpu.vector_store_idx %arg11[%add3A_397, %add3A_412], %gather3A_427 : memref<128x128xf32, #tpu.memory_space<vmem>>[vector<16xi32>, vector<16xi32>], vector<16xf32>,
        }
        %scan3A_403 = arith.constant 4 : i32
      }
      %scan3A_322 = arith.constant 8 : i32
      %dma_start3A_323 = arith.constant 0 : i32
      %dma_start3A_324 = arith.constant 0 : i32
      %dma_start3A_325 = tpu.memref_slice %arg2[%dma_start3A_323, %dma_start3A_324] : memref<10000x128xf32, #tpu.memory_space<hbm>> -> memref<10000x128xf32, #tpu.memory_space<hbm>>
      tpu.enqueue_indirect_dma source(%dma_start3A_325 : memref<10000x128xf32, #tpu.memory_space<hbm>>) target(%arg19 : memref<64x128xf32, #tpu.memory_space<vmem>>) offsets(%arg13 : memref<64xi32, #tpu.memory_space<vmem>>) semaphore(%arg29 : memref<!tpu.dma_semaphore, #tpu.memory_space<semaphore_mem>>)
      %dma_start3A_326 = arith.constant 144 : i32
      %dma_start3A_327 = tpu.memref_slice %arg5[%dma_start3A_326, %mul3A_227] : memref<272x320000xf32, #tpu.memory_space<hbm>> -> memref<128x128xf32, #tpu.memory_space<hbm>>
      %dma_start3A_328 = arith.constant 144 : i32
      %dma_start3A_329 = tpu.memref_slice %arg5[%dma_start3A_328, %mul3A_227] : memref<272x320000xf32, #tpu.memory_space<hbm>> -> memref<128x128xf32, #tpu.memory_space<hbm>>
      tpu.enqueue_dma source(%arg11 : memref<128x128xf32, #tpu.memory_space<vmem>>) target(%dma_start3A_329 : memref<128x128xf32, #tpu.memory_space<hbm>>) target_semaphore(%arg26 : memref<!tpu.dma_semaphore, #tpu.memory_space<semaphore_mem>>)
      %add3A_330 = arith.constant 2 : i32
      %add3A_331 = arith.addi %mul3A_216, %add3A_330 : i32
      %mul3A_332 = arith.constant 32 : i32
      %mul3A_333 = arith.muli %mul3A_332, %add3A_331 : i32
      %add3A_334 = arith.addi %add3A, %mul3A_333 : i32
      %lt3A_335 = arith.constant 2500 : i32
      %lt3A_336 = arith.cmpi slt, %add3A_334, %lt3A_335 : i32
      %sub3A_337 = arith.constant 32 : i32
      %sub3A_338 = arith.subi %add3A_334, %sub3A_337 : i32
      %select_n3A_339 = arith.select %lt3A_336, %add3A_334, %sub3A_338 : i32
      %mul3A_340 = arith.constant 128 : i32
      %mul3A_341 = arith.muli %select_n3A_339, %mul3A_340 : i32
      %dma_start3A_342 = tpu.memref_slice %arg4[%mul3A_341] : memref<640000xi32, #tpu.memory_space<hbm>> -> memref<64xi32, #tpu.memory_space<hbm>>
      %dma_start3A_343 = tpu.memref_slice %arg4[%mul3A_341] : memref<640000xi32, #tpu.memory_space<hbm>> -> memref<64xi32, #tpu.memory_space<hbm>>
      tpu.enqueue_dma source(%dma_start3A_343 : memref<64xi32, #tpu.memory_space<hbm>>) target(%arg6 : memref<64xi32, #tpu.memory_space<vmem>>) target_semaphore(%arg20 : memref<!tpu.dma_semaphore, #tpu.memory_space<semaphore_mem>>)
      %add3A_344 = arith.constant 64 : i32
      %add3A_345 = arith.addi %mul3A_341, %add3A_344 : i32
      %dma_start3A_346 = tpu.memref_slice %arg4[%add3A_345] : memref<640000xi32, #tpu.memory_space<hbm>> -> memref<64xi32, #tpu.memory_space<hbm>>
      %dma_start3A_347 = tpu.memref_slice %arg4[%add3A_345] : memref<640000xi32, #tpu.memory_space<hbm>> -> memref<64xi32, #tpu.memory_space<hbm>>
      tpu.enqueue_dma source(%dma_start3A_347 : memref<64xi32, #tpu.memory_space<hbm>>) target(%arg7 : memref<64xi32, #tpu.memory_space<vmem>>) target_semaphore(%arg20 : memref<!tpu.dma_semaphore, #tpu.memory_space<semaphore_mem>>)
      %add3A_348 = arith.constant 320000 : i32
      %add3A_349 = arith.addi %add3A_348, %mul3A_341 : i32
      %dma_start3A_350 = tpu.memref_slice %arg4[%add3A_349] : memref<640000xi32, #tpu.memory_space<hbm>> -> memref<64xi32, #tpu.memory_space<hbm>>
      %dma_start3A_351 = tpu.memref_slice %arg4[%add3A_349] : memref<640000xi32, #tpu.memory_space<hbm>> -> memref<64xi32, #tpu.memory_space<hbm>>
      tpu.enqueue_dma source(%dma_start3A_351 : memref<64xi32, #tpu.memory_space<hbm>>) target(%arg8 : memref<64xi32, #tpu.memory_space<vmem>>) target_semaphore(%arg20 : memref<!tpu.dma_semaphore, #tpu.memory_space<semaphore_mem>>)
      %add3A_352 = arith.constant 320000 : i32
      %add3A_353 = arith.addi %add3A_352, %mul3A_341 : i32
      %add3A_354 = arith.constant 64 : i32
      %add3A_355 = arith.addi %add3A_353, %add3A_354 : i32
      %dma_start3A_356 = tpu.memref_slice %arg4[%add3A_355] : memref<640000xi32, #tpu.memory_space<hbm>> -> memref<64xi32, #tpu.memory_space<hbm>>
      %dma_start3A_357 = tpu.memref_slice %arg4[%add3A_355] : memref<640000xi32, #tpu.memory_space<hbm>> -> memref<64xi32, #tpu.memory_space<hbm>>
      tpu.enqueue_dma source(%dma_start3A_357 : memref<64xi32, #tpu.memory_space<hbm>>) target(%arg9 : memref<64xi32, #tpu.memory_space<vmem>>) target_semaphore(%arg20 : memref<!tpu.dma_semaphore, #tpu.memory_space<semaphore_mem>>)
      %lt3A_358 = arith.constant 39 : i32
      %lt3A_359 = arith.cmpi slt, %scan3A_214, %lt3A_358 : i32
      %convert_element_type3A_360 = arith.extui %lt3A_359 : i1 to i32
      %cond3A_361 = arith.constant 0 : i32
      %cond3A_362 = arith.cmpi ne, %convert_element_type3A_360, %cond3A_361 : i32
      scf.if %cond3A_362 {
        %mul3A_363 = arith.constant 2 : i32
        %mul3A_364 = arith.muli %mul3A_363, %scan3A_214 : i32
        %add3A_365 = arith.constant 1 : i32
        %add3A_366 = arith.addi %mul3A_364, %add3A_365 : i32
        %gt3A_367 = arith.constant 0 : i32
        %gt3A_368 = arith.cmpi sgt, %scan3A_214, %gt3A_367 : i32
        %mul3A_369 = arith.constant 32 : i32
        %mul3A_370 = arith.muli %mul3A_369, %add3A_366 : i32
        %add3A_371 = arith.addi %add3A, %mul3A_370 : i32
        %lt3A_372 = arith.constant 2500 : i32
        %lt3A_373 = arith.cmpi slt, %add3A_371, %lt3A_372 : i32
        %sub3A_374 = arith.constant 32 : i32
        %sub3A_375 = arith.subi %add3A_371, %sub3A_374 : i32
        %select_n3A_376 = arith.select %lt3A_373, %add3A_371, %sub3A_375 : i32
        %mul3A_377 = arith.constant 128 : i32
        %mul3A_378 = arith.muli %select_n3A_376, %mul3A_377 : i32
        %convert_element_type3A_379 = arith.extui %gt3A_368 : i1 to i32
        %cond3A_380 = arith.constant 0 : i32
        %cond3A_381 = arith.cmpi ne, %convert_element_type3A_379, %cond3A_380 : i32
        scf.if %cond3A_381 {
          %dma_wait3A_512 = arith.constant 0 : i32
          %dma_wait3A_513 = arith.constant 0 : i32
          %dma_wait3A_514 = tpu.memref_slice %arg5[%dma_wait3A_512, %dma_wait3A_513] : memref<272x320000xf32, #tpu.memory_space<hbm>> -> memref<144x128xf32, #tpu.memory_space<hbm>>
          %dma_wait3A_515 = arith.constant 0 : i32
          %dma_wait3A_516 = arith.constant 0 : i32
          %dma_wait3A_517 = tpu.memref_slice %arg5[%dma_wait3A_515, %dma_wait3A_516] : memref<272x320000xf32, #tpu.memory_space<hbm>> -> memref<144x128xf32, #tpu.memory_space<hbm>>
          tpu.wait_dma2 semaphore(%arg25 : memref<!tpu.dma_semaphore, #tpu.memory_space<semaphore_mem>>) src(%arg16 : memref<144x128xf32, #tpu.memory_space<vmem>>) dst(%dma_wait3A_517 : memref<144x128xf32, #tpu.memory_space<hbm>>)
          %dma_wait3A_518 = arith.constant 144 : i32
          %dma_wait3A_519 = arith.constant 0 : i32
          %dma_wait3A_520 = tpu.memref_slice %arg5[%dma_wait3A_518, %dma_wait3A_519] : memref<272x320000xf32, #tpu.memory_space<hbm>> -> memref<128x128xf32, #tpu.memory_space<hbm>>
          %dma_wait3A_521 = arith.constant 144 : i32
          %dma_wait3A_522 = arith.constant 0 : i32
          %dma_wait3A_523 = tpu.memref_slice %arg5[%dma_wait3A_521, %dma_wait3A_522] : memref<272x320000xf32, #tpu.memory_space<hbm>> -> memref<128x128xf32, #tpu.memory_space<hbm>>
          tpu.wait_dma2 semaphore(%arg27 : memref<!tpu.dma_semaphore, #tpu.memory_space<semaphore_mem>>) src(%arg17 : memref<128x128xf32, #tpu.memory_space<vmem>>) dst(%dma_wait3A_523 : memref<128x128xf32, #tpu.memory_space<hbm>>)
        } else {
        }
        %dma_start3A_382 = arith.constant 0 : i32
        %dma_start3A_383 = arith.constant 0 : i32
        %dma_start3A_384 = tpu.memref_slice %arg16[%dma_start3A_382, %dma_start3A_383] : memref<144x128xf32, #tpu.memory_space<vmem>> -> memref<16x128xf32, #tpu.memory_space<vmem>>
        %dma_start3A_385 = arith.constant 0 : i32
        %dma_start3A_386 = tpu.memref_slice %arg3[%dma_start3A_385, %mul3A_378] : memref<16x320000xf32, #tpu.memory_space<hbm>> -> memref<16x128xf32, #tpu.memory_space<hbm>>
        %dma_start3A_387 = arith.constant 0 : i32
        %dma_start3A_388 = arith.constant 0 : i32
        %dma_start3A_389 = tpu.memref_slice %arg16[%dma_start3A_387, %dma_start3A_388] : memref<144x128xf32, #tpu.memory_space<vmem>> -> memref<16x128xf32, #tpu.memory_space<vmem>>
        %dma_start3A_390 = arith.constant 0 : i32
        %dma_start3A_391 = tpu.memref_slice %arg3[%dma_start3A_390, %mul3A_378] : memref<16x320000xf32, #tpu.memory_space<hbm>> -> memref<16x128xf32, #tpu.memory_space<hbm>>
        tpu.enqueue_dma source(%dma_start3A_391 : memref<16x128xf32, #tpu.memory_space<hbm>>) target(%dma_start3A_389 : memref<16x128xf32, #tpu.memory_space<vmem>>) target_semaphore(%arg23 : memref<!tpu.dma_semaphore, #tpu.memory_space<semaphore_mem>>)
        %dma_wait3A_392 = arith.constant 0 : i32
        %dma_wait3A_393 = arith.constant 0 : i32
        %dma_wait3A_394 = tpu.memref_slice %arg2[%dma_wait3A_392, %dma_wait3A_393] : memref<10000x128xf32, #tpu.memory_space<hbm>> -> memref<10000x128xf32, #tpu.memory_space<hbm>>
        tpu.wait_indirect_dma semaphore(%arg28 : memref<!tpu.dma_semaphore, #tpu.memory_space<semaphore_mem>>) src(%dma_wait3A_394 : memref<10000x128xf32, #tpu.memory_space<hbm>>) dst(%arg18 : memref<64x128xf32, #tpu.memory_space<vmem>>)
        %broadcast_in_dim3A_395 = arith.constant 16 : i32
        %broadcast_in_dim3A_396 = vector.broadcast %broadcast_in_dim3A_395 : i32 to vector<16xi32>
        %scan3A_397 = arith.constant 0 : i32
        %scan3A_398 = arith.constant 0 : i32
        %scan3A_399 = arith.constant 8 : i32
        %scan3A_400 = arith.addi %scan3A_398, %scan3A_399 : i32
        %scan3A_401 = arith.constant 1 : i32
        scf.for %scan3A_512 = %scan3A_398 to %scan3A_400 step %scan3A_401  : i32 {
          %mul3A_513 = arith.constant 16 : i32
          %mul3A_514 = arith.muli %scan3A_512, %mul3A_513 : i32
          %broadcast_in_dim3A_515 = vector.broadcast %mul3A_514 : i32 to vector<16xi32>
          %add3A_516 = arith.addi %broadcast_in_dim3A_515, %and3A_5 : vector<16xi32>
          %broadcast_in_dim3A_517 = vector.broadcast %mul3A_514 : i32 to vector<16xi32>
          %add3A_518 = arith.addi %broadcast_in_dim3A_517, %and3A_11 : vector<16xi32>
          %broadcast_in_dim3A_519 = vector.broadcast %mul3A_514 : i32 to vector<16xi32>
          %add3A_520 = arith.addi %broadcast_in_dim3A_519, %and3A_17 : vector<16xi32>
          %broadcast_in_dim3A_521 = vector.broadcast %mul3A_514 : i32 to vector<16xi32>
          %add3A_522 = arith.addi %broadcast_in_dim3A_521, %and3A_23 : vector<16xi32>
          %broadcast_in_dim3A_523 = vector.broadcast %mul3A_514 : i32 to vector<16xi32>
          %add3A_524 = arith.addi %broadcast_in_dim3A_523, %and3A_29 : vector<16xi32>
          %broadcast_in_dim3A_525 = vector.broadcast %mul3A_514 : i32 to vector<16xi32>
          %add3A_526 = arith.addi %broadcast_in_dim3A_525, %and3A_35 : vector<16xi32>
          %broadcast_in_dim3A_527 = vector.broadcast %mul3A_514 : i32 to vector<16xi32>
          %add3A_528 = arith.addi %broadcast_in_dim3A_527, %and3A_41 : vector<16xi32>
          %broadcast_in_dim3A_529 = vector.broadcast %mul3A_514 : i32 to vector<16xi32>
          %add3A_530 = arith.addi %broadcast_in_dim3A_529, %and3A_47 : vector<16xi32>
          %broadcast_in_dim3A_531 = vector.broadcast %mul3A_514 : i32 to vector<16xi32>
          %add3A_532 = arith.addi %broadcast_in_dim3A_531, %and3A_53 : vector<16xi32>
          %broadcast_in_dim3A_533 = vector.broadcast %mul3A_514 : i32 to vector<16xi32>
          %add3A_534 = arith.addi %broadcast_in_dim3A_533, %and3A_59 : vector<16xi32>
          %broadcast_in_dim3A_535 = vector.broadcast %mul3A_514 : i32 to vector<16xi32>
          %add3A_536 = arith.addi %broadcast_in_dim3A_535, %and3A_65 : vector<16xi32>
          %broadcast_in_dim3A_537 = vector.broadcast %mul3A_514 : i32 to vector<16xi32>
          %add3A_538 = arith.addi %broadcast_in_dim3A_537, %and3A_71 : vector<16xi32>
          %broadcast_in_dim3A_539 = vector.broadcast %mul3A_514 : i32 to vector<16xi32>
          %add3A_540 = arith.addi %broadcast_in_dim3A_539, %and3A_77 : vector<16xi32>
          %broadcast_in_dim3A_541 = vector.broadcast %mul3A_514 : i32 to vector<16xi32>
          %add3A_542 = arith.addi %broadcast_in_dim3A_541, %and3A_83 : vector<16xi32>
          %broadcast_in_dim3A_543 = vector.broadcast %mul3A_514 : i32 to vector<16xi32>
          %add3A_544 = arith.addi %broadcast_in_dim3A_543, %and3A_89 : vector<16xi32>
          %broadcast_in_dim3A_545 = vector.broadcast %mul3A_514 : i32 to vector<16xi32>
          %add3A_546 = arith.addi %broadcast_in_dim3A_545, %and3A_95 : vector<16xi32>
          %scan3A_547 = arith.constant 0 : i32
          %scan3A_548 = arith.constant 0 : i32
          %scan3A_549 = arith.constant 4 : i32
          %scan3A_550 = arith.addi %scan3A_548, %scan3A_549 : i32
          %scan3A_551 = arith.constant 1 : i32
          scf.for %scan3A_553 = %scan3A_548 to %scan3A_550 step %scan3A_551  : i32 {
            %mul3A_554 = arith.constant 16 : i32
            %mul3A_555 = arith.muli %scan3A_553, %mul3A_554 : i32
            %broadcast_in_dim3A_556 = vector.broadcast %mul3A_555 : i32 to vector<16xi32>
            %add3A_557 = arith.addi %broadcast_in_dim3A_556, %iota3A : vector<16xi32>
            %add3A_558 = arith.constant 0 : i32
            %add3A_559 = arith.addi %add3A_558, %mul3A_555 : i32
            %broadcast_in_dim3A_560 = vector.broadcast %add3A_559 : i32 to vector<16xi32>
            %add3A_561 = arith.addi %broadcast_in_dim3A_560, %iota3A : vector<16xi32>
            %gather3A = tpu.vector_load_idx %arg18[%add3A_557, %add3A_516] : memref<64x128xf32, #tpu.memory_space<vmem>>[vector<16xi32>, vector<16xi32>], vector<16xf32>,
            %add3A_562 = arith.addi %add3A_516, %broadcast_in_dim3A_396 : vector<16xi32>
            tpu.vector_store_idx %arg16[%add3A_562, %add3A_561], %gather3A : memref<144x128xf32, #tpu.memory_space<vmem>>[vector<16xi32>, vector<16xi32>], vector<16xf32>,
            %gather3A_563 = tpu.vector_load_idx %arg18[%add3A_557, %add3A_518] : memref<64x128xf32, #tpu.memory_space<vmem>>[vector<16xi32>, vector<16xi32>], vector<16xf32>,
            %add3A_564 = arith.addi %add3A_518, %broadcast_in_dim3A_396 : vector<16xi32>
            tpu.vector_store_idx %arg16[%add3A_564, %add3A_561], %gather3A_563 : memref<144x128xf32, #tpu.memory_space<vmem>>[vector<16xi32>, vector<16xi32>], vector<16xf32>,
            %gather3A_565 = tpu.vector_load_idx %arg18[%add3A_557, %add3A_520] : memref<64x128xf32, #tpu.memory_space<vmem>>[vector<16xi32>, vector<16xi32>], vector<16xf32>,
            %add3A_566 = arith.addi %add3A_520, %broadcast_in_dim3A_396 : vector<16xi32>
            tpu.vector_store_idx %arg16[%add3A_566, %add3A_561], %gather3A_565 : memref<144x128xf32, #tpu.memory_space<vmem>>[vector<16xi32>, vector<16xi32>], vector<16xf32>,
            %gather3A_567 = tpu.vector_load_idx %arg18[%add3A_557, %add3A_522] : memref<64x128xf32, #tpu.memory_space<vmem>>[vector<16xi32>, vector<16xi32>], vector<16xf32>,
            %add3A_568 = arith.addi %add3A_522, %broadcast_in_dim3A_396 : vector<16xi32>
            tpu.vector_store_idx %arg16[%add3A_568, %add3A_561], %gather3A_567 : memref<144x128xf32, #tpu.memory_space<vmem>>[vector<16xi32>, vector<16xi32>], vector<16xf32>,
            %gather3A_569 = tpu.vector_load_idx %arg18[%add3A_557, %add3A_524] : memref<64x128xf32, #tpu.memory_space<vmem>>[vector<16xi32>, vector<16xi32>], vector<16xf32>,
            %add3A_570 = arith.addi %add3A_524, %broadcast_in_dim3A_396 : vector<16xi32>
            tpu.vector_store_idx %arg16[%add3A_570, %add3A_561], %gather3A_569 : memref<144x128xf32, #tpu.memory_space<vmem>>[vector<16xi32>, vector<16xi32>], vector<16xf32>,
            %gather3A_571 = tpu.vector_load_idx %arg18[%add3A_557, %add3A_526] : memref<64x128xf32, #tpu.memory_space<vmem>>[vector<16xi32>, vector<16xi32>], vector<16xf32>,
            %add3A_572 = arith.addi %add3A_526, %broadcast_in_dim3A_396 : vector<16xi32>
            tpu.vector_store_idx %arg16[%add3A_572, %add3A_561], %gather3A_571 : memref<144x128xf32, #tpu.memory_space<vmem>>[vector<16xi32>, vector<16xi32>], vector<16xf32>,
            %gather3A_573 = tpu.vector_load_idx %arg18[%add3A_557, %add3A_528] : memref<64x128xf32, #tpu.memory_space<vmem>>[vector<16xi32>, vector<16xi32>], vector<16xf32>,
            %add3A_574 = arith.addi %add3A_528, %broadcast_in_dim3A_396 : vector<16xi32>
            tpu.vector_store_idx %arg16[%add3A_574, %add3A_561], %gather3A_573 : memref<144x128xf32, #tpu.memory_space<vmem>>[vector<16xi32>, vector<16xi32>], vector<16xf32>,
            %gather3A_575 = tpu.vector_load_idx %arg18[%add3A_557, %add3A_530] : memref<64x128xf32, #tpu.memory_space<vmem>>[vector<16xi32>, vector<16xi32>], vector<16xf32>,
            %add3A_576 = arith.addi %add3A_530, %broadcast_in_dim3A_396 : vector<16xi32>
            tpu.vector_store_idx %arg16[%add3A_576, %add3A_561], %gather3A_575 : memref<144x128xf32, #tpu.memory_space<vmem>>[vector<16xi32>, vector<16xi32>], vector<16xf32>,
            %gather3A_577 = tpu.vector_load_idx %arg18[%add3A_557, %add3A_532] : memref<64x128xf32, #tpu.memory_space<vmem>>[vector<16xi32>, vector<16xi32>], vector<16xf32>,
            %add3A_578 = arith.addi %add3A_532, %broadcast_in_dim3A_396 : vector<16xi32>
            tpu.vector_store_idx %arg16[%add3A_578, %add3A_561], %gather3A_577 : memref<144x128xf32, #tpu.memory_space<vmem>>[vector<16xi32>, vector<16xi32>], vector<16xf32>,
            %gather3A_579 = tpu.vector_load_idx %arg18[%add3A_557, %add3A_534] : memref<64x128xf32, #tpu.memory_space<vmem>>[vector<16xi32>, vector<16xi32>], vector<16xf32>,
            %add3A_580 = arith.addi %add3A_534, %broadcast_in_dim3A_396 : vector<16xi32>
            tpu.vector_store_idx %arg16[%add3A_580, %add3A_561], %gather3A_579 : memref<144x128xf32, #tpu.memory_space<vmem>>[vector<16xi32>, vector<16xi32>], vector<16xf32>,
            %gather3A_581 = tpu.vector_load_idx %arg18[%add3A_557, %add3A_536] : memref<64x128xf32, #tpu.memory_space<vmem>>[vector<16xi32>, vector<16xi32>], vector<16xf32>,
            %add3A_582 = arith.addi %add3A_536, %broadcast_in_dim3A_396 : vector<16xi32>
            tpu.vector_store_idx %arg16[%add3A_582, %add3A_561], %gather3A_581 : memref<144x128xf32, #tpu.memory_space<vmem>>[vector<16xi32>, vector<16xi32>], vector<16xf32>,
            %gather3A_583 = tpu.vector_load_idx %arg18[%add3A_557, %add3A_538] : memref<64x128xf32, #tpu.memory_space<vmem>>[vector<16xi32>, vector<16xi32>], vector<16xf32>,
            %add3A_584 = arith.addi %add3A_538, %broadcast_in_dim3A_396 : vector<16xi32>
            tpu.vector_store_idx %arg16[%add3A_584, %add3A_561], %gather3A_583 : memref<144x128xf32, #tpu.memory_space<vmem>>[vector<16xi32>, vector<16xi32>], vector<16xf32>,
            %gather3A_585 = tpu.vector_load_idx %arg18[%add3A_557, %add3A_540] : memref<64x128xf32, #tpu.memory_space<vmem>>[vector<16xi32>, vector<16xi32>], vector<16xf32>,
            %add3A_586 = arith.addi %add3A_540, %broadcast_in_dim3A_396 : vector<16xi32>
            tpu.vector_store_idx %arg16[%add3A_586, %add3A_561], %gather3A_585 : memref<144x128xf32, #tpu.memory_space<vmem>>[vector<16xi32>, vector<16xi32>], vector<16xf32>,
            %gather3A_587 = tpu.vector_load_idx %arg18[%add3A_557, %add3A_542] : memref<64x128xf32, #tpu.memory_space<vmem>>[vector<16xi32>, vector<16xi32>], vector<16xf32>,
            %add3A_588 = arith.addi %add3A_542, %broadcast_in_dim3A_396 : vector<16xi32>
            tpu.vector_store_idx %arg16[%add3A_588, %add3A_561], %gather3A_587 : memref<144x128xf32, #tpu.memory_space<vmem>>[vector<16xi32>, vector<16xi32>], vector<16xf32>,
            %gather3A_589 = tpu.vector_load_idx %arg18[%add3A_557, %add3A_544] : memref<64x128xf32, #tpu.memory_space<vmem>>[vector<16xi32>, vector<16xi32>], vector<16xf32>,
            %add3A_590 = arith.addi %add3A_544, %broadcast_in_dim3A_396 : vector<16xi32>
            tpu.vector_store_idx %arg16[%add3A_590, %add3A_561], %gather3A_589 : memref<144x128xf32, #tpu.memory_space<vmem>>[vector<16xi32>, vector<16xi32>], vector<16xf32>,
            %gather3A_591 = tpu.vector_load_idx %arg18[%add3A_557, %add3A_546] : memref<64x128xf32, #tpu.memory_space<vmem>>[vector<16xi32>, vector<16xi32>], vector<16xf32>,
            %add3A_592 = arith.addi %add3A_546, %broadcast_in_dim3A_396 : vector<16xi32>
            tpu.vector_store_idx %arg16[%add3A_592, %add3A_561], %gather3A_591 : memref<144x128xf32, #tpu.memory_space<vmem>>[vector<16xi32>, vector<16xi32>], vector<16xf32>,
          }
          %scan3A_552 = arith.constant 4 : i32
        }
        %scan3A_402 = arith.constant 8 : i32
        %dma_start3A_403 = arith.constant 0 : i32
        %dma_start3A_404 = arith.constant 0 : i32
        %dma_start3A_405 = tpu.memref_slice %arg2[%dma_start3A_403, %dma_start3A_404] : memref<10000x128xf32, #tpu.memory_space<hbm>> -> memref<10000x128xf32, #tpu.memory_space<hbm>>
        tpu.enqueue_indirect_dma source(%dma_start3A_405 : memref<10000x128xf32, #tpu.memory_space<hbm>>) target(%arg18 : memref<64x128xf32, #tpu.memory_space<vmem>>) offsets(%arg14 : memref<64xi32, #tpu.memory_space<vmem>>) semaphore(%arg28 : memref<!tpu.dma_semaphore, #tpu.memory_space<semaphore_mem>>)
        %dma_wait3A_406 = arith.constant 0 : i32
        %dma_wait3A_407 = arith.constant 0 : i32
        %dma_wait3A_408 = tpu.memref_slice %arg2[%dma_wait3A_406, %dma_wait3A_407] : memref<10000x128xf32, #tpu.memory_space<hbm>> -> memref<10000x128xf32, #tpu.memory_space<hbm>>
        tpu.wait_indirect_dma semaphore(%arg29 : memref<!tpu.dma_semaphore, #tpu.memory_space<semaphore_mem>>) src(%dma_wait3A_408 : memref<10000x128xf32, #tpu.memory_space<hbm>>) dst(%arg19 : memref<64x128xf32, #tpu.memory_space<vmem>>)
        %broadcast_in_dim3A_409 = arith.constant 16 : i32
        %broadcast_in_dim3A_410 = vector.broadcast %broadcast_in_dim3A_409 : i32 to vector<16xi32>
        %scan3A_411 = arith.constant 0 : i32
        %scan3A_412 = arith.constant 0 : i32
        %scan3A_413 = arith.constant 8 : i32
        %scan3A_414 = arith.addi %scan3A_412, %scan3A_413 : i32
        %scan3A_415 = arith.constant 1 : i32
        scf.for %scan3A_512 = %scan3A_412 to %scan3A_414 step %scan3A_415  : i32 {
          %mul3A_513 = arith.constant 16 : i32
          %mul3A_514 = arith.muli %scan3A_512, %mul3A_513 : i32
          %broadcast_in_dim3A_515 = vector.broadcast %mul3A_514 : i32 to vector<16xi32>
          %add3A_516 = arith.addi %broadcast_in_dim3A_515, %and3A_5 : vector<16xi32>
          %broadcast_in_dim3A_517 = vector.broadcast %mul3A_514 : i32 to vector<16xi32>
          %add3A_518 = arith.addi %broadcast_in_dim3A_517, %and3A_11 : vector<16xi32>
          %broadcast_in_dim3A_519 = vector.broadcast %mul3A_514 : i32 to vector<16xi32>
          %add3A_520 = arith.addi %broadcast_in_dim3A_519, %and3A_17 : vector<16xi32>
          %broadcast_in_dim3A_521 = vector.broadcast %mul3A_514 : i32 to vector<16xi32>
          %add3A_522 = arith.addi %broadcast_in_dim3A_521, %and3A_23 : vector<16xi32>
          %broadcast_in_dim3A_523 = vector.broadcast %mul3A_514 : i32 to vector<16xi32>
          %add3A_524 = arith.addi %broadcast_in_dim3A_523, %and3A_29 : vector<16xi32>
          %broadcast_in_dim3A_525 = vector.broadcast %mul3A_514 : i32 to vector<16xi32>
          %add3A_526 = arith.addi %broadcast_in_dim3A_525, %and3A_35 : vector<16xi32>
          %broadcast_in_dim3A_527 = vector.broadcast %mul3A_514 : i32 to vector<16xi32>
          %add3A_528 = arith.addi %broadcast_in_dim3A_527, %and3A_41 : vector<16xi32>
          %broadcast_in_dim3A_529 = vector.broadcast %mul3A_514 : i32 to vector<16xi32>
          %add3A_530 = arith.addi %broadcast_in_dim3A_529, %and3A_47 : vector<16xi32>
          %broadcast_in_dim3A_531 = vector.broadcast %mul3A_514 : i32 to vector<16xi32>
          %add3A_532 = arith.addi %broadcast_in_dim3A_531, %and3A_53 : vector<16xi32>
          %broadcast_in_dim3A_533 = vector.broadcast %mul3A_514 : i32 to vector<16xi32>
          %add3A_534 = arith.addi %broadcast_in_dim3A_533, %and3A_59 : vector<16xi32>
          %broadcast_in_dim3A_535 = vector.broadcast %mul3A_514 : i32 to vector<16xi32>
          %add3A_536 = arith.addi %broadcast_in_dim3A_535, %and3A_65 : vector<16xi32>
          %broadcast_in_dim3A_537 = vector.broadcast %mul3A_514 : i32 to vector<16xi32>
          %add3A_538 = arith.addi %broadcast_in_dim3A_537, %and3A_71 : vector<16xi32>
          %broadcast_in_dim3A_539 = vector.broadcast %mul3A_514 : i32 to vector<16xi32>
          %add3A_540 = arith.addi %broadcast_in_dim3A_539, %and3A_77 : vector<16xi32>
          %broadcast_in_dim3A_541 = vector.broadcast %mul3A_514 : i32 to vector<16xi32>
          %add3A_542 = arith.addi %broadcast_in_dim3A_541, %and3A_83 : vector<16xi32>
          %broadcast_in_dim3A_543 = vector.broadcast %mul3A_514 : i32 to vector<16xi32>
          %add3A_544 = arith.addi %broadcast_in_dim3A_543, %and3A_89 : vector<16xi32>
          %broadcast_in_dim3A_545 = vector.broadcast %mul3A_514 : i32 to vector<16xi32>
          %add3A_546 = arith.addi %broadcast_in_dim3A_545, %and3A_95 : vector<16xi32>
          %scan3A_547 = arith.constant 0 : i32
          %scan3A_548 = arith.constant 0 : i32
          %scan3A_549 = arith.constant 4 : i32
          %scan3A_550 = arith.addi %scan3A_548, %scan3A_549 : i32
          %scan3A_551 = arith.constant 1 : i32
          scf.for %scan3A_553 = %scan3A_548 to %scan3A_550 step %scan3A_551  : i32 {
            %mul3A_554 = arith.constant 16 : i32
            %mul3A_555 = arith.muli %scan3A_553, %mul3A_554 : i32
            %broadcast_in_dim3A_556 = vector.broadcast %mul3A_555 : i32 to vector<16xi32>
            %add3A_557 = arith.addi %broadcast_in_dim3A_556, %iota3A : vector<16xi32>
            %add3A_558 = arith.constant 64 : i32
            %add3A_559 = arith.addi %add3A_558, %mul3A_555 : i32
            %broadcast_in_dim3A_560 = vector.broadcast %add3A_559 : i32 to vector<16xi32>
            %add3A_561 = arith.addi %broadcast_in_dim3A_560, %iota3A : vector<16xi32>
            %gather3A = tpu.vector_load_idx %arg19[%add3A_557, %add3A_516] : memref<64x128xf32, #tpu.memory_space<vmem>>[vector<16xi32>, vector<16xi32>], vector<16xf32>,
            %add3A_562 = arith.addi %add3A_516, %broadcast_in_dim3A_410 : vector<16xi32>
            tpu.vector_store_idx %arg16[%add3A_562, %add3A_561], %gather3A : memref<144x128xf32, #tpu.memory_space<vmem>>[vector<16xi32>, vector<16xi32>], vector<16xf32>,
            %gather3A_563 = tpu.vector_load_idx %arg19[%add3A_557, %add3A_518] : memref<64x128xf32, #tpu.memory_space<vmem>>[vector<16xi32>, vector<16xi32>], vector<16xf32>,
            %add3A_564 = arith.addi %add3A_518, %broadcast_in_dim3A_410 : vector<16xi32>
            tpu.vector_store_idx %arg16[%add3A_564, %add3A_561], %gather3A_563 : memref<144x128xf32, #tpu.memory_space<vmem>>[vector<16xi32>, vector<16xi32>], vector<16xf32>,
            %gather3A_565 = tpu.vector_load_idx %arg19[%add3A_557, %add3A_520] : memref<64x128xf32, #tpu.memory_space<vmem>>[vector<16xi32>, vector<16xi32>], vector<16xf32>,
            %add3A_566 = arith.addi %add3A_520, %broadcast_in_dim3A_410 : vector<16xi32>
            tpu.vector_store_idx %arg16[%add3A_566, %add3A_561], %gather3A_565 : memref<144x128xf32, #tpu.memory_space<vmem>>[vector<16xi32>, vector<16xi32>], vector<16xf32>,
            %gather3A_567 = tpu.vector_load_idx %arg19[%add3A_557, %add3A_522] : memref<64x128xf32, #tpu.memory_space<vmem>>[vector<16xi32>, vector<16xi32>], vector<16xf32>,
            %add3A_568 = arith.addi %add3A_522, %broadcast_in_dim3A_410 : vector<16xi32>
            tpu.vector_store_idx %arg16[%add3A_568, %add3A_561], %gather3A_567 : memref<144x128xf32, #tpu.memory_space<vmem>>[vector<16xi32>, vector<16xi32>], vector<16xf32>,
            %gather3A_569 = tpu.vector_load_idx %arg19[%add3A_557, %add3A_524] : memref<64x128xf32, #tpu.memory_space<vmem>>[vector<16xi32>, vector<16xi32>], vector<16xf32>,
            %add3A_570 = arith.addi %add3A_524, %broadcast_in_dim3A_410 : vector<16xi32>
            tpu.vector_store_idx %arg16[%add3A_570, %add3A_561], %gather3A_569 : memref<144x128xf32, #tpu.memory_space<vmem>>[vector<16xi32>, vector<16xi32>], vector<16xf32>,
            %gather3A_571 = tpu.vector_load_idx %arg19[%add3A_557, %add3A_526] : memref<64x128xf32, #tpu.memory_space<vmem>>[vector<16xi32>, vector<16xi32>], vector<16xf32>,
            %add3A_572 = arith.addi %add3A_526, %broadcast_in_dim3A_410 : vector<16xi32>
            tpu.vector_store_idx %arg16[%add3A_572, %add3A_561], %gather3A_571 : memref<144x128xf32, #tpu.memory_space<vmem>>[vector<16xi32>, vector<16xi32>], vector<16xf32>,
            %gather3A_573 = tpu.vector_load_idx %arg19[%add3A_557, %add3A_528] : memref<64x128xf32, #tpu.memory_space<vmem>>[vector<16xi32>, vector<16xi32>], vector<16xf32>,
            %add3A_574 = arith.addi %add3A_528, %broadcast_in_dim3A_410 : vector<16xi32>
            tpu.vector_store_idx %arg16[%add3A_574, %add3A_561], %gather3A_573 : memref<144x128xf32, #tpu.memory_space<vmem>>[vector<16xi32>, vector<16xi32>], vector<16xf32>,
            %gather3A_575 = tpu.vector_load_idx %arg19[%add3A_557, %add3A_530] : memref<64x128xf32, #tpu.memory_space<vmem>>[vector<16xi32>, vector<16xi32>], vector<16xf32>,
            %add3A_576 = arith.addi %add3A_530, %broadcast_in_dim3A_410 : vector<16xi32>
            tpu.vector_store_idx %arg16[%add3A_576, %add3A_561], %gather3A_575 : memref<144x128xf32, #tpu.memory_space<vmem>>[vector<16xi32>, vector<16xi32>], vector<16xf32>,
            %gather3A_577 = tpu.vector_load_idx %arg19[%add3A_557, %add3A_532] : memref<64x128xf32, #tpu.memory_space<vmem>>[vector<16xi32>, vector<16xi32>], vector<16xf32>,
            %add3A_578 = arith.addi %add3A_532, %broadcast_in_dim3A_410 : vector<16xi32>
            tpu.vector_store_idx %arg16[%add3A_578, %add3A_561], %gather3A_577 : memref<144x128xf32, #tpu.memory_space<vmem>>[vector<16xi32>, vector<16xi32>], vector<16xf32>,
            %gather3A_579 = tpu.vector_load_idx %arg19[%add3A_557, %add3A_534] : memref<64x128xf32, #tpu.memory_space<vmem>>[vector<16xi32>, vector<16xi32>], vector<16xf32>,
            %add3A_580 = arith.addi %add3A_534, %broadcast_in_dim3A_410 : vector<16xi32>
            tpu.vector_store_idx %arg16[%add3A_580, %add3A_561], %gather3A_579 : memref<144x128xf32, #tpu.memory_space<vmem>>[vector<16xi32>, vector<16xi32>], vector<16xf32>,
            %gather3A_581 = tpu.vector_load_idx %arg19[%add3A_557, %add3A_536] : memref<64x128xf32, #tpu.memory_space<vmem>>[vector<16xi32>, vector<16xi32>], vector<16xf32>,
            %add3A_582 = arith.addi %add3A_536, %broadcast_in_dim3A_410 : vector<16xi32>
            tpu.vector_store_idx %arg16[%add3A_582, %add3A_561], %gather3A_581 : memref<144x128xf32, #tpu.memory_space<vmem>>[vector<16xi32>, vector<16xi32>], vector<16xf32>,
            %gather3A_583 = tpu.vector_load_idx %arg19[%add3A_557, %add3A_538] : memref<64x128xf32, #tpu.memory_space<vmem>>[vector<16xi32>, vector<16xi32>], vector<16xf32>,
            %add3A_584 = arith.addi %add3A_538, %broadcast_in_dim3A_410 : vector<16xi32>
            tpu.vector_store_idx %arg16[%add3A_584, %add3A_561], %gather3A_583 : memref<144x128xf32, #tpu.memory_space<vmem>>[vector<16xi32>, vector<16xi32>], vector<16xf32>,
            %gather3A_585 = tpu.vector_load_idx %arg19[%add3A_557, %add3A_540] : memref<64x128xf32, #tpu.memory_space<vmem>>[vector<16xi32>, vector<16xi32>], vector<16xf32>,
            %add3A_586 = arith.addi %add3A_540, %broadcast_in_dim3A_410 : vector<16xi32>
            tpu.vector_store_idx %arg16[%add3A_586, %add3A_561], %gather3A_585 : memref<144x128xf32, #tpu.memory_space<vmem>>[vector<16xi32>, vector<16xi32>], vector<16xf32>,
            %gather3A_587 = tpu.vector_load_idx %arg19[%add3A_557, %add3A_542] : memref<64x128xf32, #tpu.memory_space<vmem>>[vector<16xi32>, vector<16xi32>], vector<16xf32>,
            %add3A_588 = arith.addi %add3A_542, %broadcast_in_dim3A_410 : vector<16xi32>
            tpu.vector_store_idx %arg16[%add3A_588, %add3A_561], %gather3A_587 : memref<144x128xf32, #tpu.memory_space<vmem>>[vector<16xi32>, vector<16xi32>], vector<16xf32>,
            %gather3A_589 = tpu.vector_load_idx %arg19[%add3A_557, %add3A_544] : memref<64x128xf32, #tpu.memory_space<vmem>>[vector<16xi32>, vector<16xi32>], vector<16xf32>,
            %add3A_590 = arith.addi %add3A_544, %broadcast_in_dim3A_410 : vector<16xi32>
            tpu.vector_store_idx %arg16[%add3A_590, %add3A_561], %gather3A_589 : memref<144x128xf32, #tpu.memory_space<vmem>>[vector<16xi32>, vector<16xi32>], vector<16xf32>,
            %gather3A_591 = tpu.vector_load_idx %arg19[%add3A_557, %add3A_546] : memref<64x128xf32, #tpu.memory_space<vmem>>[vector<16xi32>, vector<16xi32>], vector<16xf32>,
            %add3A_592 = arith.addi %add3A_546, %broadcast_in_dim3A_410 : vector<16xi32>
            tpu.vector_store_idx %arg16[%add3A_592, %add3A_561], %gather3A_591 : memref<144x128xf32, #tpu.memory_space<vmem>>[vector<16xi32>, vector<16xi32>], vector<16xf32>,
          }
          %scan3A_552 = arith.constant 4 : i32
        }
        %scan3A_416 = arith.constant 8 : i32
        %dma_start3A_417 = arith.constant 0 : i32
        %dma_start3A_418 = arith.constant 0 : i32
        %dma_start3A_419 = tpu.memref_slice %arg2[%dma_start3A_417, %dma_start3A_418] : memref<10000x128xf32, #tpu.memory_space<hbm>> -> memref<10000x128xf32, #tpu.memory_space<hbm>>
        tpu.enqueue_indirect_dma source(%dma_start3A_419 : memref<10000x128xf32, #tpu.memory_space<hbm>>) target(%arg19 : memref<64x128xf32, #tpu.memory_space<vmem>>) offsets(%arg15 : memref<64xi32, #tpu.memory_space<vmem>>) semaphore(%arg29 : memref<!tpu.dma_semaphore, #tpu.memory_space<semaphore_mem>>)
        %dma_wait3A_420 = arith.constant 0 : i32
        %dma_wait3A_421 = arith.constant 0 : i32
        %dma_wait3A_422 = tpu.memref_slice %arg16[%dma_wait3A_420, %dma_wait3A_421] : memref<144x128xf32, #tpu.memory_space<vmem>> -> memref<16x128xf32, #tpu.memory_space<vmem>>
        %dma_wait3A_423 = arith.constant 0 : i32
        %dma_wait3A_424 = arith.constant 0 : i32
        %dma_wait3A_425 = tpu.memref_slice %arg3[%dma_wait3A_423, %dma_wait3A_424] : memref<16x320000xf32, #tpu.memory_space<hbm>> -> memref<16x128xf32, #tpu.memory_space<hbm>>
        %dma_wait3A_426 = arith.constant 0 : i32
        %dma_wait3A_427 = arith.constant 0 : i32
        %dma_wait3A_428 = tpu.memref_slice %arg16[%dma_wait3A_426, %dma_wait3A_427] : memref<144x128xf32, #tpu.memory_space<vmem>> -> memref<16x128xf32, #tpu.memory_space<vmem>>
        %dma_wait3A_429 = arith.constant 0 : i32
        %dma_wait3A_430 = arith.constant 0 : i32
        %dma_wait3A_431 = tpu.memref_slice %arg3[%dma_wait3A_429, %dma_wait3A_430] : memref<16x320000xf32, #tpu.memory_space<hbm>> -> memref<16x128xf32, #tpu.memory_space<hbm>>
        tpu.wait_dma2 semaphore(%arg23 : memref<!tpu.dma_semaphore, #tpu.memory_space<semaphore_mem>>) src(%dma_wait3A_431 : memref<16x128xf32, #tpu.memory_space<hbm>>) dst(%dma_wait3A_428 : memref<16x128xf32, #tpu.memory_space<vmem>>)
        %dma_start3A_432 = arith.constant 0 : i32
        %dma_start3A_433 = tpu.memref_slice %arg5[%dma_start3A_432, %mul3A_378] : memref<272x320000xf32, #tpu.memory_space<hbm>> -> memref<144x128xf32, #tpu.memory_space<hbm>>
        %dma_start3A_434 = arith.constant 0 : i32
        %dma_start3A_435 = tpu.memref_slice %arg5[%dma_start3A_434, %mul3A_378] : memref<272x320000xf32, #tpu.memory_space<hbm>> -> memref<144x128xf32, #tpu.memory_space<hbm>>
        tpu.enqueue_dma source(%arg16 : memref<144x128xf32, #tpu.memory_space<vmem>>) target(%dma_start3A_435 : memref<144x128xf32, #tpu.memory_space<hbm>>) target_semaphore(%arg25 : memref<!tpu.dma_semaphore, #tpu.memory_space<semaphore_mem>>)
        %dma_wait3A_436 = arith.constant 0 : i32
        %dma_wait3A_437 = arith.constant 0 : i32
        %dma_wait3A_438 = tpu.memref_slice %arg2[%dma_wait3A_436, %dma_wait3A_437] : memref<10000x128xf32, #tpu.memory_space<hbm>> -> memref<10000x128xf32, #tpu.memory_space<hbm>>
        tpu.wait_indirect_dma semaphore(%arg28 : memref<!tpu.dma_semaphore, #tpu.memory_space<semaphore_mem>>) src(%dma_wait3A_438 : memref<10000x128xf32, #tpu.memory_space<hbm>>) dst(%arg18 : memref<64x128xf32, #tpu.memory_space<vmem>>)
        %broadcast_in_dim3A_439 = arith.constant 0 : i32
        %broadcast_in_dim3A_440 = vector.broadcast %broadcast_in_dim3A_439 : i32 to vector<16xi32>
        %scan3A_441 = arith.constant 0 : i32
        %scan3A_442 = arith.constant 0 : i32
        %scan3A_443 = arith.constant 8 : i32
        %scan3A_444 = arith.addi %scan3A_442, %scan3A_443 : i32
        %scan3A_445 = arith.constant 1 : i32
        scf.for %scan3A_512 = %scan3A_442 to %scan3A_444 step %scan3A_445  : i32 {
          %mul3A_513 = arith.constant 16 : i32
          %mul3A_514 = arith.muli %scan3A_512, %mul3A_513 : i32
          %broadcast_in_dim3A_515 = vector.broadcast %mul3A_514 : i32 to vector<16xi32>
          %add3A_516 = arith.addi %broadcast_in_dim3A_515, %and3A_5 : vector<16xi32>
          %broadcast_in_dim3A_517 = vector.broadcast %mul3A_514 : i32 to vector<16xi32>
          %add3A_518 = arith.addi %broadcast_in_dim3A_517, %and3A_11 : vector<16xi32>
          %broadcast_in_dim3A_519 = vector.broadcast %mul3A_514 : i32 to vector<16xi32>
          %add3A_520 = arith.addi %broadcast_in_dim3A_519, %and3A_17 : vector<16xi32>
          %broadcast_in_dim3A_521 = vector.broadcast %mul3A_514 : i32 to vector<16xi32>
          %add3A_522 = arith.addi %broadcast_in_dim3A_521, %and3A_23 : vector<16xi32>
          %broadcast_in_dim3A_523 = vector.broadcast %mul3A_514 : i32 to vector<16xi32>
          %add3A_524 = arith.addi %broadcast_in_dim3A_523, %and3A_29 : vector<16xi32>
          %broadcast_in_dim3A_525 = vector.broadcast %mul3A_514 : i32 to vector<16xi32>
          %add3A_526 = arith.addi %broadcast_in_dim3A_525, %and3A_35 : vector<16xi32>
          %broadcast_in_dim3A_527 = vector.broadcast %mul3A_514 : i32 to vector<16xi32>
          %add3A_528 = arith.addi %broadcast_in_dim3A_527, %and3A_41 : vector<16xi32>
          %broadcast_in_dim3A_529 = vector.broadcast %mul3A_514 : i32 to vector<16xi32>
          %add3A_530 = arith.addi %broadcast_in_dim3A_529, %and3A_47 : vector<16xi32>
          %broadcast_in_dim3A_531 = vector.broadcast %mul3A_514 : i32 to vector<16xi32>
          %add3A_532 = arith.addi %broadcast_in_dim3A_531, %and3A_53 : vector<16xi32>
          %broadcast_in_dim3A_533 = vector.broadcast %mul3A_514 : i32 to vector<16xi32>
          %add3A_534 = arith.addi %broadcast_in_dim3A_533, %and3A_59 : vector<16xi32>
          %broadcast_in_dim3A_535 = vector.broadcast %mul3A_514 : i32 to vector<16xi32>
          %add3A_536 = arith.addi %broadcast_in_dim3A_535, %and3A_65 : vector<16xi32>
          %broadcast_in_dim3A_537 = vector.broadcast %mul3A_514 : i32 to vector<16xi32>
          %add3A_538 = arith.addi %broadcast_in_dim3A_537, %and3A_71 : vector<16xi32>
          %broadcast_in_dim3A_539 = vector.broadcast %mul3A_514 : i32 to vector<16xi32>
          %add3A_540 = arith.addi %broadcast_in_dim3A_539, %and3A_77 : vector<16xi32>
          %broadcast_in_dim3A_541 = vector.broadcast %mul3A_514 : i32 to vector<16xi32>
          %add3A_542 = arith.addi %broadcast_in_dim3A_541, %and3A_83 : vector<16xi32>
          %broadcast_in_dim3A_543 = vector.broadcast %mul3A_514 : i32 to vector<16xi32>
          %add3A_544 = arith.addi %broadcast_in_dim3A_543, %and3A_89 : vector<16xi32>
          %broadcast_in_dim3A_545 = vector.broadcast %mul3A_514 : i32 to vector<16xi32>
          %add3A_546 = arith.addi %broadcast_in_dim3A_545, %and3A_95 : vector<16xi32>
          %scan3A_547 = arith.constant 0 : i32
          %scan3A_548 = arith.constant 0 : i32
          %scan3A_549 = arith.constant 4 : i32
          %scan3A_550 = arith.addi %scan3A_548, %scan3A_549 : i32
          %scan3A_551 = arith.constant 1 : i32
          scf.for %scan3A_553 = %scan3A_548 to %scan3A_550 step %scan3A_551  : i32 {
            %mul3A_554 = arith.constant 16 : i32
            %mul3A_555 = arith.muli %scan3A_553, %mul3A_554 : i32
            %broadcast_in_dim3A_556 = vector.broadcast %mul3A_555 : i32 to vector<16xi32>
            %add3A_557 = arith.addi %broadcast_in_dim3A_556, %iota3A : vector<16xi32>
            %add3A_558 = arith.constant 0 : i32
            %add3A_559 = arith.addi %add3A_558, %mul3A_555 : i32
            %broadcast_in_dim3A_560 = vector.broadcast %add3A_559 : i32 to vector<16xi32>
            %add3A_561 = arith.addi %broadcast_in_dim3A_560, %iota3A : vector<16xi32>
            %gather3A = tpu.vector_load_idx %arg18[%add3A_557, %add3A_516] : memref<64x128xf32, #tpu.memory_space<vmem>>[vector<16xi32>, vector<16xi32>], vector<16xf32>,
            tpu.vector_store_idx %arg17[%add3A_516, %add3A_561], %gather3A : memref<128x128xf32, #tpu.memory_space<vmem>>[vector<16xi32>, vector<16xi32>], vector<16xf32>,
            %gather3A_562 = tpu.vector_load_idx %arg18[%add3A_557, %add3A_518] : memref<64x128xf32, #tpu.memory_space<vmem>>[vector<16xi32>, vector<16xi32>], vector<16xf32>,
            tpu.vector_store_idx %arg17[%add3A_518, %add3A_561], %gather3A_562 : memref<128x128xf32, #tpu.memory_space<vmem>>[vector<16xi32>, vector<16xi32>], vector<16xf32>,
            %gather3A_563 = tpu.vector_load_idx %arg18[%add3A_557, %add3A_520] : memref<64x128xf32, #tpu.memory_space<vmem>>[vector<16xi32>, vector<16xi32>], vector<16xf32>,
            tpu.vector_store_idx %arg17[%add3A_520, %add3A_561], %gather3A_563 : memref<128x128xf32, #tpu.memory_space<vmem>>[vector<16xi32>, vector<16xi32>], vector<16xf32>,
            %gather3A_564 = tpu.vector_load_idx %arg18[%add3A_557, %add3A_522] : memref<64x128xf32, #tpu.memory_space<vmem>>[vector<16xi32>, vector<16xi32>], vector<16xf32>,
            tpu.vector_store_idx %arg17[%add3A_522, %add3A_561], %gather3A_564 : memref<128x128xf32, #tpu.memory_space<vmem>>[vector<16xi32>, vector<16xi32>], vector<16xf32>,
            %gather3A_565 = tpu.vector_load_idx %arg18[%add3A_557, %add3A_524] : memref<64x128xf32, #tpu.memory_space<vmem>>[vector<16xi32>, vector<16xi32>], vector<16xf32>,
            tpu.vector_store_idx %arg17[%add3A_524, %add3A_561], %gather3A_565 : memref<128x128xf32, #tpu.memory_space<vmem>>[vector<16xi32>, vector<16xi32>], vector<16xf32>,
            %gather3A_566 = tpu.vector_load_idx %arg18[%add3A_557, %add3A_526] : memref<64x128xf32, #tpu.memory_space<vmem>>[vector<16xi32>, vector<16xi32>], vector<16xf32>,
            tpu.vector_store_idx %arg17[%add3A_526, %add3A_561], %gather3A_566 : memref<128x128xf32, #tpu.memory_space<vmem>>[vector<16xi32>, vector<16xi32>], vector<16xf32>,
            %gather3A_567 = tpu.vector_load_idx %arg18[%add3A_557, %add3A_528] : memref<64x128xf32, #tpu.memory_space<vmem>>[vector<16xi32>, vector<16xi32>], vector<16xf32>,
            tpu.vector_store_idx %arg17[%add3A_528, %add3A_561], %gather3A_567 : memref<128x128xf32, #tpu.memory_space<vmem>>[vector<16xi32>, vector<16xi32>], vector<16xf32>,
            %gather3A_568 = tpu.vector_load_idx %arg18[%add3A_557, %add3A_530] : memref<64x128xf32, #tpu.memory_space<vmem>>[vector<16xi32>, vector<16xi32>], vector<16xf32>,
            tpu.vector_store_idx %arg17[%add3A_530, %add3A_561], %gather3A_568 : memref<128x128xf32, #tpu.memory_space<vmem>>[vector<16xi32>, vector<16xi32>], vector<16xf32>,
            %gather3A_569 = tpu.vector_load_idx %arg18[%add3A_557, %add3A_532] : memref<64x128xf32, #tpu.memory_space<vmem>>[vector<16xi32>, vector<16xi32>], vector<16xf32>,
            tpu.vector_store_idx %arg17[%add3A_532, %add3A_561], %gather3A_569 : memref<128x128xf32, #tpu.memory_space<vmem>>[vector<16xi32>, vector<16xi32>], vector<16xf32>,
            %gather3A_570 = tpu.vector_load_idx %arg18[%add3A_557, %add3A_534] : memref<64x128xf32, #tpu.memory_space<vmem>>[vector<16xi32>, vector<16xi32>], vector<16xf32>,
            tpu.vector_store_idx %arg17[%add3A_534, %add3A_561], %gather3A_570 : memref<128x128xf32, #tpu.memory_space<vmem>>[vector<16xi32>, vector<16xi32>], vector<16xf32>,
            %gather3A_571 = tpu.vector_load_idx %arg18[%add3A_557, %add3A_536] : memref<64x128xf32, #tpu.memory_space<vmem>>[vector<16xi32>, vector<16xi32>], vector<16xf32>,
            tpu.vector_store_idx %arg17[%add3A_536, %add3A_561], %gather3A_571 : memref<128x128xf32, #tpu.memory_space<vmem>>[vector<16xi32>, vector<16xi32>], vector<16xf32>,
            %gather3A_572 = tpu.vector_load_idx %arg18[%add3A_557, %add3A_538] : memref<64x128xf32, #tpu.memory_space<vmem>>[vector<16xi32>, vector<16xi32>], vector<16xf32>,
            tpu.vector_store_idx %arg17[%add3A_538, %add3A_561], %gather3A_572 : memref<128x128xf32, #tpu.memory_space<vmem>>[vector<16xi32>, vector<16xi32>], vector<16xf32>,
            %gather3A_573 = tpu.vector_load_idx %arg18[%add3A_557, %add3A_540] : memref<64x128xf32, #tpu.memory_space<vmem>>[vector<16xi32>, vector<16xi32>], vector<16xf32>,
            tpu.vector_store_idx %arg17[%add3A_540, %add3A_561], %gather3A_573 : memref<128x128xf32, #tpu.memory_space<vmem>>[vector<16xi32>, vector<16xi32>], vector<16xf32>,
            %gather3A_574 = tpu.vector_load_idx %arg18[%add3A_557, %add3A_542] : memref<64x128xf32, #tpu.memory_space<vmem>>[vector<16xi32>, vector<16xi32>], vector<16xf32>,
            tpu.vector_store_idx %arg17[%add3A_542, %add3A_561], %gather3A_574 : memref<128x128xf32, #tpu.memory_space<vmem>>[vector<16xi32>, vector<16xi32>], vector<16xf32>,
            %gather3A_575 = tpu.vector_load_idx %arg18[%add3A_557, %add3A_544] : memref<64x128xf32, #tpu.memory_space<vmem>>[vector<16xi32>, vector<16xi32>], vector<16xf32>,
            tpu.vector_store_idx %arg17[%add3A_544, %add3A_561], %gather3A_575 : memref<128x128xf32, #tpu.memory_space<vmem>>[vector<16xi32>, vector<16xi32>], vector<16xf32>,
            %gather3A_576 = tpu.vector_load_idx %arg18[%add3A_557, %add3A_546] : memref<64x128xf32, #tpu.memory_space<vmem>>[vector<16xi32>, vector<16xi32>], vector<16xf32>,
            tpu.vector_store_idx %arg17[%add3A_546, %add3A_561], %gather3A_576 : memref<128x128xf32, #tpu.memory_space<vmem>>[vector<16xi32>, vector<16xi32>], vector<16xf32>,
          }
          %scan3A_552 = arith.constant 4 : i32
        }
        %scan3A_446 = arith.constant 8 : i32
        %dma_wait3A_447 = arith.constant 0 : i32
        %dma_wait3A_448 = tpu.memref_slice %arg4[%dma_wait3A_447] : memref<640000xi32, #tpu.memory_space<hbm>> -> memref<64xi32, #tpu.memory_space<hbm>>
        %dma_wait3A_449 = arith.constant 0 : i32
        %dma_wait3A_450 = tpu.memref_slice %arg4[%dma_wait3A_449] : memref<640000xi32, #tpu.memory_space<hbm>> -> memref<64xi32, #tpu.memory_space<hbm>>
        tpu.wait_dma2 semaphore(%arg20 : memref<!tpu.dma_semaphore, #tpu.memory_space<semaphore_mem>>) src(%dma_wait3A_450 : memref<64xi32, #tpu.memory_space<hbm>>) dst(%arg6 : memref<64xi32, #tpu.memory_space<vmem>>)
        %dma_wait3A_451 = arith.constant 0 : i32
        %dma_wait3A_452 = tpu.memref_slice %arg4[%dma_wait3A_451] : memref<640000xi32, #tpu.memory_space<hbm>> -> memref<64xi32, #tpu.memory_space<hbm>>
        %dma_wait3A_453 = arith.constant 0 : i32
        %dma_wait3A_454 = tpu.memref_slice %arg4[%dma_wait3A_453] : memref<640000xi32, #tpu.memory_space<hbm>> -> memref<64xi32, #tpu.memory_space<hbm>>
        tpu.wait_dma2 semaphore(%arg20 : memref<!tpu.dma_semaphore, #tpu.memory_space<semaphore_mem>>) src(%dma_wait3A_454 : memref<64xi32, #tpu.memory_space<hbm>>) dst(%arg6 : memref<64xi32, #tpu.memory_space<vmem>>)
        %dma_wait3A_455 = arith.constant 0 : i32
        %dma_wait3A_456 = tpu.memref_slice %arg4[%dma_wait3A_455] : memref<640000xi32, #tpu.memory_space<hbm>> -> memref<64xi32, #tpu.memory_space<hbm>>
        %dma_wait3A_457 = arith.constant 0 : i32
        %dma_wait3A_458 = tpu.memref_slice %arg4[%dma_wait3A_457] : memref<640000xi32, #tpu.memory_space<hbm>> -> memref<64xi32, #tpu.memory_space<hbm>>
        tpu.wait_dma2 semaphore(%arg20 : memref<!tpu.dma_semaphore, #tpu.memory_space<semaphore_mem>>) src(%dma_wait3A_458 : memref<64xi32, #tpu.memory_space<hbm>>) dst(%arg6 : memref<64xi32, #tpu.memory_space<vmem>>)
        %dma_wait3A_459 = arith.constant 0 : i32
        %dma_wait3A_460 = tpu.memref_slice %arg4[%dma_wait3A_459] : memref<640000xi32, #tpu.memory_space<hbm>> -> memref<64xi32, #tpu.memory_space<hbm>>
        %dma_wait3A_461 = arith.constant 0 : i32
        %dma_wait3A_462 = tpu.memref_slice %arg4[%dma_wait3A_461] : memref<640000xi32, #tpu.memory_space<hbm>> -> memref<64xi32, #tpu.memory_space<hbm>>
        tpu.wait_dma2 semaphore(%arg20 : memref<!tpu.dma_semaphore, #tpu.memory_space<semaphore_mem>>) src(%dma_wait3A_462 : memref<64xi32, #tpu.memory_space<hbm>>) dst(%arg6 : memref<64xi32, #tpu.memory_space<vmem>>)
        %dma_start3A_463 = arith.constant 0 : i32
        %dma_start3A_464 = arith.constant 0 : i32
        %dma_start3A_465 = tpu.memref_slice %arg2[%dma_start3A_463, %dma_start3A_464] : memref<10000x128xf32, #tpu.memory_space<hbm>> -> memref<10000x128xf32, #tpu.memory_space<hbm>>
        tpu.enqueue_indirect_dma source(%dma_start3A_465 : memref<10000x128xf32, #tpu.memory_space<hbm>>) target(%arg18 : memref<64x128xf32, #tpu.memory_space<vmem>>) offsets(%arg6 : memref<64xi32, #tpu.memory_space<vmem>>) semaphore(%arg28 : memref<!tpu.dma_semaphore, #tpu.memory_space<semaphore_mem>>)
        %dma_wait3A_466 = arith.constant 0 : i32
        %dma_wait3A_467 = arith.constant 0 : i32
        %dma_wait3A_468 = tpu.memref_slice %arg2[%dma_wait3A_466, %dma_wait3A_467] : memref<10000x128xf32, #tpu.memory_space<hbm>> -> memref<10000x128xf32, #tpu.memory_space<hbm>>
        tpu.wait_indirect_dma semaphore(%arg29 : memref<!tpu.dma_semaphore, #tpu.memory_space<semaphore_mem>>) src(%dma_wait3A_468 : memref<10000x128xf32, #tpu.memory_space<hbm>>) dst(%arg19 : memref<64x128xf32, #tpu.memory_space<vmem>>)
        %broadcast_in_dim3A_469 = arith.constant 0 : i32
        %broadcast_in_dim3A_470 = vector.broadcast %broadcast_in_dim3A_469 : i32 to vector<16xi32>
        %scan3A_471 = arith.constant 0 : i32
        %scan3A_472 = arith.constant 0 : i32
        %scan3A_473 = arith.constant 8 : i32
        %scan3A_474 = arith.addi %scan3A_472, %scan3A_473 : i32
        %scan3A_475 = arith.constant 1 : i32
        scf.for %scan3A_512 = %scan3A_472 to %scan3A_474 step %scan3A_475  : i32 {
          %mul3A_513 = arith.constant 16 : i32
          %mul3A_514 = arith.muli %scan3A_512, %mul3A_513 : i32
          %broadcast_in_dim3A_515 = vector.broadcast %mul3A_514 : i32 to vector<16xi32>
          %add3A_516 = arith.addi %broadcast_in_dim3A_515, %and3A_5 : vector<16xi32>
          %broadcast_in_dim3A_517 = vector.broadcast %mul3A_514 : i32 to vector<16xi32>
          %add3A_518 = arith.addi %broadcast_in_dim3A_517, %and3A_11 : vector<16xi32>
          %broadcast_in_dim3A_519 = vector.broadcast %mul3A_514 : i32 to vector<16xi32>
          %add3A_520 = arith.addi %broadcast_in_dim3A_519, %and3A_17 : vector<16xi32>
          %broadcast_in_dim3A_521 = vector.broadcast %mul3A_514 : i32 to vector<16xi32>
          %add3A_522 = arith.addi %broadcast_in_dim3A_521, %and3A_23 : vector<16xi32>
          %broadcast_in_dim3A_523 = vector.broadcast %mul3A_514 : i32 to vector<16xi32>
          %add3A_524 = arith.addi %broadcast_in_dim3A_523, %and3A_29 : vector<16xi32>
          %broadcast_in_dim3A_525 = vector.broadcast %mul3A_514 : i32 to vector<16xi32>
          %add3A_526 = arith.addi %broadcast_in_dim3A_525, %and3A_35 : vector<16xi32>
          %broadcast_in_dim3A_527 = vector.broadcast %mul3A_514 : i32 to vector<16xi32>
          %add3A_528 = arith.addi %broadcast_in_dim3A_527, %and3A_41 : vector<16xi32>
          %broadcast_in_dim3A_529 = vector.broadcast %mul3A_514 : i32 to vector<16xi32>
          %add3A_530 = arith.addi %broadcast_in_dim3A_529, %and3A_47 : vector<16xi32>
          %broadcast_in_dim3A_531 = vector.broadcast %mul3A_514 : i32 to vector<16xi32>
          %add3A_532 = arith.addi %broadcast_in_dim3A_531, %and3A_53 : vector<16xi32>
          %broadcast_in_dim3A_533 = vector.broadcast %mul3A_514 : i32 to vector<16xi32>
          %add3A_534 = arith.addi %broadcast_in_dim3A_533, %and3A_59 : vector<16xi32>
          %broadcast_in_dim3A_535 = vector.broadcast %mul3A_514 : i32 to vector<16xi32>
          %add3A_536 = arith.addi %broadcast_in_dim3A_535, %and3A_65 : vector<16xi32>
          %broadcast_in_dim3A_537 = vector.broadcast %mul3A_514 : i32 to vector<16xi32>
          %add3A_538 = arith.addi %broadcast_in_dim3A_537, %and3A_71 : vector<16xi32>
          %broadcast_in_dim3A_539 = vector.broadcast %mul3A_514 : i32 to vector<16xi32>
          %add3A_540 = arith.addi %broadcast_in_dim3A_539, %and3A_77 : vector<16xi32>
          %broadcast_in_dim3A_541 = vector.broadcast %mul3A_514 : i32 to vector<16xi32>
          %add3A_542 = arith.addi %broadcast_in_dim3A_541, %and3A_83 : vector<16xi32>
          %broadcast_in_dim3A_543 = vector.broadcast %mul3A_514 : i32 to vector<16xi32>
          %add3A_544 = arith.addi %broadcast_in_dim3A_543, %and3A_89 : vector<16xi32>
          %broadcast_in_dim3A_545 = vector.broadcast %mul3A_514 : i32 to vector<16xi32>
          %add3A_546 = arith.addi %broadcast_in_dim3A_545, %and3A_95 : vector<16xi32>
          %scan3A_547 = arith.constant 0 : i32
          %scan3A_548 = arith.constant 0 : i32
          %scan3A_549 = arith.constant 4 : i32
          %scan3A_550 = arith.addi %scan3A_548, %scan3A_549 : i32
          %scan3A_551 = arith.constant 1 : i32
          scf.for %scan3A_553 = %scan3A_548 to %scan3A_550 step %scan3A_551  : i32 {
            %mul3A_554 = arith.constant 16 : i32
            %mul3A_555 = arith.muli %scan3A_553, %mul3A_554 : i32
            %broadcast_in_dim3A_556 = vector.broadcast %mul3A_555 : i32 to vector<16xi32>
            %add3A_557 = arith.addi %broadcast_in_dim3A_556, %iota3A : vector<16xi32>
            %add3A_558 = arith.constant 64 : i32
            %add3A_559 = arith.addi %add3A_558, %mul3A_555 : i32
            %broadcast_in_dim3A_560 = vector.broadcast %add3A_559 : i32 to vector<16xi32>
            %add3A_561 = arith.addi %broadcast_in_dim3A_560, %iota3A : vector<16xi32>
            %gather3A = tpu.vector_load_idx %arg19[%add3A_557, %add3A_516] : memref<64x128xf32, #tpu.memory_space<vmem>>[vector<16xi32>, vector<16xi32>], vector<16xf32>,
            tpu.vector_store_idx %arg17[%add3A_516, %add3A_561], %gather3A : memref<128x128xf32, #tpu.memory_space<vmem>>[vector<16xi32>, vector<16xi32>], vector<16xf32>,
            %gather3A_562 = tpu.vector_load_idx %arg19[%add3A_557, %add3A_518] : memref<64x128xf32, #tpu.memory_space<vmem>>[vector<16xi32>, vector<16xi32>], vector<16xf32>,
            tpu.vector_store_idx %arg17[%add3A_518, %add3A_561], %gather3A_562 : memref<128x128xf32, #tpu.memory_space<vmem>>[vector<16xi32>, vector<16xi32>], vector<16xf32>,
            %gather3A_563 = tpu.vector_load_idx %arg19[%add3A_557, %add3A_520] : memref<64x128xf32, #tpu.memory_space<vmem>>[vector<16xi32>, vector<16xi32>], vector<16xf32>,
            tpu.vector_store_idx %arg17[%add3A_520, %add3A_561], %gather3A_563 : memref<128x128xf32, #tpu.memory_space<vmem>>[vector<16xi32>, vector<16xi32>], vector<16xf32>,
            %gather3A_564 = tpu.vector_load_idx %arg19[%add3A_557, %add3A_522] : memref<64x128xf32, #tpu.memory_space<vmem>>[vector<16xi32>, vector<16xi32>], vector<16xf32>,
            tpu.vector_store_idx %arg17[%add3A_522, %add3A_561], %gather3A_564 : memref<128x128xf32, #tpu.memory_space<vmem>>[vector<16xi32>, vector<16xi32>], vector<16xf32>,
            %gather3A_565 = tpu.vector_load_idx %arg19[%add3A_557, %add3A_524] : memref<64x128xf32, #tpu.memory_space<vmem>>[vector<16xi32>, vector<16xi32>], vector<16xf32>,
            tpu.vector_store_idx %arg17[%add3A_524, %add3A_561], %gather3A_565 : memref<128x128xf32, #tpu.memory_space<vmem>>[vector<16xi32>, vector<16xi32>], vector<16xf32>,
            %gather3A_566 = tpu.vector_load_idx %arg19[%add3A_557, %add3A_526] : memref<64x128xf32, #tpu.memory_space<vmem>>[vector<16xi32>, vector<16xi32>], vector<16xf32>,
            tpu.vector_store_idx %arg17[%add3A_526, %add3A_561], %gather3A_566 : memref<128x128xf32, #tpu.memory_space<vmem>>[vector<16xi32>, vector<16xi32>], vector<16xf32>,
            %gather3A_567 = tpu.vector_load_idx %arg19[%add3A_557, %add3A_528] : memref<64x128xf32, #tpu.memory_space<vmem>>[vector<16xi32>, vector<16xi32>], vector<16xf32>,
            tpu.vector_store_idx %arg17[%add3A_528, %add3A_561], %gather3A_567 : memref<128x128xf32, #tpu.memory_space<vmem>>[vector<16xi32>, vector<16xi32>], vector<16xf32>,
            %gather3A_568 = tpu.vector_load_idx %arg19[%add3A_557, %add3A_530] : memref<64x128xf32, #tpu.memory_space<vmem>>[vector<16xi32>, vector<16xi32>], vector<16xf32>,
            tpu.vector_store_idx %arg17[%add3A_530, %add3A_561], %gather3A_568 : memref<128x128xf32, #tpu.memory_space<vmem>>[vector<16xi32>, vector<16xi32>], vector<16xf32>,
            %gather3A_569 = tpu.vector_load_idx %arg19[%add3A_557, %add3A_532] : memref<64x128xf32, #tpu.memory_space<vmem>>[vector<16xi32>, vector<16xi32>], vector<16xf32>,
            tpu.vector_store_idx %arg17[%add3A_532, %add3A_561], %gather3A_569 : memref<128x128xf32, #tpu.memory_space<vmem>>[vector<16xi32>, vector<16xi32>], vector<16xf32>,
            %gather3A_570 = tpu.vector_load_idx %arg19[%add3A_557, %add3A_534] : memref<64x128xf32, #tpu.memory_space<vmem>>[vector<16xi32>, vector<16xi32>], vector<16xf32>,
            tpu.vector_store_idx %arg17[%add3A_534, %add3A_561], %gather3A_570 : memref<128x128xf32, #tpu.memory_space<vmem>>[vector<16xi32>, vector<16xi32>], vector<16xf32>,
            %gather3A_571 = tpu.vector_load_idx %arg19[%add3A_557, %add3A_536] : memref<64x128xf32, #tpu.memory_space<vmem>>[vector<16xi32>, vector<16xi32>], vector<16xf32>,
            tpu.vector_store_idx %arg17[%add3A_536, %add3A_561], %gather3A_571 : memref<128x128xf32, #tpu.memory_space<vmem>>[vector<16xi32>, vector<16xi32>], vector<16xf32>,
            %gather3A_572 = tpu.vector_load_idx %arg19[%add3A_557, %add3A_538] : memref<64x128xf32, #tpu.memory_space<vmem>>[vector<16xi32>, vector<16xi32>], vector<16xf32>,
            tpu.vector_store_idx %arg17[%add3A_538, %add3A_561], %gather3A_572 : memref<128x128xf32, #tpu.memory_space<vmem>>[vector<16xi32>, vector<16xi32>], vector<16xf32>,
            %gather3A_573 = tpu.vector_load_idx %arg19[%add3A_557, %add3A_540] : memref<64x128xf32, #tpu.memory_space<vmem>>[vector<16xi32>, vector<16xi32>], vector<16xf32>,
            tpu.vector_store_idx %arg17[%add3A_540, %add3A_561], %gather3A_573 : memref<128x128xf32, #tpu.memory_space<vmem>>[vector<16xi32>, vector<16xi32>], vector<16xf32>,
            %gather3A_574 = tpu.vector_load_idx %arg19[%add3A_557, %add3A_542] : memref<64x128xf32, #tpu.memory_space<vmem>>[vector<16xi32>, vector<16xi32>], vector<16xf32>,
            tpu.vector_store_idx %arg17[%add3A_542, %add3A_561], %gather3A_574 : memref<128x128xf32, #tpu.memory_space<vmem>>[vector<16xi32>, vector<16xi32>], vector<16xf32>,
            %gather3A_575 = tpu.vector_load_idx %arg19[%add3A_557, %add3A_544] : memref<64x128xf32, #tpu.memory_space<vmem>>[vector<16xi32>, vector<16xi32>], vector<16xf32>,
            tpu.vector_store_idx %arg17[%add3A_544, %add3A_561], %gather3A_575 : memref<128x128xf32, #tpu.memory_space<vmem>>[vector<16xi32>, vector<16xi32>], vector<16xf32>,
            %gather3A_576 = tpu.vector_load_idx %arg19[%add3A_557, %add3A_546] : memref<64x128xf32, #tpu.memory_space<vmem>>[vector<16xi32>, vector<16xi32>], vector<16xf32>,
            tpu.vector_store_idx %arg17[%add3A_546, %add3A_561], %gather3A_576 : memref<128x128xf32, #tpu.memory_space<vmem>>[vector<16xi32>, vector<16xi32>], vector<16xf32>,
          }
          %scan3A_552 = arith.constant 4 : i32
        }
        %scan3A_476 = arith.constant 8 : i32
        %dma_start3A_477 = arith.constant 0 : i32
        %dma_start3A_478 = arith.constant 0 : i32
        %dma_start3A_479 = tpu.memref_slice %arg2[%dma_start3A_477, %dma_start3A_478] : memref<10000x128xf32, #tpu.memory_space<hbm>> -> memref<10000x128xf32, #tpu.memory_space<hbm>>
        tpu.enqueue_indirect_dma source(%dma_start3A_479 : memref<10000x128xf32, #tpu.memory_space<hbm>>) target(%arg19 : memref<64x128xf32, #tpu.memory_space<vmem>>) offsets(%arg7 : memref<64xi32, #tpu.memory_space<vmem>>) semaphore(%arg29 : memref<!tpu.dma_semaphore, #tpu.memory_space<semaphore_mem>>)
        %dma_start3A_480 = arith.constant 144 : i32
        %dma_start3A_481 = tpu.memref_slice %arg5[%dma_start3A_480, %mul3A_378] : memref<272x320000xf32, #tpu.memory_space<hbm>> -> memref<128x128xf32, #tpu.memory_space<hbm>>
        %dma_start3A_482 = arith.constant 144 : i32
        %dma_start3A_483 = tpu.memref_slice %arg5[%dma_start3A_482, %mul3A_378] : memref<272x320000xf32, #tpu.memory_space<hbm>> -> memref<128x128xf32, #tpu.memory_space<hbm>>
        tpu.enqueue_dma source(%arg17 : memref<128x128xf32, #tpu.memory_space<vmem>>) target(%dma_start3A_483 : memref<128x128xf32, #tpu.memory_space<hbm>>) target_semaphore(%arg27 : memref<!tpu.dma_semaphore, #tpu.memory_space<semaphore_mem>>)
        %add3A_484 = arith.constant 2 : i32
        %add3A_485 = arith.addi %add3A_366, %add3A_484 : i32
        %mul3A_486 = arith.constant 32 : i32
        %mul3A_487 = arith.muli %mul3A_486, %add3A_485 : i32
        %add3A_488 = arith.addi %add3A, %mul3A_487 : i32
        %lt3A_489 = arith.constant 2500 : i32
        %lt3A_490 = arith.cmpi slt, %add3A_488, %lt3A_489 : i32
        %sub3A_491 = arith.constant 32 : i32
        %sub3A_492 = arith.subi %add3A_488, %sub3A_491 : i32
        %select_n3A_493 = arith.select %lt3A_490, %add3A_488, %sub3A_492 : i32
        %mul3A_494 = arith.constant 128 : i32
        %mul3A_495 = arith.muli %select_n3A_493, %mul3A_494 : i32
        %dma_start3A_496 = tpu.memref_slice %arg4[%mul3A_495] : memref<640000xi32, #tpu.memory_space<hbm>> -> memref<64xi32, #tpu.memory_space<hbm>>
        %dma_start3A_497 = tpu.memref_slice %arg4[%mul3A_495] : memref<640000xi32, #tpu.memory_space<hbm>> -> memref<64xi32, #tpu.memory_space<hbm>>
        tpu.enqueue_dma source(%dma_start3A_497 : memref<64xi32, #tpu.memory_space<hbm>>) target(%arg12 : memref<64xi32, #tpu.memory_space<vmem>>) target_semaphore(%arg21 : memref<!tpu.dma_semaphore, #tpu.memory_space<semaphore_mem>>)
        %add3A_498 = arith.constant 64 : i32
        %add3A_499 = arith.addi %mul3A_495, %add3A_498 : i32
        %dma_start3A_500 = tpu.memref_slice %arg4[%add3A_499] : memref<640000xi32, #tpu.memory_space<hbm>> -> memref<64xi32, #tpu.memory_space<hbm>>
        %dma_start3A_501 = tpu.memref_slice %arg4[%add3A_499] : memref<640000xi32, #tpu.memory_space<hbm>> -> memref<64xi32, #tpu.memory_space<hbm>>
        tpu.enqueue_dma source(%dma_start3A_501 : memref<64xi32, #tpu.memory_space<hbm>>) target(%arg13 : memref<64xi32, #tpu.memory_space<vmem>>) target_semaphore(%arg21 : memref<!tpu.dma_semaphore, #tpu.memory_space<semaphore_mem>>)
        %add3A_502 = arith.constant 320000 : i32
        %add3A_503 = arith.addi %add3A_502, %mul3A_495 : i32
        %dma_start3A_504 = tpu.memref_slice %arg4[%add3A_503] : memref<640000xi32, #tpu.memory_space<hbm>> -> memref<64xi32, #tpu.memory_space<hbm>>
        %dma_start3A_505 = tpu.memref_slice %arg4[%add3A_503] : memref<640000xi32, #tpu.memory_space<hbm>> -> memref<64xi32, #tpu.memory_space<hbm>>
        tpu.enqueue_dma source(%dma_start3A_505 : memref<64xi32, #tpu.memory_space<hbm>>) target(%arg14 : memref<64xi32, #tpu.memory_space<vmem>>) target_semaphore(%arg21 : memref<!tpu.dma_semaphore, #tpu.memory_space<semaphore_mem>>)
        %add3A_506 = arith.constant 320000 : i32
        %add3A_507 = arith.addi %add3A_506, %mul3A_495 : i32
        %add3A_508 = arith.constant 64 : i32
        %add3A_509 = arith.addi %add3A_507, %add3A_508 : i32
        %dma_start3A_510 = tpu.memref_slice %arg4[%add3A_509] : memref<640000xi32, #tpu.memory_space<hbm>> -> memref<64xi32, #tpu.memory_space<hbm>>
        %dma_start3A_511 = tpu.memref_slice %arg4[%add3A_509] : memref<640000xi32, #tpu.memory_space<hbm>> -> memref<64xi32, #tpu.memory_space<hbm>>
        tpu.enqueue_dma source(%dma_start3A_511 : memref<64xi32, #tpu.memory_space<hbm>>) target(%arg15 : memref<64xi32, #tpu.memory_space<vmem>>) target_semaphore(%arg21 : memref<!tpu.dma_semaphore, #tpu.memory_space<semaphore_mem>>)
      } else {
      }
    }
    %scan3A_167 = arith.constant 40 : i32
    %dma_wait3A_168 = arith.constant 0 : i32
    %dma_wait3A_169 = arith.constant 0 : i32
    %dma_wait3A_170 = tpu.memref_slice %arg2[%dma_wait3A_168, %dma_wait3A_169] : memref<10000x128xf32, #tpu.memory_space<hbm>> -> memref<10000x128xf32, #tpu.memory_space<hbm>>
    tpu.wait_indirect_dma semaphore(%arg28 : memref<!tpu.dma_semaphore, #tpu.memory_space<semaphore_mem>>) src(%dma_wait3A_170 : memref<10000x128xf32, #tpu.memory_space<hbm>>) dst(%arg18 : memref<64x128xf32, #tpu.memory_space<vmem>>)
    %dma_wait3A_171 = arith.constant 0 : i32
    %dma_wait3A_172 = arith.constant 0 : i32
    %dma_wait3A_173 = tpu.memref_slice %arg2[%dma_wait3A_171, %dma_wait3A_172] : memref<10000x128xf32, #tpu.memory_space<hbm>> -> memref<10000x128xf32, #tpu.memory_space<hbm>>
    tpu.wait_indirect_dma semaphore(%arg29 : memref<!tpu.dma_semaphore, #tpu.memory_space<semaphore_mem>>) src(%dma_wait3A_173 : memref<10000x128xf32, #tpu.memory_space<hbm>>) dst(%arg19 : memref<64x128xf32, #tpu.memory_space<vmem>>)
    %dma_wait3A_174 = arith.constant 0 : i32
    %dma_wait3A_175 = tpu.memref_slice %arg4[%dma_wait3A_174] : memref<640000xi32, #tpu.memory_space<hbm>> -> memref<64xi32, #tpu.memory_space<hbm>>
    %dma_wait3A_176 = arith.constant 0 : i32
    %dma_wait3A_177 = tpu.memref_slice %arg4[%dma_wait3A_176] : memref<640000xi32, #tpu.memory_space<hbm>> -> memref<64xi32, #tpu.memory_space<hbm>>
    tpu.wait_dma2 semaphore(%arg20 : memref<!tpu.dma_semaphore, #tpu.memory_space<semaphore_mem>>) src(%dma_wait3A_177 : memref<64xi32, #tpu.memory_space<hbm>>) dst(%arg6 : memref<64xi32, #tpu.memory_space<vmem>>)
    %dma_wait3A_178 = arith.constant 0 : i32
    %dma_wait3A_179 = tpu.memref_slice %arg4[%dma_wait3A_178] : memref<640000xi32, #tpu.memory_space<hbm>> -> memref<64xi32, #tpu.memory_space<hbm>>
    %dma_wait3A_180 = arith.constant 0 : i32
    %dma_wait3A_181 = tpu.memref_slice %arg4[%dma_wait3A_180] : memref<640000xi32, #tpu.memory_space<hbm>> -> memref<64xi32, #tpu.memory_space<hbm>>
    tpu.wait_dma2 semaphore(%arg20 : memref<!tpu.dma_semaphore, #tpu.memory_space<semaphore_mem>>) src(%dma_wait3A_181 : memref<64xi32, #tpu.memory_space<hbm>>) dst(%arg6 : memref<64xi32, #tpu.memory_space<vmem>>)
    %dma_wait3A_182 = arith.constant 0 : i32
    %dma_wait3A_183 = tpu.memref_slice %arg4[%dma_wait3A_182] : memref<640000xi32, #tpu.memory_space<hbm>> -> memref<64xi32, #tpu.memory_space<hbm>>
    %dma_wait3A_184 = arith.constant 0 : i32
    %dma_wait3A_185 = tpu.memref_slice %arg4[%dma_wait3A_184] : memref<640000xi32, #tpu.memory_space<hbm>> -> memref<64xi32, #tpu.memory_space<hbm>>
    tpu.wait_dma2 semaphore(%arg20 : memref<!tpu.dma_semaphore, #tpu.memory_space<semaphore_mem>>) src(%dma_wait3A_185 : memref<64xi32, #tpu.memory_space<hbm>>) dst(%arg6 : memref<64xi32, #tpu.memory_space<vmem>>)
    %dma_wait3A_186 = arith.constant 0 : i32
    %dma_wait3A_187 = tpu.memref_slice %arg4[%dma_wait3A_186] : memref<640000xi32, #tpu.memory_space<hbm>> -> memref<64xi32, #tpu.memory_space<hbm>>
    %dma_wait3A_188 = arith.constant 0 : i32
    %dma_wait3A_189 = tpu.memref_slice %arg4[%dma_wait3A_188] : memref<640000xi32, #tpu.memory_space<hbm>> -> memref<64xi32, #tpu.memory_space<hbm>>
    tpu.wait_dma2 semaphore(%arg20 : memref<!tpu.dma_semaphore, #tpu.memory_space<semaphore_mem>>) src(%dma_wait3A_189 : memref<64xi32, #tpu.memory_space<hbm>>) dst(%arg6 : memref<64xi32, #tpu.memory_space<vmem>>)
    %dma_wait3A_190 = arith.constant 0 : i32
    %dma_wait3A_191 = arith.constant 0 : i32
    %dma_wait3A_192 = tpu.memref_slice %arg5[%dma_wait3A_190, %dma_wait3A_191] : memref<272x320000xf32, #tpu.memory_space<hbm>> -> memref<144x128xf32, #tpu.memory_space<hbm>>
    %dma_wait3A_193 = arith.constant 0 : i32
    %dma_wait3A_194 = arith.constant 0 : i32
    %dma_wait3A_195 = tpu.memref_slice %arg5[%dma_wait3A_193, %dma_wait3A_194] : memref<272x320000xf32, #tpu.memory_space<hbm>> -> memref<144x128xf32, #tpu.memory_space<hbm>>
    tpu.wait_dma2 semaphore(%arg24 : memref<!tpu.dma_semaphore, #tpu.memory_space<semaphore_mem>>) src(%arg10 : memref<144x128xf32, #tpu.memory_space<vmem>>) dst(%dma_wait3A_195 : memref<144x128xf32, #tpu.memory_space<hbm>>)
    %dma_wait3A_196 = arith.constant 144 : i32
    %dma_wait3A_197 = arith.constant 0 : i32
    %dma_wait3A_198 = tpu.memref_slice %arg5[%dma_wait3A_196, %dma_wait3A_197] : memref<272x320000xf32, #tpu.memory_space<hbm>> -> memref<128x128xf32, #tpu.memory_space<hbm>>
    %dma_wait3A_199 = arith.constant 144 : i32
    %dma_wait3A_200 = arith.constant 0 : i32
    %dma_wait3A_201 = tpu.memref_slice %arg5[%dma_wait3A_199, %dma_wait3A_200] : memref<272x320000xf32, #tpu.memory_space<hbm>> -> memref<128x128xf32, #tpu.memory_space<hbm>>
    tpu.wait_dma2 semaphore(%arg26 : memref<!tpu.dma_semaphore, #tpu.memory_space<semaphore_mem>>) src(%arg11 : memref<128x128xf32, #tpu.memory_space<vmem>>) dst(%dma_wait3A_201 : memref<128x128xf32, #tpu.memory_space<hbm>>)
    %dma_wait3A_202 = arith.constant 0 : i32
    %dma_wait3A_203 = arith.constant 0 : i32
    %dma_wait3A_204 = tpu.memref_slice %arg5[%dma_wait3A_202, %dma_wait3A_203] : memref<272x320000xf32, #tpu.memory_space<hbm>> -> memref<144x128xf32, #tpu.memory_space<hbm>>
    %dma_wait3A_205 = arith.constant 0 : i32
    %dma_wait3A_206 = arith.constant 0 : i32
    %dma_wait3A_207 = tpu.memref_slice %arg5[%dma_wait3A_205, %dma_wait3A_206] : memref<272x320000xf32, #tpu.memory_space<hbm>> -> memref<144x128xf32, #tpu.memory_space<hbm>>
    tpu.wait_dma2 semaphore(%arg25 : memref<!tpu.dma_semaphore, #tpu.memory_space<semaphore_mem>>) src(%arg16 : memref<144x128xf32, #tpu.memory_space<vmem>>) dst(%dma_wait3A_207 : memref<144x128xf32, #tpu.memory_space<hbm>>)
    %dma_wait3A_208 = arith.constant 144 : i32
    %dma_wait3A_209 = arith.constant 0 : i32
    %dma_wait3A_210 = tpu.memref_slice %arg5[%dma_wait3A_208, %dma_wait3A_209] : memref<272x320000xf32, #tpu.memory_space<hbm>> -> memref<128x128xf32, #tpu.memory_space<hbm>>
    %dma_wait3A_211 = arith.constant 144 : i32
    %dma_wait3A_212 = arith.constant 0 : i32
    %dma_wait3A_213 = tpu.memref_slice %arg5[%dma_wait3A_211, %dma_wait3A_212] : memref<272x320000xf32, #tpu.memory_space<hbm>> -> memref<128x128xf32, #tpu.memory_space<hbm>>
    tpu.wait_dma2 semaphore(%arg27 : memref<!tpu.dma_semaphore, #tpu.memory_space<semaphore_mem>>) src(%arg17 : memref<128x128xf32, #tpu.memory_space<vmem>>) dst(%dma_wait3A_213 : memref<128x128xf32, #tpu.memory_space<hbm>>)
    return
  }
}

</mosaic_0001>

<sc_bundles>
// kernel: kernel.3.cloned.1.call-start
scs
__scs_entry_jumppad:
0x0: {  	(pc) =	sbr.rel $0x88, $3  }
0x1: {  	(tag) =	ssettag $0x0;
	lr =	simm.s32 $0x1  }
0x2: {  	[smem:$0x3F9E] =	sst lr;
	_ =	strace $0xD0000000  }
0x3: {  	_ = 	snop  }
0x4: {  	_ = 	snop  }
0x5: {  	_ = 	snop  }
0x6: {  	_ = 	snop  }
0x7: {  	_ = 	snop  }
__scs_overlays_trampoline_lowered:
0x8: {  	[smem:$0x3FAD] =	sst s0  }
0x9: {  	[smem:$0x3FAE] =	sst s1  }
0xa: {  	[smem:$0x3FAF] =	sst s2  }
0xb: {  	[smem:$0x3FB0] =	sst s3  }
0xc: {  	[smem:$0x3FB1] =	sst s4  }
0xd: {  	[smem:$0x3FB2] =	sst s5  }
0xe: {  	[smem:$0x3FB3] =	sst s6  }
0xf: {  	[smem:$0x3FB4] =	sst s7  }
0x10: {  	[smem:$0x3FB5] =	sst s8  }
0x11: {  	[smem:$0x3FB6] =	sst s9;
	s0 =	simm.s32 @!p0 $0x0  }
0x12: {  	s1 =	sld [smem:$0x3F9C];
	s0 =	simm.s32 @p0 $0x1  }
0x13: {  	[smem:$0x3FB7] =	sst s0;
	s0 =	simm.s32 @!p1 $0x0  }
0x14: {  	s2 =	sld [smem:$0x3F9B];
	s0 =	simm.s32 @p1 $0x1  }
0x15: {  	[smem:$0x3FB8] =	sst s0;
	s0 =	simm.s32 @!p2 $0x0  }
0x16: {  	s3 =	sld [smem:$0x3FDB];
	s0 =	simm.s32 @p2 $0x1  }
0x17: {  	s4 =	simm.s32 $0x1BF5;
	[smem:$0x3FBA] =	sst s0  }
0x18: {  	s0 =	sld [smem:$0x3F9D];
	_ =	swait.ge [sflag:s4], $0x0  }
0x19: {  	s7 =	sld [smem:$0x3F9E]  }
0x1a: {  	s8 =	sadd.s32 $0xFFFFE003, lr  }
0x1b: {  	s9 =	sadd.s32 $0xFFFFFEF7, lr;
	s5 =	simm.s32 $0xFFFFFFFF;
	p2 =	slt.u32 s8, $0xFFFFF086  }
0x1c: {  	p1 =	slt.u32 s9, $0xF7A;
	s5 =	simm.s32 @!p2 $0x0  }
0x1d: {  	s5 =	simm.s32 @p1 $0x1;
	p0 =	seq.s32 s7, s2  }
0x1e: {  	s7 =	smul.u32 @!p0 $0xF7A, s2;
	p2 =	seq.s32 @!p0 s5, $0x0  }
0x1f: {  	s9 =	smul.u32 $0xF7A, s1;
	s8 =	simm.s32 @!p0 $0x1BF5;
	p2 =	por !p2, p0  }
0x20: {  	[sflag:s8] =	ssyncset.s32 @!p0 $0xFFFFF086;
	s6 =	sadd.s32 @!p0 s3, s7;
	s7 =	simm.s32 @!p0 $0x108  }
0x21: {  	s3 =	sadd.s32 s3, s9;
	s6 =	sadd.s32 @!p0 $0x88, s6;
	s7 =	simm.s32 @p2 $0x1082  }
0x22: {  	[simem:s7], [sflag:s8] =	dma.local @!p0 [hbm:s6], $0xF7A  }
0x23: {  	s9 =	sor.u32 $0xD0000000, s2;
	s6 =	simm.s32 $0x108;
	_ =	swait.ge @!p0 [sflag:s8], $0x0  }
0x24: {  	s3 =	sadd.s32 $0x88, s3;
	s6 =	simm.s32 @!p1 $0x1082;
	[sflag:s4] =	ssyncset.s32 $0xFFFFF086  }
0x25: {  	[simem:s6], [sflag:s4] =	dma.local [hbm:s3], $0xF7A  }
0x26: {  	[smem:$0x3F9E] =	sst s1;
	(tag) =	ssettag s2;
	_ =	strace s9  }
0x27: {  	s1 =	sld [smem:$0x3FAE]  }
0x28: {  	s2 =	sld [smem:$0x3FAF]  }
0x29: {  	s4 =	sld [smem:$0x3FB1]  }
0x2a: {  	p0 =	seq.s32 s5, $0x0;
	s5 =	sld [smem:$0x3FB2]  }
0x2b: {  	s6 =	sld [smem:$0x3FB3]  }
0x2c: {  	s7 =	sld [smem:$0x3FB4]  }
0x2d: {  	s3 =	simm.s32 $0x108;
	s8 =	sld [smem:$0x3FB5]  }
0x2e: {  	s3 =	simm.s32 @!p0 $0x1082;
	s9 =	sld [smem:$0x3FB6]  }
0x2f: {  	lr =	sadd.s32 s0, s3;
	s0 =	sld [smem:$0x3FAD]  }
0x30: {  	s3 =	sld [smem:$0x3FB0]  }
0x31: {  	[smem:$0x3FB9] =	sst s10  }
0x32: {  	s10 =	sld [smem:$0x3FB7];
	_ =	sdelay $0x3  }
0x33: {  	p0 =	seq.s32 s10, $0x1;
	s10 =	sld [smem:$0x3FB9];
	_ =	sdelay $0x3  }
0x34: {  	[smem:$0x3FB9] =	sst s10  }
0x35: {  	s10 =	sld [smem:$0x3FB8];
	_ =	sdelay $0x3  }
0x36: {  	p1 =	seq.s32 s10, $0x1;
	s10 =	sld [smem:$0x3FB9];
	_ =	sdelay $0x3  }
0x37: {  	[smem:$0x3FB9] =	sst s10  }
0x38: {  	s10 =	sld [smem:$0x3FBA]  }
0x39: {  	_ = 	snop;
	(pc) =	sbr.ind lr, $3  }
0x3a: {  	_ = 	snop  }
0x3b: {  	_ = 	snop  }
0x3c: {  	p2 =	seq.s32 s10, $0x1;
	s10 =	sld [smem:$0x3FB9]  }
0x3d: {  	_ =	shalt  }
0x3e: {  	_ =	shalt  }
0x3f: {  	_ =	shalt  }
0x40: {  	_ =	shalt  }
0x41: {  	_ =	shalt  }
0x42: {  	_ =	shalt  }
0x43: {  	_ =	shalt  }
0x44: {  	_ =	shalt  }
0x45: {  	_ =	shalt  }
0x46: {  	_ =	shalt  }
0x47: {  	_ =	shalt  }
0x48: {  	_ =	shalt  }
0x49: {  	_ =	shalt  }
0x4a: {  	_ =	shalt  }
0x4b: {  	_ =	shalt  }
0x4c: {  	_ =	shalt  }
0x4d: {  	_ =	shalt  }
0x4e: {  	_ =	shalt  }
0x4f: {  	_ =	shalt  }
0x50: {  	_ =	shalt  }
0x51: {  	_ =	shalt  }
0x52: {  	_ =	shalt  }
0x53: {  	_ =	shalt  }
0x54: {  	_ =	shalt  }
0x55: {  	_ =	shalt  }
0x56: {  	_ =	shalt  }
0x57: {  	_ =	shalt  }
0x58: {  	_ =	shalt  }
0x59: {  	_ =	shalt  }
0x5a: {  	_ =	shalt  }
0x5b: {  	_ =	shalt  }
0x5c: {  	_ =	shalt  }
0x5d: {  	_ =	shalt  }
0x5e: {  	_ =	shalt  }
0x5f: {  	_ =	shalt  }
0x60: {  	_ =	shalt  }
0x61: {  	_ =	shalt  }
0x62: {  	_ =	shalt  }
0x63: {  	_ =	shalt  }
0x64: {  	_ =	shalt  }
0x65: {  	_ =	shalt  }
0x66: {  	_ =	shalt  }
0x67: {  	_ =	shalt  }
0x68: {  	_ =	shalt  }
0x69: {  	_ =	shalt  }
0x6a: {  	_ =	shalt  }
0x6b: {  	_ =	shalt  }
0x6c: {  	_ =	shalt  }
0x6d: {  	_ =	shalt  }
0x6e: {  	_ =	shalt  }
0x6f: {  	_ =	shalt  }
0x70: {  	_ =	shalt  }
0x71: {  	_ =	shalt  }
0x72: {  	_ =	shalt  }
0x73: {  	_ =	shalt  }
0x74: {  	_ =	shalt  }
0x75: {  	_ =	shalt  }
0x76: {  	_ =	shalt  }
0x77: {  	_ =	shalt  }
0x78: {  	_ =	shalt  }
0x79: {  	_ =	shalt  }
0x7a: {  	_ =	shalt  }
0x7b: {  	_ =	shalt  }
0x7c: {  	_ =	shalt  }
0x7d: {  	_ =	shalt  }
0x7e: {  	_ =	shalt  }
0x7f: {  	_ =	shalt  }
0x80: {  	_ =	shalt  }
0x81: {  	_ =	shalt  }
0x82: {  	_ =	shalt  }
0x83: {  	_ =	shalt  }
0x84: {  	_ =	shalt  }
0x85: {  	_ =	shalt  }
0x86: {  	_ =	shalt  }
0x87: {  	_ =	shalt  }
.Lfunc_end0:
.L_simem_size_0:
called_computation_lowered:
.L_overlay_start_0:
0x88: {  	s2 =	sld [smem:$0x3FD9]  }
0x89: {  	s3 =	sld [smem:$0x3FFE];
	_ =	sdelay $0x1  }
0x8a: {  	s1 =	srdreg.scid  }
0x8b: {  	s0 =	sand.u32 $0x1, s1  }
0x8c: {  	s17 =	sshll.u32 s0, $0xA;
	s2 =	sadd.s32 s3, s2  }
0x8d: {  	s2 =	sadd.s32 s2, s17  }
0x8e: {  	[smem:$0x3FC5] =	sst s2  }
0x8f: {  	_ = 	snop  }
0x90: {  	s2 =	sld [smem:$0x3FC9]  }
0x91: {  	s18 =	sld [smem:$0x3FC8]  }
0x92: {  	s4 =	sld [smem:$0x3FD0];
	(tm) =	ssettm $0x1  }
0x93: {  	s5 =	sld [smem:$0x3FFB];
	_ =	sdelay $0x3  }
0x94: {  	_ =	strace s5  }
0x95: {  	s5 =	sld [smem:$0x3FFC];
	_ =	sdelay $0x3  }
0x96: {  	_ =	strace s5  }
0x97: {  	s5 =	sld [smem:$0x3FFD];
	_ =	sdelay $0x3  }
0x98: {  	_ =	strace s5  }
0x99: {  	_ =	strace $0x8FFFFFFF  }
0x9a: {  	s19 =	sld [smem:$0x3FDB];
	_ =	sdelay $0x1  }
0x9b: {  	s6 =	simm.s32 $_scs_section_size  }
0x9c: {  	s7 =	simm.s32 $_size__tile_overlayer_lowered;
	s8 =	simm.s32 $_tile_overlayer_lowered  }
0x9d: {  	s22 =	simm.s32 $0x1BFF;
	s21 =	sshll.u32 s8, $0x1;
	s5 =	sadd.s32 s6, s19  }
0x9e: {  	s9 =	simm.s32 $0x0;
	s20 =	sshll.u32 s7, $0x1;
	s7 =	sadd.s32 s21, s5  }
0x9f: {  	[timem:s9], [sflag:s22] =	dma.local [hbm:s7], s20  }
0xa0: {  	_ =	swait.ge [sflag:s22], s20  }
0xa1: {  	s6 =	ssub.s32 $0x0, s20;
	[sflag:s22] =	ssyncset.done $0x0  }
0xa2: {  	[sflag:s22] =	ssyncadd.s32 s6;
	_ =	sdelay $0x1  }
0xa3: {  	s23 =	simm.s32 $0x1B8B  }
0xa4: {  	_ =	swait.ge [sflag:s23], $0x1  }
0xa5: {  	[sflag:s23] =	ssyncset.done $0x0  }
0xa6: {  	s25 =	simm.s32 $0x1B8E;
	s24 =	sld [smem:$0x3FFE];
	[sflag:s23] =	ssyncadd.s32 $0xFFFFFFFF  }
0xa7: {  	s26 =	simm.s32 $execute0_lowered;
	[smem:$0x3FD2] =	sst s25  }
0xa8: {  	s7 =	sshll.u32 s26, $0x1;
	_ =	strace $0x80000046;
	[dreg:$0x1] =	wrdreg $0xFFFFFFFF  }
0xa9: {  	s28 =	simm.s32 $_size_execute0_lowered;
	s5 =	sadd.s32 s5, s7;
	[dreg:$0x0] =	wrdreg $0x0  }
0xaa: {  	s7 =	sshll.u32 s28, $0x1;
	[dreg:$0x2] =	wrdreg s5  }
0xab: {  	[dreg:$0x3] =	wrdreg s7  }
0xac: {  	[dreg:$0x4] =	wrdreg $0xC0  }
0xad: {  	_ =	task [dreg:s9], $0x5FFFF  }
0xae: {  	[dreg:$0x1] =	wrdreg $0xFFFFFFFF  }
0xaf: {  	[dreg:$0x0] =	wrdreg $0x60  }
0xb0: {  	[dreg:$0x2] =	wrdreg s2  }
0xb1: {  	[dreg:$0x3] =	wrdreg s18  }
0xb2: {  	[dreg:$0x4] =	wrdreg s24  }
0xb3: {  	[dreg:$0x5] =	wrdreg s4  }
0xb4: {  	[dreg:$0x6] =	wrdreg $0x9  }
0xb5: {  	_ =	task.clear_ibuf [dreg:s9], $0x7FFFF;
	_ =	strace $0x90000046  }
0xb6: {  	s29 =	simm.s32 $0x9;
	_ =	strace $0x80000048  }
0xb7: {  	_ =	swait.ge [sflag:s29], $0x1  }
0xb8: {  	[sflag:s29] =	ssyncadd.s32 $0xFFFFFFFF  }
0xb9: {  	_ =	strace $0x90000048  }
0xba: {  	_ =	sfence  }
0xbb: {  	s30 =	sld [smem:$0x0];
	_ =	sdelay $0x2  }
0xbc: {  	s31 =	sshll.u32 s1, $0xD;
	s1 =	sshrl.u32 s1, $0x2  }
0xbd: {  	s3 =	sand.u32 $0x4000, s31;
	s1 =	sadd.s32 s1, s30  }
0xbe: {  	s0 =	sor.u32 s3, s0;
	s1 =	sshll.u32 s1, $0x11  }
0xbf: {  	s0 =	sor.u32 s1, s0  }
0xc0: {  	s0 =	sadd.s32 $0x8F2B, s0  }
0xc1: {  	[sflag:s0] =	ssyncadd.remote.s32 $0x1  }
0xc2: {  	_ =	sfence.sel $0xFFFF  }
0xc3: {  	[dreg:$0x0] =	wrdreg $0xFFFFFFFF;
	(pc) =	sbr.abs _section_cstart, $3  }
0xc4: {  	[dreg:$0x1] =	wrdreg $0xFFFFFFFF  }
0xc5: {  	_ =	task.clear_ibuf [dreg:s9], $0x2FFFF;
	_ =	strace $0x9FFFFFFF  }
0xc6: {  	(tm) =	ssettm $0x7FFFFFFF  }
0xc7: {  	_ =	shalt  }
tec
execute0_lowered:
.L_overlay_start_1:
0x0: {  	(tag) =	ssettag $0x1  }
0x1: {  	v0 =	vimm.s32 $0xFEDCBA9;
	v1 =	vimm.s32 $0x87654321;
	v3 =	vimm.s32 $0x98765432  }
0x2: {  	v4 =	vimm.s32 $0xA9876543;
	v5 =	vimm.s32 $0x3210FEDC;
	v6 =	vimm.s32 $0xBA987654  }
0x3: {  	v18 =	vimm.s32 $0xDCBA9876;
	v19 =	vimm.s32 $0xEDCBA987;
	v20 =	vimm.s32 $0xFEDCBA98  }
0x4: {  	v22 =	vimm.s32 $0x76543210;
	vm14 =	vcmask $0x300;
	vm13 =	vcmask $0x704  }
0x5: {  	vm12 =	vcmask $0xB08;
	vm11 =	vcmask $0xF0C;
	vm10 =	vcmask $0x1310  }
0x6: {  	vm9 =	vcmask $0x1714;
	vm1 =	vcmask $0x1B18;
	vm0 =	vcmask $0x1F1C  }
0x7: {  	vm2 =	vcmask $0x2320;
	vm3 =	vcmask $0x2724;
	vm4 =	vcmask $0x2B28  }
0x8: {  	vm5 =	vcmask $0x2F2C;
	vm6 =	vcmask $0x3330;
	vm7 =	vcmask $0x3734  }
0x9: {  	vm8 =	vcmask $0x3B38;
	v0 =	vunpack.c.l.s4.s8 v0;
	v1 =	vunpack.c.l.s4.s8 v1  }
0xa: {  	v4 =	vunpack.c.l.s4.s8 v4;
	v5 =	vunpack.c.l.s4.s8 v5;
	v19 =	vunpack.c.l.s4.s8 v19  }
0xb: {  	v20 =	vunpack.c.l.s4.s8 v20;
	v22 =	vunpack.c.l.s4.s8 v22;
	v7 =	vunpack.c.0.s8.s32 v0  }
0xc: {  	v8 =	vunpack.c.0.s8.s32 v1;
	v0 =	vimm.s32 $0x10FEDCBA;
	v12 =	vunpack.c.0.s8.s32 v4  }
0xd: {  	v13 =	vunpack.c.0.s8.s32 v5;
	v19 =	vunpack.c.0.s8.s32 v19;
	v2 =	vunpack.c.l.s4.s8 v0  }
0xe: {  	v20 =	vunpack.c.0.s8.s32 v20;
	v22 =	vunpack.c.0.s8.s32 v22;
	v0 =	vlaneseq.u32  }
0xf: {  	v9 =	vunpack.c.0.s8.s32 v2;
	v2 =	vunpack.c.l.s4.s8 v3;
	v3 =	vimm.s32 $0x210FEDCB  }
0x10: {  	v1 =	vcombine.low v8, v7;
	v24 =	vcombine.low v7, v8;
	v3 =	vunpack.c.l.s4.s8 v3  }
0x11: {  	v8 =	vand.u32 $0xF, v20;
	v10 =	vunpack.c.0.s8.s32 v2;
	v2 =	vunpack.c.l.s4.s8 v6  }
0x12: {  	v8 =	vcombine.low v8, v22;
	v11 =	vunpack.c.0.s8.s32 v3;
	v3 =	vimm.s32 $0x43210FED  }
0x13: {  	v1 =	vand.u32 $0xF, v1;
	v14 =	vunpack.c.0.s8.s32 v2;
	v2 =	vunpack.c.l.s4.s8 v3  }
0x14: {  	v3 =	vimm.s32 $0xCBA98765;
	v4 =	vcombine.low v10, v9;
	v10 =	vcombine.low v9, v10  }
0x15: {  	v5 =	vcombine.low v12, v11;
	v3 =	vunpack.c.l.s4.s8 v3;
	v11 =	vcombine.low v11, v12  }
0x16: {  	v6 =	vcombine.low v14, v13;
	v15 =	vunpack.c.0.s8.s32 v2;
	v2 =	vimm.s32 $0x543210FE  }
0x17: {  	v12 =	vcombine.low v13, v14;
	v14 =	vimm.s32 $0xF00;
	v16 =	vunpack.c.0.s8.s32 v3  }
0x18: {  	v17 =	vunpack.c.l.s4.s8 v2;
	v3 =	vand.u32 $0xF, v5;
	v5 =	vunpack.c.l.s4.s8 v18  }
0x19: {  	v2 =	vand.u32 $0xF, v4;
	v14 =	vsel vm14, $0xF80, v14;
	v4 =	vand.u32 $0xF, v6  }
0x1a: {  	v14 =	vsel vm13, $0x800, v14;
	v17 =	vunpack.c.0.s8.s32 v17;
	v18 =	vunpack.c.0.s8.s32 v5  }
0x1b: {  	v6 =	vcombine.low v16, v15;
	v5 =	vimm.s32 $0x6543210F;
	v13 =	vcombine.low v15, v16  }
0x1c: {  	v14 =	vsel vm12, $0x880, v14;
	v5 =	vunpack.c.l.s4.s8 v5;
	v21 =	vcombine.low v18, v17  }
0x1d: {  	v15 =	vcombine.low v17, v18;
	v17 =	vsel vm11, $0x900, v14;
	v14 =	vmul.u32 $0x80, v0  }
0x1e: {  	v9 =	vand.u32 $0xF, v24;
	v10 =	vand.u32 $0xF, v10;
	v23 =	vunpack.c.0.s8.s32 v5  }
0x1f: {  	v11 =	vand.u32 $0xF, v11;
	v5 =	vand.u32 $0xF, v6;
	v18 =	vor.u32 $0x800, v14  }
0x20: {  	v6 =	vand.u32 $0xF, v21;
	v21 =	vcombine.low v19, v23;
	[tilespmem:$0x1FFA0] =	vst v18;
	v18 =	vimm.s32 $0xE80  }
0x21: {  	v16 =	vcombine.low v23, v19;
	v19 =	vimm.s32 $0xE00;
	v18 =	vsel vm14, $0xF00, v18  }
0x22: {  	v12 =	vand.u32 $0xF, v12;
	v19 =	vsel vm14, $0xE80, v19;
	v18 =	vsel vm13, $0xF80, v18  }
0x23: {  	v13 =	vand.u32 $0xF, v13;
	v19 =	vsel vm13, $0xF00, v19;
	v18 =	vsel vm12, $0x800, v18  }
0x24: {  	v17 =	vsel vm10, $0x980, v17;
	v19 =	vsel vm12, $0xF80, v19;
	v18 =	vsel vm11, $0x880, v18  }
0x25: {  	v17 =	vsel vm9, $0xA00, v17;
	v19 =	vsel vm11, $0x800, v19;
	v18 =	vsel vm10, $0x900, v18  }
0x26: {  	v17 =	vsel vm1, $0xA80, v17;
	v19 =	vsel vm10, $0x880, v19;
	v18 =	vsel vm9, $0x980, v18  }
0x27: {  	v17 =	vsel vm0, $0xB00, v17;
	v19 =	vsel vm9, $0x900, v19;
	v18 =	vsel vm1, $0xA00, v18  }
0x28: {  	v17 =	vsel vm2, $0xB80, v17;
	v19 =	vsel vm1, $0x980, v19;
	v18 =	vsel vm0, $0xA80, v18  }
0x29: {  	v17 =	vsel vm3, $0xC00, v17;
	v19 =	vsel vm0, $0xA00, v19;
	v18 =	vsel vm2, $0xB00, v18  }
0x2a: {  	v17 =	vsel vm4, $0xC80, v17;
	v19 =	vsel vm2, $0xA80, v19;
	v18 =	vsel vm3, $0xB80, v18  }
0x2b: {  	v17 =	vsel vm5, $0xD00, v17;
	v19 =	vsel vm3, $0xB00, v19;
	v18 =	vsel vm4, $0xC00, v18  }
0x2c: {  	v17 =	vsel vm6, $0xD80, v17;
	v19 =	vsel vm4, $0xB80, v19;
	v18 =	vsel vm5, $0xC80, v18  }
0x2d: {  	v17 =	vsel vm7, $0xE00, v17;
	v19 =	vsel vm5, $0xC00, v19;
	v18 =	vsel vm6, $0xD00, v18  }
0x2e: {  	v17 =	vsel vm8, $0xE80, v17;
	v19 =	vsel vm6, $0xC80, v19;
	v18 =	vsel vm7, $0xD80, v18  }
0x2f: {  	v15 =	vand.u32 $0xF, v15;
	[tilespmem:$0x1FFB0] =	vst v17;
	v19 =	vsel vm7, $0xD00, v19;
	v17 =	vsel vm8, $0xE00, v18  }
0x30: {  	v7 =	vand.u32 $0xF, v21;
	v16 =	vand.u32 $0xF, v16;
	[tilespmem:$0x1FFC0] =	vst v17;
	v17 =	vsel vm8, $0xD80, v19  }
0x31: {  	v18 =	vimm.s32 $0xD00;
	v19 =	vimm.s32 $0xC80;
	[tilespmem:$0x1FFD0] =	vst v17;
	v17 =	vimm.s32 $0xD80  }
0x32: {  	v18 =	vsel vm14, $0xD80, v18;
	v19 =	vsel vm14, $0xD00, v19;
	v17 =	vsel vm14, $0xE00, v17  }
0x33: {  	v18 =	vsel vm13, $0xE00, v18;
	v19 =	vsel vm13, $0xD80, v19;
	v17 =	vsel vm13, $0xE80, v17  }
0x34: {  	v18 =	vsel vm12, $0xE80, v18;
	v19 =	vsel vm12, $0xE00, v19;
	v17 =	vsel vm12, $0xF00, v17  }
0x35: {  	v18 =	vsel vm11, $0xF00, v18;
	v19 =	vsel vm11, $0xE80, v19;
	v17 =	vsel vm11, $0xF80, v17  }
0x36: {  	v18 =	vsel vm10, $0xF80, v18;
	v19 =	vsel vm10, $0xF00, v19;
	v17 =	vsel vm10, $0x800, v17  }
0x37: {  	v18 =	vsel vm9, $0x800, v18;
	v19 =	vsel vm9, $0xF80, v19;
	v17 =	vsel vm9, $0x880, v17  }
0x38: {  	v18 =	vsel vm1, $0x880, v18;
	v19 =	vsel vm1, $0x800, v19;
	v17 =	vsel vm1, $0x900, v17  }
0x39: {  	v18 =	vsel vm0, $0x900, v18;
	v19 =	vsel vm0, $0x880, v19;
	v17 =	vsel vm0, $0x980, v17  }
0x3a: {  	v18 =	vsel vm2, $0x980, v18;
	v19 =	vsel vm2, $0x900, v19;
	v17 =	vsel vm2, $0xA00, v17  }
0x3b: {  	v18 =	vsel vm3, $0xA00, v18;
	v19 =	vsel vm3, $0x980, v19;
	v17 =	vsel vm3, $0xA80, v17  }
0x3c: {  	v18 =	vsel vm4, $0xA80, v18;
	v19 =	vsel vm4, $0xA00, v19;
	v17 =	vsel vm4, $0xB00, v17  }
0x3d: {  	v18 =	vsel vm5, $0xB00, v18;
	v19 =	vsel vm5, $0xA80, v19;
	v17 =	vsel vm5, $0xB80, v17  }
0x3e: {  	v18 =	vsel vm6, $0xB80, v18;
	v19 =	vsel vm6, $0xB00, v19;
	v17 =	vsel vm6, $0xC00, v17  }
0x3f: {  	v18 =	vsel vm7, $0xC00, v18;
	v19 =	vsel vm7, $0xB80, v19;
	v17 =	vsel vm7, $0xC80, v17  }
0x40: {  	v23 =	vsel vm8, $0xC00, v19;
	v19 =	vimm.s32 $0xB00;
	v17 =	vsel vm8, $0xD00, v17  }
0x41: {  	v19 =	vsel vm14, $0xB80, v19;
	[tilespmem:$0x1FFE0] =	vst v17;
	v17 =	vsel vm8, $0xC80, v18;
	v18 =	vimm.s32 $0xB80  }
0x42: {  	v19 =	vsel vm13, $0xC00, v19;
	[tilespmem:$0x1FFF0] =	vst v17;
	v17 =	vimm.s32 $0xC00;
	v18 =	vsel vm14, $0xC00, v18  }
0x43: {  	v19 =	vsel vm12, $0xC80, v19;
	v17 =	vsel vm14, $0xC80, v17;
	v18 =	vsel vm13, $0xC80, v18  }
0x44: {  	v19 =	vsel vm11, $0xD00, v19;
	v17 =	vsel vm13, $0xD00, v17;
	v18 =	vsel vm12, $0xD00, v18  }
0x45: {  	v19 =	vsel vm10, $0xD80, v19;
	v17 =	vsel vm12, $0xD80, v17;
	v18 =	vsel vm11, $0xD80, v18  }
0x46: {  	v19 =	vsel vm9, $0xE00, v19;
	v17 =	vsel vm11, $0xE00, v17;
	v18 =	vsel vm10, $0xE00, v18  }
0x47: {  	v19 =	vsel vm1, $0xE80, v19;
	v17 =	vsel vm10, $0xE80, v17;
	v18 =	vsel vm9, $0xE80, v18  }
0x48: {  	v19 =	vsel vm0, $0xF00, v19;
	v17 =	vsel vm9, $0xF00, v17;
	v18 =	vsel vm1, $0xF00, v18  }
0x49: {  	v19 =	vsel vm2, $0xF80, v19;
	v17 =	vsel vm1, $0xF80, v17;
	v18 =	vsel vm0, $0xF80, v18  }
0x4a: {  	v19 =	vsel vm3, $0x800, v19;
	v17 =	vsel vm0, $0x800, v17;
	v18 =	vsel vm2, $0x800, v18  }
0x4b: {  	v19 =	vsel vm4, $0x880, v19;
	v17 =	vsel vm2, $0x880, v17;
	v18 =	vsel vm3, $0x880, v18  }
0x4c: {  	v19 =	vsel vm5, $0x900, v19;
	v17 =	vsel vm3, $0x900, v17;
	v18 =	vsel vm4, $0x900, v18  }
0x4d: {  	v19 =	vsel vm6, $0x980, v19;
	v17 =	vsel vm4, $0x980, v17;
	v18 =	vsel vm5, $0x980, v18  }
0x4e: {  	v19 =	vsel vm7, $0xA00, v19;
	v17 =	vsel vm5, $0xA00, v17;
	v18 =	vsel vm6, $0xA00, v18  }
0x4f: {  	v26 =	vsel vm8, $0xA80, v19;
	v19 =	vimm.s32 $0x980;
	v17 =	vsel vm6, $0xA80, v17  }
0x50: {  	v18 =	vsel vm7, $0xA80, v18;
	v19 =	vsel vm14, $0xA00, v19;
	v17 =	vsel vm7, $0xB00, v17  }
0x51: {  	v25 =	vsel vm8, $0xB00, v18;
	v18 =	vimm.s32 $0xA00;
	v19 =	vsel vm13, $0xA80, v19  }
0x52: {  	v24 =	vsel vm8, $0xB80, v17;
	v17 =	vimm.s32 $0xA80;
	v18 =	vsel vm14, $0xA80, v18  }
0x53: {  	v19 =	vsel vm12, $0xB00, v19;
	v17 =	vsel vm14, $0xB00, v17;
	v18 =	vsel vm13, $0xB00, v18  }
0x54: {  	v19 =	vsel vm11, $0xB80, v19;
	v17 =	vsel vm13, $0xB80, v17;
	v18 =	vsel vm12, $0xB80, v18  }
0x55: {  	v19 =	vsel vm10, $0xC00, v19;
	v17 =	vsel vm12, $0xC00, v17;
	v18 =	vsel vm11, $0xC00, v18  }
0x56: {  	v19 =	vsel vm9, $0xC80, v19;
	v17 =	vsel vm11, $0xC80, v17;
	v18 =	vsel vm10, $0xC80, v18  }
0x57: {  	v19 =	vsel vm1, $0xD00, v19;
	v17 =	vsel vm10, $0xD00, v17;
	v18 =	vsel vm9, $0xD00, v18  }
0x58: {  	v19 =	vsel vm0, $0xD80, v19;
	v17 =	vsel vm9, $0xD80, v17;
	v18 =	vsel vm1, $0xD80, v18  }
0x59: {  	v19 =	vsel vm2, $0xE00, v19;
	v17 =	vsel vm1, $0xE00, v17;
	v18 =	vsel vm0, $0xE00, v18  }
0x5a: {  	v19 =	vsel vm3, $0xE80, v19;
	v17 =	vsel vm0, $0xE80, v17;
	v18 =	vsel vm2, $0xE80, v18  }
0x5b: {  	s0 =	rddreg [dreg:$0x0];
	v19 =	vsel vm4, $0xF00, v19;
	v17 =	vsel vm2, $0xF00, v17;
	v18 =	vsel vm3, $0xF00, v18  }
0x5c: {  	s1 =	rddreg [dreg:$0x2];
	v19 =	vsel vm5, $0xF80, v19;
	v17 =	vsel vm3, $0xF80, v17;
	v18 =	vsel vm4, $0xF80, v18  }
0x5d: {  	s3 =	rddreg [dreg:$0x3];
	v19 =	vsel vm6, $0x800, v19;
	v17 =	vsel vm4, $0x800, v17;
	v18 =	vsel vm5, $0x800, v18  }
0x5e: {  	s2 =	srdreg.scid;
	s5 =	stileid.u32;
	v19 =	vsel vm7, $0x880, v19;
	v17 =	vsel vm5, $0x880, v17;
	v18 =	vsel vm6, $0x880, v18  }
0x5f: {  	s4 =	simm.s32 $0x0;
	s2 =	sand.u32 $0x1, s2;
	s5 =	sshll.u32 s5, $0x1;
	v29 =	vsel vm8, $0x900, v19;
	v17 =	vsel vm6, $0x900, v17;
	v18 =	vsel vm7, $0x900, v18  }
0x60: {  	s31 =	simm.s32 $0x8A80;
	s10 =	simm.s32 $0x200;
	s9 =	sor.u32 s2, s5;
	v19 =	vimm.s32 $0x800;
	v17 =	vsel vm7, $0x980, v17;
	v28 =	vsel vm8, $0x980, v18  }
0x61: {  	s6 =	sadd.s32 $0x400, s1;
	s8 =	sadd.s32 $0x408, s1;
	s5 =	sshll.u32 s9, $0x4;
	v18 =	vimm.s32 $0x880;
	v27 =	vsel vm8, $0xA00, v17;
	v17 =	vimm.s32 $0x900  }
0x62: {  	[smem:$0x7FF] =	sst s4;
	s22 =	sadd.s32 s6, s5;
	s5 =	sadd.s32 s5, s8;
	v19 =	vsel vm14, $0x880, v19;
	v18 =	vsel vm14, $0x900, v18;
	v17 =	vsel vm14, $0x980, v17  }
0x63: {  	s23 =	sadd.s32 $0x9C40, s22;
	_ =	strace $0x80000047;
	[dreg:$0x7] =	wrdreg s5;
	v19 =	vsel vm13, $0x900, v19;
	v18 =	vsel vm13, $0x980, v18;
	v17 =	vsel vm13, $0xA00, v17  }
0x64: {  	s11 =	simm.s32 $0x9;
	s24 =	sadd.s32 $0x9C48, s22;
	[dreg:$0x8] =	wrdreg s23;
	v19 =	vsel vm12, $0x980, v19;
	v18 =	vsel vm12, $0xA00, v18;
	v17 =	vsel vm12, $0xA80, v17  }
0x65: {  	s12 =	simm.s32 $0xA;
	s25 =	sadd.s32 $0x200, s22;
	[dreg:$0x9] =	wrdreg s24;
	v19 =	vsel vm11, $0xA00, v19;
	v18 =	vsel vm11, $0xA80, v18;
	v17 =	vsel vm11, $0xB00, v17  }
0x66: {  	s13 =	simm.s32 $0x3;
	s26 =	sadd.s32 $0x208, s22;
	[dreg:$0xa] =	wrdreg s25;
	v19 =	vsel vm10, $0xA80, v19;
	v18 =	vsel vm10, $0xB00, v18;
	v17 =	vsel vm10, $0xB80, v17  }
0x67: {  	s14 =	simm.s32 $0x4A00;
	s28 =	sadd.s32 $0x9E40, s22;
	[dreg:$0xb] =	wrdreg s26;
	v19 =	vsel vm9, $0xB00, v19;
	v18 =	vsel vm9, $0xB80, v18;
	v17 =	vsel vm9, $0xC00, v17  }
0x68: {  	s15 =	simm.s32 $0x2;
	s19 =	simm.s32 $0x8C00;
	[dreg:$0xc] =	wrdreg s28;
	v19 =	vsel vm1, $0xB80, v19;
	v18 =	vsel vm1, $0xC00, v18;
	v17 =	vsel vm1, $0xC80, v17  }
0x69: {  	s7 =	ssub.s32 $0x2, s2;
	s2 =	sadd.s32 $0x9E48, s22;
	[dreg:$0x6] =	wrdreg s22;
	v19 =	vsel vm0, $0xC00, v19;
	v18 =	vsel vm0, $0xC80, v18;
	v17 =	vsel vm0, $0xD00, v17  }
0x6a: {  	s16 =	simm.s32 $0xD400;
	s29 =	sor.u32 $0x40, s9;
	[dreg:$0xd] =	wrdreg s2;
	v19 =	vsel vm2, $0xC80, v19;
	v18 =	vsel vm2, $0xD00, v18;
	v17 =	vsel vm2, $0xD80, v17  }
0x6b: {  	s20 =	sshrl.u32 s7, $0x1;
	s30 =	sor.u32 $0x60, s9;
	[dreg:$0xe] =	wrdreg s29;
	v19 =	vsel vm3, $0xD00, v19;
	v18 =	vsel vm3, $0xD80, v18;
	v17 =	vsel vm3, $0xE00, v17  }
.Ltmp0:
0x6c: {  	s21 =	ssub.s32 s7, s20;
	[dreg:$0x5] =	wrdreg s9;
	v19 =	vsel vm4, $0xD80, v19;
	v18 =	vsel vm4, $0xE00, v18;
	v17 =	vsel vm4, $0xE80, v17;
	(pc) =	sbr.rel .LBB2_1-.Ltmp0, $4  }
0x6d: {  	s17 =	simm.s32 $0x0;
	s1 =	smax.u32 s21, $0x1;
	[dreg:$0xf] =	wrdreg s30;
	v19 =	vsel vm5, $0xE00, v19;
	v18 =	vsel vm5, $0xE80, v18;
	v17 =	vsel vm5, $0xF00, v17  }
0x6e: {  	s20 =	simm.s32 $0x80;
	[dreg:$0x10] =	wrdreg s1;
	s23 =	simm.s32 $0x1;
	v19 =	vsel vm6, $0xE80, v19;
	v18 =	vsel vm6, $0xF00, v18;
	v17 =	vsel vm6, $0xF80, v17  }
0x6f: {  	s24 =	simm.s32 $0x40;
	s25 =	simm.s32 $0x11400;
	s26 =	simm.s32 $0x13400;
	v19 =	vsel vm7, $0xF00, v19;
	v18 =	vsel vm7, $0xF80, v18;
	v17 =	vsel vm7, $0x800, v17  }
0x70: {  	s2 =	simm.s32 $0x400;
	s5 =	simm.s32 $0x271000;
	s9 =	simm.s32 $0x4;
	v32 =	vsel vm8, $0xF80, v19;
	v31 =	vsel vm8, $0x800, v18;
	v30 =	vsel vm8, $0x880, v17  }
.LBB2_36:
0x71: {  	_ =	swait.ge [sflag:s11], $0x2000  }
0x72: {  	[sflag:s11] =	ssyncset.done $0x0  }
0x73: {  	[sflag:s11] =	ssyncadd.s32 $0xFFFFE000  }
0x74: {  	_ =	swait.ge [sflag:s12], $0x2000  }
0x75: {  	[sflag:s12] =	ssyncset.done $0x0  }
0x76: {  	[sflag:s12] =	ssyncadd.s32 $0xFFFFE000  }
0x77: {  	_ =	swait.ge [sflag:s23], $0x40  }
0x78: {  	[sflag:s23] =	ssyncset.done $0x0  }
0x79: {  	[sflag:s23] =	ssyncadd.s32 $0xFFFFFFC0  }
0x7a: {  	_ =	swait.ge [sflag:s23], $0x40  }
0x7b: {  	[sflag:s23] =	ssyncset.done $0x0  }
0x7c: {  	[sflag:s23] =	ssyncadd.s32 $0xFFFFFFC0  }
0x7d: {  	_ =	swait.ge [sflag:s23], $0x40  }
0x7e: {  	[sflag:s23] =	ssyncset.done $0x0  }
0x7f: {  	[sflag:s23] =	ssyncadd.s32 $0xFFFFFFC0  }
0x80: {  	_ =	swait.ge [sflag:s23], $0x40  }
0x81: {  	[sflag:s23] =	ssyncset.done $0x0  }
0x82: {  	s1 =	simm.s32 $0x5;
	[sflag:s23] =	ssyncadd.s32 $0xFFFFFFC0  }
0x83: {  	_ =	swait.ge [sflag:s1], $0x4800  }
0x84: {  	[sflag:s1] =	ssyncset.done $0x0  }
0x85: {  	s28 =	simm.s32 $0x7;
	[sflag:s1] =	ssyncadd.s32 $0xFFFFB800  }
0x86: {  	_ =	swait.ge [sflag:s28], $0x4000  }
0x87: {  	[sflag:s28] =	ssyncset.done $0x0  }
0x88: {  	s29 =	simm.s32 $0x6;
	[sflag:s28] =	ssyncadd.s32 $0xFFFFC000  }
0x89: {  	_ =	swait.ge [sflag:s29], $0x4800  }
0x8a: {  	[sflag:s29] =	ssyncset.done $0x0  }
0x8b: {  	s7 =	simm.s32 $0x8;
	[sflag:s29] =	ssyncadd.s32 $0xFFFFB800  }
0x8c: {  	_ =	swait.ge [sflag:s7], $0x4000  }
0x8d: {  	s17 =	rddreg [dreg:$0x11]  }
0x8e: {  	s30 =	rddreg [dreg:$0x10];
	s17 =	sadd.s32 $0x1, s17  }
0x8f: {  	p0 =	sne.s32 s17, s30  }
.Ltmp1:
0x90: {  	_ = 	snop;
	(pc) =	sbr.rel @!p0 .LBB2_37-.Ltmp1, $3  }
0x91: {  	_ =	sdelay $0x1  }
0x92: {  	[sflag:s7] =	ssyncset.done $0x0  }
0x93: {  	[sflag:s7] =	ssyncadd.s32 $0xFFFFC000  }
.LBB2_1:
0x94: {  	[dreg:$0x11] =	wrdreg s17  }
0x95: {  	s1 =	rddreg [dreg:$0x6]  }
0x96: {  	[tilespmem:s4], [sflag:$0x1] =	stream.linear.gather [hbm4b:s1+s4], $0x40, $0x38;
	[tilespmem:$0x15400] =	vst v63  }
0x97: {  	s29 =	rddreg [dreg:$0x7]  }
0x98: {  	[tilespmem:s20], [sflag:$0x1] =	stream.linear.gather [hbm4b:s29+s4], $0x40, $0x38;
	[tilespmem:$0x15400] =	vst v63  }
0x99: {  	s30 =	rddreg [dreg:$0x8];
	s7 =	simm.s32 $0x100  }
0x9a: {  	[tilespmem:s7], [sflag:$0x1] =	stream.linear.gather [hbm4b:s30+s4], $0x40, $0x38;
	[tilespmem:$0x15400] =	vst v63  }
0x9b: {  	s17 =	simm.s32 $0x180;
	s7 =	rddreg [dreg:$0x9]  }
0x9c: {  	[tilespmem:s17], [sflag:$0x1] =	stream.linear.gather [hbm4b:s7+s4], $0x40, $0x38;
	[tilespmem:$0x15400] =	vst v63  }
0x9d: {  	_ =	swait.ge [sflag:s23], $0x40  }
0x9e: {  	[sflag:s23] =	ssyncset.done $0x0  }
0x9f: {  	[sflag:s23] =	ssyncadd.s32 $0xFFFFFFC0  }
0xa0: {  	_ =	swait.ge [sflag:s23], $0x40  }
0xa1: {  	[sflag:s23] =	ssyncset.done $0x0  }
0xa2: {  	[sflag:s23] =	ssyncadd.s32 $0xFFFFFFC0  }
0xa3: {  	_ =	swait.ge [sflag:s23], $0x40  }
0xa4: {  	[sflag:s23] =	ssyncset.done $0x0  }
0xa5: {  	[sflag:s23] =	ssyncadd.s32 $0xFFFFFFC0  }
0xa6: {  	_ =	swait.ge [sflag:s23], $0x40  }
0xa7: {  	[sflag:s23] =	ssyncset.done $0x0  }
0xa8: {  	[sflag:s23] =	ssyncadd.s32 $0xFFFFFFC0  }
0xa9: {  	[tilespmem:s25], [sflag:$0x9] =	stream.indirect.gather [hbm4b:s0+s24], $0x80, s4, s24, $0xb8;
	[tilespmem:$0x15400] =	vst v63  }
0xaa: {  	_ = 	snop  }
0xab: {  	[tilespmem:s26], [sflag:$0xA] =	stream.indirect.gather [hbm4b:s0+s24], $0x80, s20, s24, $0xb8;
	[tilespmem:$0x15400] =	vst v63  }
0xac: {  	s21 =	simm.s32 $0x8A00;
	s18 =	rddreg [dreg:$0xa]  }
0xad: {  	[tilespmem:s21], [sflag:$0x2] =	stream.linear.gather [hbm4b:s18+s4], $0x40, $0x38;
	[tilespmem:$0x15400] =	vst v63  }
0xae: {  	s22 =	rddreg [dreg:$0xb]  }
0xaf: {  	[tilespmem:s31], [sflag:$0x2] =	stream.linear.gather [hbm4b:s22+s4], $0x40, $0x38;
	[tilespmem:$0x15400] =	vst v63  }
0xb0: {  	s29 =	simm.s32 $0x8B00;
	s28 =	rddreg [dreg:$0xc]  }
0xb1: {  	[tilespmem:s29], [sflag:$0x2] =	stream.linear.gather [hbm4b:s28+s4], $0x40, $0x38;
	[tilespmem:$0x15400] =	vst v63  }
0xb2: {  	s1 =	simm.s32 $0x0;
	s30 =	rddreg [dreg:$0xd];
	s31 =	simm.s32 $0x8B80  }
0xb3: {  	[tilespmem:s31], [sflag:$0x2] =	stream.linear.gather [hbm4b:s30+s4], $0x40, $0x38;
	[tilespmem:$0x15400] =	vst v63  }
.LBB2_2:
0xb4: {  	p0 =	seq.s32 s1, $0x0  }
0xb5: {  	s17 =	simm.s32 @!p0 $0x5  }
0xb6: {  	_ =	swait.ge @!p0 [sflag:s17], $0x4800  }
0xb7: {  	s18 =	sshll.u32 s1, $0x6;
	s7 =	rddreg [dreg:$0x5];
	[sflag:s17] =	ssyncset.done @!p0 $0x0  }
0xb8: {  	s28 =	simm.s32 @!p0 $0x7;
	s7 =	sor.u32 s7, s18;
	[sflag:s17] =	ssyncadd.s32 @!p0 $0xFFFFB800  }
0xb9: {  	s21 =	sshll.u32 s7, $0xA;
	_ =	swait.ge @!p0 [sflag:s28], $0x4000  }
0xba: {  	p1 =	slt.u32 s7, $0x9C4;
	s17 =	sadd.s32 $0xFFFF8000, s21;
	[sflag:s28] =	ssyncset.done @!p0 $0x0  }
0xbb: {  	s17 =	smov.u32 @p1 s21;
	[sflag:s28] =	ssyncadd.s32 @!p0 $0xFFFFC000  }
0xbc: {  	s30 =	sshrl.u32 s17, $0x3;
	s29 =	rddreg [dreg:$0x1]  }
0xbd: {  	s21 =	sadd.s32 s29, s30  }
0xbe: {  	[tilespmem:s10], [sflag:$0x3] =	stream.strided.gather [hbm4b:s21+s2], $0x800, s5, s2, $0x38;
	[tilespmem:$0x15400] =	vst v63  }
0xbf: {  	_ =	swait.ge [sflag:s11], $0x2000  }
0xc0: {  	[sflag:s11] =	ssyncset.done $0x0  }
0xc1: {  	s31 =	simm.s32 $0x0;
	s28 =	simm.s32 $0x0;
	[sflag:s11] =	ssyncadd.s32 $0xFFFFE000  }
.LBB2_3:
0xc2: {  	s21 =	sshll.u32 s31, $0x4  }
0xc3: {  	v34 =	vor.u32 s28, v0;
	v18 =	vmov s21  }
0xc4: {  	v33 =	vor.u32 s21, v0;
	v19 =	vshll.u32 v34, $0x7;
	v20 =	vshll.u32 v18, $0x7;
	v18 =	vld [tilespmem:$0x1FFA0]  }
0xc5: {  	v17 =	vor.u32 v19, v33;
	_ =	sdelay $0x3  }
0xc6: {  	v36 =	vadd.s32 v18, v20  }
0xc7: {  	v35 =	vor.u32 s21, v1;
	v17 =	vld.idx.msk [tilespmem:v17+s25+$0x0], $0xffff;
	v18 =	vadd.s32 v36, v34  }
0xc8: {  	v21 =	vor.u32 v19, v35;
	_ =	sdelay $0x3  }
0xc9: {  	v37 =	vadd.s32 v32, v20;
	[tilespmem:v18+s10+$0x0] =	vst.idx.msk $0xffff, v17  }
0xca: {  	v38 =	vor.u32 s21, v2;
	v18 =	vadd.s32 v37, v34;
	v17 =	vld.idx.msk [tilespmem:v21+s25+$0x0], $0xffff  }
0xcb: {  	v21 =	vor.u32 v19, v38;
	_ =	sdelay $0x3  }
0xcc: {  	v39 =	vadd.s32 v31, v20;
	[tilespmem:v18+s10+$0x0] =	vst.idx.msk $0xffff, v17  }
0xcd: {  	v40 =	vor.u32 s21, v3;
	v18 =	vadd.s32 v39, v34;
	v17 =	vld.idx.msk [tilespmem:v21+s25+$0x0], $0xffff  }
0xce: {  	v21 =	vor.u32 v19, v40;
	_ =	sdelay $0x3  }
0xcf: {  	v41 =	vadd.s32 v30, v20;
	[tilespmem:v18+s10+$0x0] =	vst.idx.msk $0xffff, v17  }
0xd0: {  	v42 =	vor.u32 s21, v4;
	v18 =	vadd.s32 v41, v34;
	v17 =	vld.idx.msk [tilespmem:v21+s25+$0x0], $0xffff  }
0xd1: {  	v21 =	vor.u32 v19, v42;
	_ =	sdelay $0x3  }
0xd2: {  	v43 =	vadd.s32 v29, v20;
	[tilespmem:v18+s10+$0x0] =	vst.idx.msk $0xffff, v17  }
0xd3: {  	v44 =	vor.u32 s21, v5;
	v18 =	vadd.s32 v43, v34;
	v17 =	vld.idx.msk [tilespmem:v21+s25+$0x0], $0xffff  }
0xd4: {  	v21 =	vor.u32 v19, v44;
	_ =	sdelay $0x3  }
0xd5: {  	v45 =	vadd.s32 v28, v20;
	[tilespmem:v18+s10+$0x0] =	vst.idx.msk $0xffff, v17  }
0xd6: {  	v46 =	vor.u32 s21, v6;
	v18 =	vadd.s32 v45, v34;
	v17 =	vld.idx.msk [tilespmem:v21+s25+$0x0], $0xffff  }
0xd7: {  	v21 =	vor.u32 v19, v46;
	_ =	sdelay $0x3  }
0xd8: {  	v47 =	vadd.s32 v27, v20;
	[tilespmem:v18+s10+$0x0] =	vst.idx.msk $0xffff, v17  }
0xd9: {  	v48 =	vor.u32 s21, v7;
	v18 =	vadd.s32 v47, v34;
	v17 =	vld.idx.msk [tilespmem:v21+s25+$0x0], $0xffff  }
0xda: {  	v21 =	vor.u32 v19, v48;
	_ =	sdelay $0x3  }
0xdb: {  	v49 =	vadd.s32 v26, v20;
	[tilespmem:v18+s10+$0x0] =	vst.idx.msk $0xffff, v17  }
0xdc: {  	v50 =	vor.u32 s21, v8;
	v18 =	vadd.s32 v49, v34;
	v17 =	vld.idx.msk [tilespmem:v21+s25+$0x0], $0xffff  }
0xdd: {  	v21 =	vor.u32 v19, v50;
	_ =	sdelay $0x3  }
0xde: {  	v51 =	vadd.s32 v25, v20;
	[tilespmem:v18+s10+$0x0] =	vst.idx.msk $0xffff, v17  }
0xdf: {  	v52 =	vor.u32 s21, v9;
	v18 =	vadd.s32 v51, v34;
	v17 =	vld.idx.msk [tilespmem:v21+s25+$0x0], $0xffff  }
0xe0: {  	v21 =	vor.u32 v19, v52;
	_ =	sdelay $0x3  }
0xe1: {  	v53 =	vadd.s32 v24, v20;
	[tilespmem:v18+s10+$0x0] =	vst.idx.msk $0xffff, v17  }
0xe2: {  	v54 =	vor.u32 s21, v10;
	v18 =	vadd.s32 v53, v34;
	v17 =	vld.idx.msk [tilespmem:v21+s25+$0x0], $0xffff  }
0xe3: {  	v21 =	vor.u32 v19, v54;
	_ =	sdelay $0x3  }
0xe4: {  	v22 =	vld [tilespmem:$0x1FFF0];
	v55 =	vadd.s32 v23, v20;
	[tilespmem:v18+s10+$0x0] =	vst.idx.msk $0xffff, v17  }
0xe5: {  	v56 =	vor.u32 s21, v11;
	v18 =	vadd.s32 v55, v34;
	v17 =	vld.idx.msk [tilespmem:v21+s25+$0x0], $0xffff  }
0xe6: {  	v21 =	vor.u32 v19, v56;
	_ =	sdelay $0x3  }
0xe7: {  	v57 =	vadd.s32 v22, v20;
	v22 =	vld [tilespmem:$0x1FFE0];
	[tilespmem:v18+s10+$0x0] =	vst.idx.msk $0xffff, v17  }
0xe8: {  	v58 =	vor.u32 s21, v12;
	v18 =	vadd.s32 v57, v34;
	v17 =	vld.idx.msk [tilespmem:v21+s25+$0x0], $0xffff  }
0xe9: {  	v21 =	vor.u32 v19, v58;
	_ =	sdelay $0x3  }
0xea: {  	v59 =	vadd.s32 v22, v20;
	[tilespmem:v18+s10+$0x0] =	vst.idx.msk $0xffff, v17;
	v18 =	vld [tilespmem:$0x1FFD0]  }
0xeb: {  	v60 =	vadd.s32 v59, v34;
	v17 =	vor.u32 s21, v13;
	v21 =	vld.idx.msk [tilespmem:v21+s25+$0x0], $0xffff  }
0xec: {  	v61 =	vor.u32 v19, v17;
	_ =	sdelay $0x3  }
0xed: {  	v22 =	vld [tilespmem:$0x1FFC0];
	v18 =	vadd.s32 v18, v20;
	[tilespmem:v60+s10+$0x0] =	vst.idx.msk $0xffff, v21  }
0xee: {  	v60 =	vor.u32 s21, v15;
	v62 =	vadd.s32 v18, v34;
	v21 =	vld.idx.msk [tilespmem:v61+s25+$0x0], $0xffff  }
0xef: {  	v63 =	vor.u32 v19, v60;
	_ =	sdelay $0x3  }
0xf0: {  	v61 =	vadd.s32 v22, v20;
	[tilespmem:v62+s10+$0x0] =	vst.idx.msk $0xffff, v21  }
0xf1: {  	v21 =	vld.idx.msk [tilespmem:v63+s25+$0x0], $0xffff;
	v63 =	vadd.s32 v61, v34;
	_ =	sdelay $0x3  }
0xf2: {  	v62 =	vor.u32 s21, v16  }
0xf3: {  	v19 =	vor.u32 v19, v62;
	[tilespmem:v63+s10+$0x0] =	vst.idx.msk $0xffff, v21;
	v21 =	vld [tilespmem:$0x1FFB0];
	_ =	sdelay $0x3  }
0xf4: {  	s29 =	simm.s32 $0x10  }
0xf5: {  	s21 =	simm.s32 $0x20;
	v63 =	vadd.s32 v21, v20;
	v20 =	vor.u32 s29, v0;
	v21 =	vld.idx.msk [tilespmem:v19+s25+$0x0], $0xffff  }
.LBB2_4:
0xf6: {  	p1 =	sne.s32 s21, $0x30;
	v19 =	vshll.u32 v20, $0x7;
	v22 =	vadd.s32 v63, v34;
	v34 =	vmov v20  }
0xf7: {  	v20 =	vor.u32 v19, v33;
	_ =	sdelay $0x3  }
0xf8: {  	[tilespmem:v22+s10+$0x0] =	vst.idx.msk $0xffff, v21  }
0xf9: {  	v20 =	vld.idx.msk [tilespmem:v20+s25+$0x0], $0xffff  }
0xfa: {  	v21 =	vadd.s32 v36, v34  }
0xfb: {  	v22 =	vor.u32 v19, v35;
	_ =	sdelay $0x3  }
0xfc: {  	[tilespmem:v21+s10+$0x0] =	vst.idx.msk $0xffff, v20  }
0xfd: {  	v20 =	vld.idx.msk [tilespmem:v22+s25+$0x0], $0xffff  }
0xfe: {  	v21 =	vadd.s32 v37, v34  }
0xff: {  	v22 =	vor.u32 v19, v38;
	_ =	sdelay $0x3  }
0x100: {  	[tilespmem:v21+s10+$0x0] =	vst.idx.msk $0xffff, v20  }
0x101: {  	v20 =	vld.idx.msk [tilespmem:v22+s25+$0x0], $0xffff  }
0x102: {  	v21 =	vadd.s32 v39, v34  }
0x103: {  	v22 =	vor.u32 v19, v40;
	_ =	sdelay $0x3  }
0x104: {  	[tilespmem:v21+s10+$0x0] =	vst.idx.msk $0xffff, v20  }
0x105: {  	v20 =	vld.idx.msk [tilespmem:v22+s25+$0x0], $0xffff  }
0x106: {  	v21 =	vadd.s32 v41, v34  }
0x107: {  	v22 =	vor.u32 v19, v42;
	_ =	sdelay $0x3  }
0x108: {  	[tilespmem:v21+s10+$0x0] =	vst.idx.msk $0xffff, v20  }
0x109: {  	v20 =	vld.idx.msk [tilespmem:v22+s25+$0x0], $0xffff  }
0x10a: {  	v21 =	vadd.s32 v43, v34  }
0x10b: {  	v22 =	vor.u32 v19, v44;
	_ =	sdelay $0x3  }
0x10c: {  	[tilespmem:v21+s10+$0x0] =	vst.idx.msk $0xffff, v20  }
0x10d: {  	v20 =	vld.idx.msk [tilespmem:v22+s25+$0x0], $0xffff  }
0x10e: {  	v21 =	vadd.s32 v45, v34  }
0x10f: {  	v22 =	vor.u32 v19, v46;
	_ =	sdelay $0x3  }
0x110: {  	[tilespmem:v21+s10+$0x0] =	vst.idx.msk $0xffff, v20  }
0x111: {  	v20 =	vld.idx.msk [tilespmem:v22+s25+$0x0], $0xffff  }
0x112: {  	v21 =	vadd.s32 v47, v34  }
0x113: {  	v22 =	vor.u32 v19, v48;
	_ =	sdelay $0x3  }
0x114: {  	[tilespmem:v21+s10+$0x0] =	vst.idx.msk $0xffff, v20  }
0x115: {  	v20 =	vld.idx.msk [tilespmem:v22+s25+$0x0], $0xffff  }
0x116: {  	v21 =	vadd.s32 v49, v34  }
0x117: {  	v22 =	vor.u32 v19, v50;
	_ =	sdelay $0x3  }
0x118: {  	[tilespmem:v21+s10+$0x0] =	vst.idx.msk $0xffff, v20  }
0x119: {  	v20 =	vld.idx.msk [tilespmem:v22+s25+$0x0], $0xffff  }
0x11a: {  	v21 =	vadd.s32 v51, v34  }
0x11b: {  	v22 =	vor.u32 v19, v52;
	_ =	sdelay $0x3  }
0x11c: {  	[tilespmem:v21+s10+$0x0] =	vst.idx.msk $0xffff, v20  }
0x11d: {  	v20 =	vld.idx.msk [tilespmem:v22+s25+$0x0], $0xffff  }
0x11e: {  	v21 =	vadd.s32 v53, v34  }
0x11f: {  	v22 =	vor.u32 v19, v54;
	_ =	sdelay $0x3  }
0x120: {  	[tilespmem:v21+s10+$0x0] =	vst.idx.msk $0xffff, v20  }
0x121: {  	v20 =	vld.idx.msk [tilespmem:v22+s25+$0x0], $0xffff  }
0x122: {  	v21 =	vadd.s32 v55, v34  }
0x123: {  	v22 =	vor.u32 v19, v56;
	_ =	sdelay $0x3  }
0x124: {  	[tilespmem:v21+s10+$0x0] =	vst.idx.msk $0xffff, v20  }
0x125: {  	v20 =	vld.idx.msk [tilespmem:v22+s25+$0x0], $0xffff  }
0x126: {  	v21 =	vadd.s32 v57, v34  }
0x127: {  	v22 =	vor.u32 v19, v58;
	_ =	sdelay $0x3  }
0x128: {  	[tilespmem:v21+s10+$0x0] =	vst.idx.msk $0xffff, v20  }
0x129: {  	v20 =	vld.idx.msk [tilespmem:v22+s25+$0x0], $0xffff  }
0x12a: {  	v21 =	vadd.s32 v59, v34  }
0x12b: {  	v22 =	vor.u32 v19, v17;
	_ =	sdelay $0x3  }
0x12c: {  	[tilespmem:v21+s10+$0x0] =	vst.idx.msk $0xffff, v20  }
0x12d: {  	v20 =	vld.idx.msk [tilespmem:v22+s25+$0x0], $0xffff  }
0x12e: {  	v21 =	vadd.s32 v18, v34  }
0x12f: {  	v22 =	vor.u32 v19, v60;
	_ =	sdelay $0x3  }
0x130: {  	[tilespmem:v21+s10+$0x0] =	vst.idx.msk $0xffff, v20  }
0x131: {  	v20 =	vld.idx.msk [tilespmem:v22+s25+$0x0], $0xffff  }
0x132: {  	v21 =	vadd.s32 v61, v34  }
0x133: {  	v19 =	vor.u32 v19, v62  }
.Ltmp2:
0x134: {  	(pc) =	sbr.rel @p1 .LBB2_4-.Ltmp2, $3  }
0x135: {  	_ =	sdelay $0x1  }
0x136: {  	[tilespmem:v21+s10+$0x0] =	vst.idx.msk $0xffff, v20  }
0x137: {  	v20 =	vor.u32 s21, v0;
	s21 =	sadd.s32 $0x10, s21;
	v21 =	vld.idx.msk [tilespmem:v19+s25+$0x0], $0xffff  }
0x138: {  	v19 =	vshll.u32 v20, $0x7;
	v22 =	vadd.s32 v63, v34  }
0x139: {  	v33 =	vor.u32 v19, v33;
	_ =	sdelay $0x3  }
0x13a: {  	[tilespmem:v22+s10+$0x0] =	vst.idx.msk $0xffff, v21  }
0x13b: {  	v22 =	vadd.s32 v36, v20;
	v21 =	vld.idx.msk [tilespmem:v33+s25+$0x0], $0xffff  }
0x13c: {  	v36 =	vor.u32 v19, v35;
	_ =	sdelay $0x3  }
0x13d: {  	[tilespmem:v22+s10+$0x0] =	vst.idx.msk $0xffff, v21  }
0x13e: {  	v22 =	vadd.s32 v37, v20;
	v21 =	vld.idx.msk [tilespmem:v36+s25+$0x0], $0xffff  }
0x13f: {  	v38 =	vor.u32 v19, v38;
	_ =	sdelay $0x3  }
0x140: {  	[tilespmem:v22+s10+$0x0] =	vst.idx.msk $0xffff, v21  }
0x141: {  	v22 =	vadd.s32 v39, v20;
	v21 =	vld.idx.msk [tilespmem:v38+s25+$0x0], $0xffff  }
0x142: {  	v40 =	vor.u32 v19, v40;
	_ =	sdelay $0x3  }
0x143: {  	[tilespmem:v22+s10+$0x0] =	vst.idx.msk $0xffff, v21  }
0x144: {  	v22 =	vadd.s32 v41, v20;
	v21 =	vld.idx.msk [tilespmem:v40+s25+$0x0], $0xffff  }
0x145: {  	v42 =	vor.u32 v19, v42;
	_ =	sdelay $0x3  }
0x146: {  	[tilespmem:v22+s10+$0x0] =	vst.idx.msk $0xffff, v21  }
0x147: {  	v22 =	vadd.s32 v43, v20;
	v21 =	vld.idx.msk [tilespmem:v42+s25+$0x0], $0xffff  }
0x148: {  	v44 =	vor.u32 v19, v44;
	_ =	sdelay $0x3  }
0x149: {  	[tilespmem:v22+s10+$0x0] =	vst.idx.msk $0xffff, v21  }
0x14a: {  	v22 =	vadd.s32 v45, v20;
	v21 =	vld.idx.msk [tilespmem:v44+s25+$0x0], $0xffff  }
0x14b: {  	v46 =	vor.u32 v19, v46;
	_ =	sdelay $0x3  }
0x14c: {  	[tilespmem:v22+s10+$0x0] =	vst.idx.msk $0xffff, v21  }
0x14d: {  	v22 =	vadd.s32 v47, v20;
	v21 =	vld.idx.msk [tilespmem:v46+s25+$0x0], $0xffff  }
0x14e: {  	v48 =	vor.u32 v19, v48;
	_ =	sdelay $0x3  }
0x14f: {  	[tilespmem:v22+s10+$0x0] =	vst.idx.msk $0xffff, v21  }
0x150: {  	v22 =	vadd.s32 v49, v20;
	v21 =	vld.idx.msk [tilespmem:v48+s25+$0x0], $0xffff  }
0x151: {  	v50 =	vor.u32 v19, v50;
	_ =	sdelay $0x3  }
0x152: {  	[tilespmem:v22+s10+$0x0] =	vst.idx.msk $0xffff, v21  }
0x153: {  	v22 =	vadd.s32 v51, v20;
	v21 =	vld.idx.msk [tilespmem:v50+s25+$0x0], $0xffff  }
0x154: {  	v52 =	vor.u32 v19, v52;
	_ =	sdelay $0x3  }
0x155: {  	[tilespmem:v22+s10+$0x0] =	vst.idx.msk $0xffff, v21  }
0x156: {  	v22 =	vadd.s32 v53, v20;
	v21 =	vld.idx.msk [tilespmem:v52+s25+$0x0], $0xffff  }
0x157: {  	v54 =	vor.u32 v19, v54;
	_ =	sdelay $0x3  }
0x158: {  	[tilespmem:v22+s10+$0x0] =	vst.idx.msk $0xffff, v21  }
0x159: {  	v22 =	vadd.s32 v55, v20;
	v21 =	vld.idx.msk [tilespmem:v54+s25+$0x0], $0xffff  }
0x15a: {  	v56 =	vor.u32 v19, v56;
	_ =	sdelay $0x3  }
0x15b: {  	[tilespmem:v22+s10+$0x0] =	vst.idx.msk $0xffff, v21  }
0x15c: {  	v22 =	vadd.s32 v57, v20;
	v21 =	vld.idx.msk [tilespmem:v56+s25+$0x0], $0xffff  }
0x15d: {  	v58 =	vor.u32 v19, v58;
	_ =	sdelay $0x3  }
0x15e: {  	[tilespmem:v22+s10+$0x0] =	vst.idx.msk $0xffff, v21  }
0x15f: {  	v22 =	vadd.s32 v59, v20;
	v21 =	vld.idx.msk [tilespmem:v58+s25+$0x0], $0xffff  }
0x160: {  	v17 =	vor.u32 v19, v17;
	_ =	sdelay $0x3  }
0x161: {  	[tilespmem:v22+s10+$0x0] =	vst.idx.msk $0xffff, v21  }
0x162: {  	v18 =	vadd.s32 v18, v20;
	v17 =	vld.idx.msk [tilespmem:v17+s25+$0x0], $0xffff  }
0x163: {  	v21 =	vor.u32 v19, v60;
	_ =	sdelay $0x3  }
0x164: {  	[tilespmem:v18+s10+$0x0] =	vst.idx.msk $0xffff, v17  }
0x165: {  	v18 =	vadd.s32 v61, v20;
	v17 =	vld.idx.msk [tilespmem:v21+s25+$0x0], $0xffff  }
0x166: {  	v19 =	vor.u32 v19, v62;
	_ =	sdelay $0x3  }
0x167: {  	s31 =	sadd.s32 $0x1, s31;
	[tilespmem:v18+s10+$0x0] =	vst.idx.msk $0xffff, v17  }
0x168: {  	p1 =	sne.s32 s31, $0x8;
	v18 =	vadd.s32 v63, v20;
	v17 =	vld.idx.msk [tilespmem:v19+s25+$0x0], $0xffff  }
.Ltmp3:
0x169: {  	_ = 	snop;
	(pc) =	sbr.rel @p1 .LBB2_3-.Ltmp3, $2  }
0x16a: {  	_ =	sdelay $0x2  }
0x16b: {  	[tilespmem:v18+s10+$0x0] =	vst.idx.msk $0xffff, v17  }
0x16c: {  	s21 =	simm.s32 $0x100  }
0x16d: {  	[tilespmem:s25], [sflag:$0x9] =	stream.indirect.gather [hbm4b:s0+s24], $0x80, s21, s24, $0xb8;
	[tilespmem:$0x15400] =	vst v63  }
0x16e: {  	_ =	swait.ge [sflag:s12], $0x2000  }
0x16f: {  	[sflag:s12] =	ssyncset.done $0x0  }
0x170: {  	s31 =	simm.s32 $0x0;
	s28 =	simm.s32 $0x0;
	[sflag:s12] =	ssyncadd.s32 $0xFFFFE000  }
.LBB2_7:
0x171: {  	v17 =	vmov s31  }
0x172: {  	s21 =	sshll.u32 s28, $0x4;
	v17 =	vshll.u32 v17, $0x7  }
0x173: {  	v20 =	vld [tilespmem:$0x1FFA0];
	v33 =	vor.u32 s21, v0;
	v19 =	vor.u32 v14, v17  }
0x174: {  	v17 =	vor.u32 v19, v33;
	_ =	sdelay $0x1  }
0x175: {  	v18 =	vmov s21  }
0x176: {  	s29 =	simm.s32 $0x40;
	v18 =	vshll.u32 v18, $0x7  }
0x177: {  	v53 =	vor.u32 s29, v0;
	v34 =	vadd.s32 v20, v18  }
0x178: {  	v35 =	vor.u32 s21, v1;
	v20 =	vadd.s32 v34, v53;
	v17 =	vld.idx.msk [tilespmem:v17+s26+$0x0], $0xffff  }
0x179: {  	v21 =	vor.u32 v19, v35;
	_ =	sdelay $0x3  }
0x17a: {  	v36 =	vadd.s32 v32, v18;
	[tilespmem:v20+s10+$0x0] =	vst.idx.msk $0xffff, v17  }
0x17b: {  	v37 =	vor.u32 s21, v2;
	v20 =	vadd.s32 v36, v53;
	v17 =	vld.idx.msk [tilespmem:v21+s26+$0x0], $0xffff  }
0x17c: {  	v21 =	vor.u32 v19, v37;
	_ =	sdelay $0x3  }
0x17d: {  	v38 =	vadd.s32 v31, v18;
	[tilespmem:v20+s10+$0x0] =	vst.idx.msk $0xffff, v17  }
0x17e: {  	v39 =	vor.u32 s21, v3;
	v20 =	vadd.s32 v38, v53;
	v17 =	vld.idx.msk [tilespmem:v21+s26+$0x0], $0xffff  }
0x17f: {  	v21 =	vor.u32 v19, v39;
	_ =	sdelay $0x3  }
0x180: {  	v40 =	vadd.s32 v30, v18;
	[tilespmem:v20+s10+$0x0] =	vst.idx.msk $0xffff, v17  }
0x181: {  	v41 =	vor.u32 s21, v4;
	v20 =	vadd.s32 v40, v53;
	v17 =	vld.idx.msk [tilespmem:v21+s26+$0x0], $0xffff  }
0x182: {  	v21 =	vor.u32 v19, v41;
	_ =	sdelay $0x3  }
0x183: {  	v42 =	vadd.s32 v29, v18;
	[tilespmem:v20+s10+$0x0] =	vst.idx.msk $0xffff, v17  }
0x184: {  	v43 =	vor.u32 s21, v5;
	v20 =	vadd.s32 v42, v53;
	v17 =	vld.idx.msk [tilespmem:v21+s26+$0x0], $0xffff  }
0x185: {  	v21 =	vor.u32 v19, v43;
	_ =	sdelay $0x3  }
0x186: {  	v44 =	vadd.s32 v28, v18;
	[tilespmem:v20+s10+$0x0] =	vst.idx.msk $0xffff, v17  }
0x187: {  	v45 =	vor.u32 s21, v6;
	v20 =	vadd.s32 v44, v53;
	v17 =	vld.idx.msk [tilespmem:v21+s26+$0x0], $0xffff  }
0x188: {  	v21 =	vor.u32 v19, v45;
	_ =	sdelay $0x3  }
0x189: {  	v46 =	vadd.s32 v27, v18;
	[tilespmem:v20+s10+$0x0] =	vst.idx.msk $0xffff, v17  }
0x18a: {  	v47 =	vor.u32 s21, v7;
	v20 =	vadd.s32 v46, v53;
	v17 =	vld.idx.msk [tilespmem:v21+s26+$0x0], $0xffff  }
0x18b: {  	v21 =	vor.u32 v19, v47;
	_ =	sdelay $0x3  }
0x18c: {  	v48 =	vadd.s32 v26, v18;
	[tilespmem:v20+s10+$0x0] =	vst.idx.msk $0xffff, v17  }
0x18d: {  	v49 =	vor.u32 s21, v8;
	v20 =	vadd.s32 v48, v53;
	v17 =	vld.idx.msk [tilespmem:v21+s26+$0x0], $0xffff  }
0x18e: {  	v21 =	vor.u32 v19, v49;
	_ =	sdelay $0x3  }
0x18f: {  	v50 =	vadd.s32 v25, v18;
	[tilespmem:v20+s10+$0x0] =	vst.idx.msk $0xffff, v17  }
0x190: {  	v51 =	vor.u32 s21, v9;
	v20 =	vadd.s32 v50, v53;
	v17 =	vld.idx.msk [tilespmem:v21+s26+$0x0], $0xffff  }
0x191: {  	v21 =	vor.u32 v19, v51;
	_ =	sdelay $0x3  }
0x192: {  	v52 =	vadd.s32 v24, v18;
	[tilespmem:v20+s10+$0x0] =	vst.idx.msk $0xffff, v17  }
0x193: {  	v54 =	vor.u32 s21, v10;
	v20 =	vadd.s32 v52, v53;
	v17 =	vld.idx.msk [tilespmem:v21+s26+$0x0], $0xffff  }
0x194: {  	v21 =	vor.u32 v19, v54;
	_ =	sdelay $0x3  }
0x195: {  	v22 =	vld [tilespmem:$0x1FFF0];
	v55 =	vadd.s32 v23, v18;
	[tilespmem:v20+s10+$0x0] =	vst.idx.msk $0xffff, v17  }
0x196: {  	v56 =	vor.u32 s21, v11;
	v20 =	vadd.s32 v55, v53;
	v17 =	vld.idx.msk [tilespmem:v21+s26+$0x0], $0xffff  }
0x197: {  	v21 =	vor.u32 v19, v56;
	_ =	sdelay $0x3  }
0x198: {  	v57 =	vadd.s32 v22, v18;
	v22 =	vld [tilespmem:$0x1FFE0];
	[tilespmem:v20+s10+$0x0] =	vst.idx.msk $0xffff, v17  }
0x199: {  	v58 =	vor.u32 s21, v12;
	v20 =	vadd.s32 v57, v53;
	v17 =	vld.idx.msk [tilespmem:v21+s26+$0x0], $0xffff  }
0x19a: {  	v21 =	vor.u32 v19, v58;
	_ =	sdelay $0x3  }
0x19b: {  	v59 =	vadd.s32 v22, v18;
	v22 =	vld [tilespmem:$0x1FFD0];
	[tilespmem:v20+s10+$0x0] =	vst.idx.msk $0xffff, v17  }
0x19c: {  	v60 =	vor.u32 s21, v13;
	v20 =	vadd.s32 v59, v53;
	v17 =	vld.idx.msk [tilespmem:v21+s26+$0x0], $0xffff  }
0x19d: {  	v21 =	vor.u32 v19, v60;
	_ =	sdelay $0x3  }
0x19e: {  	v61 =	vadd.s32 v22, v18;
	v22 =	vld [tilespmem:$0x1FFC0];
	[tilespmem:v20+s10+$0x0] =	vst.idx.msk $0xffff, v17  }
0x19f: {  	v62 =	vor.u32 s21, v15;
	v20 =	vadd.s32 v61, v53;
	v17 =	vld.idx.msk [tilespmem:v21+s26+$0x0], $0xffff  }
0x1a0: {  	v21 =	vor.u32 v19, v62;
	_ =	sdelay $0x3  }
0x1a1: {  	v63 =	vadd.s32 v22, v18;
	[tilespmem:v20+s10+$0x0] =	vst.idx.msk $0xffff, v17  }
0x1a2: {  	v20 =	vld.idx.msk [tilespmem:v21+s26+$0x0], $0xffff;
	v21 =	vadd.s32 v63, v53;
	_ =	sdelay $0x4  }
0x1a3: {  	v17 =	vor.u32 s21, v16;
	[tilespmem:v21+s10+$0x0] =	vst.idx.msk $0xffff, v20;
	v20 =	vld [tilespmem:$0x1FFB0]  }
0x1a4: {  	v19 =	vor.u32 v19, v17;
	_ =	sdelay $0x2  }
0x1a5: {  	s29 =	simm.s32 $0x10  }
0x1a6: {  	s21 =	simm.s32 $0x20;
	v18 =	vadd.s32 v20, v18;
	v20 =	vmov s29  }
.LBB2_8:
0x1a7: {  	p1 =	sne.s32 s21, $0x30;
	v20 =	vshll.u32 v20, $0x7;
	v21 =	vld.idx.msk [tilespmem:v19+s26+$0x0], $0xffff  }
0x1a8: {  	v19 =	vor.u32 v14, v20;
	v20 =	vadd.s32 v18, v53  }
0x1a9: {  	v22 =	vor.u32 v19, v33;
	_ =	sdelay $0x3  }
0x1aa: {  	s22 =	sadd.s32 $0x40, s29;
	s29 =	smov.u32 s21;
	[tilespmem:v20+s10+$0x0] =	vst.idx.msk $0xffff, v21  }
0x1ab: {  	v53 =	vor.u32 s22, v0;
	v20 =	vld.idx.msk [tilespmem:v22+s26+$0x0], $0xffff  }
0x1ac: {  	v21 =	vadd.s32 v34, v53  }
0x1ad: {  	v22 =	vor.u32 v19, v35;
	_ =	sdelay $0x3  }
0x1ae: {  	[tilespmem:v21+s10+$0x0] =	vst.idx.msk $0xffff, v20  }
0x1af: {  	v20 =	vld.idx.msk [tilespmem:v22+s26+$0x0], $0xffff  }
0x1b0: {  	v21 =	vadd.s32 v36, v53  }
0x1b1: {  	v22 =	vor.u32 v19, v37;
	_ =	sdelay $0x3  }
0x1b2: {  	[tilespmem:v21+s10+$0x0] =	vst.idx.msk $0xffff, v20  }
0x1b3: {  	v20 =	vld.idx.msk [tilespmem:v22+s26+$0x0], $0xffff  }
0x1b4: {  	v21 =	vadd.s32 v38, v53  }
0x1b5: {  	v22 =	vor.u32 v19, v39;
	_ =	sdelay $0x3  }
0x1b6: {  	[tilespmem:v21+s10+$0x0] =	vst.idx.msk $0xffff, v20  }
0x1b7: {  	v20 =	vld.idx.msk [tilespmem:v22+s26+$0x0], $0xffff  }
0x1b8: {  	v21 =	vadd.s32 v40, v53  }
0x1b9: {  	v22 =	vor.u32 v19, v41;
	_ =	sdelay $0x3  }
0x1ba: {  	[tilespmem:v21+s10+$0x0] =	vst.idx.msk $0xffff, v20  }
0x1bb: {  	v20 =	vld.idx.msk [tilespmem:v22+s26+$0x0], $0xffff  }
0x1bc: {  	v21 =	vadd.s32 v42, v53  }
0x1bd: {  	v22 =	vor.u32 v19, v43;
	_ =	sdelay $0x3  }
0x1be: {  	[tilespmem:v21+s10+$0x0] =	vst.idx.msk $0xffff, v20  }
0x1bf: {  	v20 =	vld.idx.msk [tilespmem:v22+s26+$0x0], $0xffff  }
0x1c0: {  	v21 =	vadd.s32 v44, v53  }
0x1c1: {  	v22 =	vor.u32 v19, v45;
	_ =	sdelay $0x3  }
0x1c2: {  	[tilespmem:v21+s10+$0x0] =	vst.idx.msk $0xffff, v20  }
0x1c3: {  	v20 =	vld.idx.msk [tilespmem:v22+s26+$0x0], $0xffff  }
0x1c4: {  	v21 =	vadd.s32 v46, v53  }
0x1c5: {  	v22 =	vor.u32 v19, v47;
	_ =	sdelay $0x3  }
0x1c6: {  	[tilespmem:v21+s10+$0x0] =	vst.idx.msk $0xffff, v20  }
0x1c7: {  	v20 =	vld.idx.msk [tilespmem:v22+s26+$0x0], $0xffff  }
0x1c8: {  	v21 =	vadd.s32 v48, v53  }
0x1c9: {  	v22 =	vor.u32 v19, v49;
	_ =	sdelay $0x3  }
0x1ca: {  	[tilespmem:v21+s10+$0x0] =	vst.idx.msk $0xffff, v20  }
0x1cb: {  	v20 =	vld.idx.msk [tilespmem:v22+s26+$0x0], $0xffff  }
0x1cc: {  	v21 =	vadd.s32 v50, v53  }
0x1cd: {  	v22 =	vor.u32 v19, v51;
	_ =	sdelay $0x3  }
0x1ce: {  	[tilespmem:v21+s10+$0x0] =	vst.idx.msk $0xffff, v20  }
0x1cf: {  	v20 =	vld.idx.msk [tilespmem:v22+s26+$0x0], $0xffff  }
0x1d0: {  	v21 =	vadd.s32 v52, v53  }
0x1d1: {  	v22 =	vor.u32 v19, v54;
	_ =	sdelay $0x3  }
0x1d2: {  	[tilespmem:v21+s10+$0x0] =	vst.idx.msk $0xffff, v20  }
0x1d3: {  	v20 =	vld.idx.msk [tilespmem:v22+s26+$0x0], $0xffff  }
0x1d4: {  	v21 =	vadd.s32 v55, v53  }
0x1d5: {  	v22 =	vor.u32 v19, v56;
	_ =	sdelay $0x3  }
0x1d6: {  	[tilespmem:v21+s10+$0x0] =	vst.idx.msk $0xffff, v20  }
0x1d7: {  	v20 =	vld.idx.msk [tilespmem:v22+s26+$0x0], $0xffff  }
0x1d8: {  	v21 =	vadd.s32 v57, v53  }
0x1d9: {  	v22 =	vor.u32 v19, v58;
	_ =	sdelay $0x3  }
0x1da: {  	[tilespmem:v21+s10+$0x0] =	vst.idx.msk $0xffff, v20  }
0x1db: {  	v20 =	vld.idx.msk [tilespmem:v22+s26+$0x0], $0xffff  }
0x1dc: {  	v21 =	vadd.s32 v59, v53  }
0x1dd: {  	v22 =	vor.u32 v19, v60;
	_ =	sdelay $0x3  }
0x1de: {  	[tilespmem:v21+s10+$0x0] =	vst.idx.msk $0xffff, v20  }
0x1df: {  	v20 =	vld.idx.msk [tilespmem:v22+s26+$0x0], $0xffff  }
0x1e0: {  	v21 =	vadd.s32 v61, v53  }
0x1e1: {  	v22 =	vor.u32 v19, v62;
	_ =	sdelay $0x3  }
0x1e2: {  	[tilespmem:v21+s10+$0x0] =	vst.idx.msk $0xffff, v20  }
0x1e3: {  	v21 =	vld.idx.msk [tilespmem:v22+s26+$0x0], $0xffff  }
0x1e4: {  	v22 =	vadd.s32 v63, v53  }
.Ltmp4:
0x1e5: {  	v19 =	vor.u32 v19, v17;
	(pc) =	sbr.rel @p1 .LBB2_8-.Ltmp4, $2  }
0x1e6: {  	_ =	sdelay $0x2  }
0x1e7: {  	s21 =	sadd.s32 $0x10, s21;
	v20 =	vmov s29;
	[tilespmem:v22+s10+$0x0] =	vst.idx.msk $0xffff, v21  }
0x1e8: {  	_ =	sdelay $0x2  }
0x1e9: {  	v20 =	vshll.u32 v20, $0x7  }
0x1ea: {  	v19 =	vld.idx.msk [tilespmem:v19+s26+$0x0], $0xffff;
	v21 =	vadd.s32 v18, v53;
	v20 =	vor.u32 v14, v20  }
0x1eb: {  	v22 =	vor.u32 v20, v33;
	_ =	sdelay $0x2  }
0x1ec: {  	s21 =	sadd.s32 $0x40, s29  }
0x1ed: {  	[tilespmem:v21+s10+$0x0] =	vst.idx.msk $0xffff, v19;
	v19 =	vor.u32 s21, v0  }
0x1ee: {  	v21 =	vld.idx.msk [tilespmem:v22+s26+$0x0], $0xffff;
	v22 =	vadd.s32 v34, v19  }
0x1ef: {  	v53 =	vor.u32 v20, v35;
	_ =	sdelay $0x3  }
0x1f0: {  	[tilespmem:v22+s10+$0x0] =	vst.idx.msk $0xffff, v21  }
0x1f1: {  	v22 =	vadd.s32 v36, v19;
	v21 =	vld.idx.msk [tilespmem:v53+s26+$0x0], $0xffff  }
0x1f2: {  	v37 =	vor.u32 v20, v37;
	_ =	sdelay $0x3  }
0x1f3: {  	[tilespmem:v22+s10+$0x0] =	vst.idx.msk $0xffff, v21  }
0x1f4: {  	v22 =	vadd.s32 v38, v19;
	v21 =	vld.idx.msk [tilespmem:v37+s26+$0x0], $0xffff  }
0x1f5: {  	v39 =	vor.u32 v20, v39;
	_ =	sdelay $0x3  }
0x1f6: {  	[tilespmem:v22+s10+$0x0] =	vst.idx.msk $0xffff, v21  }
0x1f7: {  	v22 =	vadd.s32 v40, v19;
	v21 =	vld.idx.msk [tilespmem:v39+s26+$0x0], $0xffff  }
0x1f8: {  	v41 =	vor.u32 v20, v41;
	_ =	sdelay $0x3  }
0x1f9: {  	[tilespmem:v22+s10+$0x0] =	vst.idx.msk $0xffff, v21  }
0x1fa: {  	v22 =	vadd.s32 v42, v19;
	v21 =	vld.idx.msk [tilespmem:v41+s26+$0x0], $0xffff  }
0x1fb: {  	v43 =	vor.u32 v20, v43;
	_ =	sdelay $0x3  }
0x1fc: {  	[tilespmem:v22+s10+$0x0] =	vst.idx.msk $0xffff, v21  }
0x1fd: {  	v22 =	vadd.s32 v44, v19;
	v21 =	vld.idx.msk [tilespmem:v43+s26+$0x0], $0xffff  }
0x1fe: {  	v45 =	vor.u32 v20, v45;
	_ =	sdelay $0x3  }
0x1ff: {  	[tilespmem:v22+s10+$0x0] =	vst.idx.msk $0xffff, v21  }
0x200: {  	v22 =	vadd.s32 v46, v19;
	v21 =	vld.idx.msk [tilespmem:v45+s26+$0x0], $0xffff  }
0x201: {  	v47 =	vor.u32 v20, v47;
	_ =	sdelay $0x3  }
0x202: {  	[tilespmem:v22+s10+$0x0] =	vst.idx.msk $0xffff, v21  }
0x203: {  	v22 =	vadd.s32 v48, v19;
	v21 =	vld.idx.msk [tilespmem:v47+s26+$0x0], $0xffff  }
0x204: {  	v49 =	vor.u32 v20, v49;
	_ =	sdelay $0x3  }
0x205: {  	[tilespmem:v22+s10+$0x0] =	vst.idx.msk $0xffff, v21  }
0x206: {  	v22 =	vadd.s32 v50, v19;
	v21 =	vld.idx.msk [tilespmem:v49+s26+$0x0], $0xffff  }
0x207: {  	v53 =	vor.u32 v20, v51;
	_ =	sdelay $0x3  }
0x208: {  	[tilespmem:v22+s10+$0x0] =	vst.idx.msk $0xffff, v21  }
0x209: {  	v22 =	vadd.s32 v52, v19;
	v21 =	vld.idx.msk [tilespmem:v53+s26+$0x0], $0xffff  }
0x20a: {  	v54 =	vor.u32 v20, v54;
	_ =	sdelay $0x3  }
0x20b: {  	[tilespmem:v22+s10+$0x0] =	vst.idx.msk $0xffff, v21  }
0x20c: {  	v22 =	vadd.s32 v55, v19;
	v21 =	vld.idx.msk [tilespmem:v54+s26+$0x0], $0xffff  }
0x20d: {  	v56 =	vor.u32 v20, v56;
	_ =	sdelay $0x3  }
0x20e: {  	[tilespmem:v22+s10+$0x0] =	vst.idx.msk $0xffff, v21  }
0x20f: {  	v22 =	vadd.s32 v57, v19;
	v21 =	vld.idx.msk [tilespmem:v56+s26+$0x0], $0xffff  }
0x210: {  	v58 =	vor.u32 v20, v58;
	_ =	sdelay $0x3  }
0x211: {  	[tilespmem:v22+s10+$0x0] =	vst.idx.msk $0xffff, v21  }
0x212: {  	v22 =	vadd.s32 v59, v19;
	v21 =	vld.idx.msk [tilespmem:v58+s26+$0x0], $0xffff  }
0x213: {  	v60 =	vor.u32 v20, v60;
	_ =	sdelay $0x3  }
0x214: {  	[tilespmem:v22+s10+$0x0] =	vst.idx.msk $0xffff, v21  }
0x215: {  	v22 =	vadd.s32 v61, v19;
	v21 =	vld.idx.msk [tilespmem:v60+s26+$0x0], $0xffff  }
0x216: {  	v62 =	vor.u32 v20, v62;
	_ =	sdelay $0x3  }
0x217: {  	[tilespmem:v22+s10+$0x0] =	vst.idx.msk $0xffff, v21  }
0x218: {  	v22 =	vadd.s32 v63, v19;
	v21 =	vld.idx.msk [tilespmem:v62+s26+$0x0], $0xffff  }
0x219: {  	v17 =	vor.u32 v20, v17;
	_ =	sdelay $0x3  }
0x21a: {  	s28 =	sadd.s32 $0x1, s28;
	[tilespmem:v22+s10+$0x0] =	vst.idx.msk $0xffff, v21  }
0x21b: {  	p1 =	sne.s32 s28, $0x8;
	v18 =	vadd.s32 v18, v19;
	v17 =	vld.idx.msk [tilespmem:v17+s26+$0x0], $0xffff  }
.Ltmp5:
0x21c: {  	_ = 	snop;
	(pc) =	sbr.rel @p1 .LBB2_7-.Ltmp5, $2  }
0x21d: {  	_ =	sdelay $0x2  }
0x21e: {  	[tilespmem:v18+s10+$0x0] =	vst.idx.msk $0xffff, v17  }
0x21f: {  	s21 =	simm.s32 $0x180  }
0x220: {  	[tilespmem:s26], [sflag:$0xA] =	stream.indirect.gather [hbm4b:s0+s24], $0x80, s21, s24, $0xb8;
	[tilespmem:$0x15400] =	vst v63  }
0x221: {  	_ =	swait.ge [sflag:s13], $0x800  }
0x222: {  	[sflag:s13] =	ssyncset.done $0x0  }
0x223: {  	s31 =	sadd.s32 s3, s30;
	[sflag:s13] =	ssyncadd.s32 $0xFFFFF800  }
0x224: {  	[hbm4b:s31+s2] =	stream.strided.scatter [tilespmem:s10], [sflag:$0x5], $0x4800, s5, s2, $0x38;
	[tilespmem:$0x15400] =	vst v63  }
0x225: {  	_ =	swait.ge [sflag:s11], $0x2000  }
0x226: {  	[sflag:s11] =	ssyncset.done $0x0  }
0x227: {  	s28 =	simm.s32 $0x0;
	s30 =	simm.s32 $0x0;
	[sflag:s11] =	ssyncadd.s32 $0xFFFFE000  }
.LBB2_11:
0x228: {  	s21 =	sshll.u32 s30, $0x4;
	v36 =	vor.u32 s28, v0  }
0x229: {  	v33 =	vor.u32 s21, v0;
	v19 =	vshll.u32 v36, $0x7  }
0x22a: {  	v17 =	vor.u32 v33, v19;
	_ =	sdelay $0x3  }
0x22b: {  	v35 =	vshll.u32 v33, $0x7  }
0x22c: {  	v34 =	vor.u32 s21, v1;
	v18 =	vadd.s32 v35, v36;
	v17 =	vld.idx.msk [tilespmem:v17+s25+$0x0], $0xffff  }
0x22d: {  	v20 =	vor.u32 v34, v19;
	_ =	sdelay $0x3  }
0x22e: {  	v37 =	vshll.u32 v34, $0x7;
	[tilespmem:v18+s14+$0x0] =	vst.idx.msk $0xffff, v17  }
0x22f: {  	v38 =	vor.u32 s21, v2;
	v18 =	vadd.s32 v37, v36;
	v17 =	vld.idx.msk [tilespmem:v20+s25+$0x0], $0xffff  }
0x230: {  	v20 =	vor.u32 v38, v19;
	_ =	sdelay $0x3  }
0x231: {  	v39 =	vshll.u32 v38, $0x7;
	[tilespmem:v18+s14+$0x0] =	vst.idx.msk $0xffff, v17  }
0x232: {  	v40 =	vor.u32 s21, v3;
	v18 =	vadd.s32 v39, v36;
	v17 =	vld.idx.msk [tilespmem:v20+s25+$0x0], $0xffff  }
0x233: {  	v20 =	vor.u32 v40, v19;
	_ =	sdelay $0x3  }
0x234: {  	v41 =	vshll.u32 v40, $0x7;
	[tilespmem:v18+s14+$0x0] =	vst.idx.msk $0xffff, v17  }
0x235: {  	v42 =	vor.u32 s21, v4;
	v18 =	vadd.s32 v41, v36;
	v17 =	vld.idx.msk [tilespmem:v20+s25+$0x0], $0xffff  }
0x236: {  	v20 =	vor.u32 v42, v19;
	_ =	sdelay $0x3  }
0x237: {  	v43 =	vshll.u32 v42, $0x7;
	[tilespmem:v18+s14+$0x0] =	vst.idx.msk $0xffff, v17  }
0x238: {  	v44 =	vor.u32 s21, v5;
	v18 =	vadd.s32 v43, v36;
	v17 =	vld.idx.msk [tilespmem:v20+s25+$0x0], $0xffff  }
0x239: {  	v20 =	vor.u32 v44, v19;
	_ =	sdelay $0x3  }
0x23a: {  	v45 =	vshll.u32 v44, $0x7;
	[tilespmem:v18+s14+$0x0] =	vst.idx.msk $0xffff, v17  }
0x23b: {  	v46 =	vor.u32 s21, v6;
	v18 =	vadd.s32 v45, v36;
	v17 =	vld.idx.msk [tilespmem:v20+s25+$0x0], $0xffff  }
0x23c: {  	v20 =	vor.u32 v46, v19;
	_ =	sdelay $0x3  }
0x23d: {  	v47 =	vshll.u32 v46, $0x7;
	[tilespmem:v18+s14+$0x0] =	vst.idx.msk $0xffff, v17  }
0x23e: {  	v48 =	vor.u32 s21, v7;
	v18 =	vadd.s32 v47, v36;
	v17 =	vld.idx.msk [tilespmem:v20+s25+$0x0], $0xffff  }
0x23f: {  	v20 =	vor.u32 v48, v19;
	_ =	sdelay $0x3  }
0x240: {  	v49 =	vshll.u32 v48, $0x7;
	[tilespmem:v18+s14+$0x0] =	vst.idx.msk $0xffff, v17  }
0x241: {  	v50 =	vor.u32 s21, v8;
	v18 =	vadd.s32 v49, v36;
	v17 =	vld.idx.msk [tilespmem:v20+s25+$0x0], $0xffff  }
0x242: {  	v20 =	vor.u32 v50, v19;
	_ =	sdelay $0x3  }
0x243: {  	v51 =	vshll.u32 v50, $0x7;
	[tilespmem:v18+s14+$0x0] =	vst.idx.msk $0xffff, v17  }
0x244: {  	v52 =	vor.u32 s21, v9;
	v18 =	vadd.s32 v51, v36;
	v17 =	vld.idx.msk [tilespmem:v20+s25+$0x0], $0xffff  }
0x245: {  	v20 =	vor.u32 v52, v19;
	_ =	sdelay $0x3  }
0x246: {  	v53 =	vshll.u32 v52, $0x7;
	[tilespmem:v18+s14+$0x0] =	vst.idx.msk $0xffff, v17  }
0x247: {  	v54 =	vor.u32 s21, v10;
	v18 =	vadd.s32 v53, v36;
	v17 =	vld.idx.msk [tilespmem:v20+s25+$0x0], $0xffff  }
0x248: {  	v20 =	vor.u32 v54, v19;
	_ =	sdelay $0x3  }
0x249: {  	v55 =	vshll.u32 v54, $0x7;
	[tilespmem:v18+s14+$0x0] =	vst.idx.msk $0xffff, v17  }
0x24a: {  	v56 =	vor.u32 s21, v11;
	v18 =	vadd.s32 v55, v36;
	v17 =	vld.idx.msk [tilespmem:v20+s25+$0x0], $0xffff  }
0x24b: {  	v20 =	vor.u32 v56, v19;
	_ =	sdelay $0x3  }
0x24c: {  	v57 =	vshll.u32 v56, $0x7;
	[tilespmem:v18+s14+$0x0] =	vst.idx.msk $0xffff, v17  }
0x24d: {  	v58 =	vor.u32 s21, v12;
	v18 =	vadd.s32 v57, v36;
	v17 =	vld.idx.msk [tilespmem:v20+s25+$0x0], $0xffff  }
0x24e: {  	v20 =	vor.u32 v58, v19;
	_ =	sdelay $0x3  }
0x24f: {  	v59 =	vshll.u32 v58, $0x7;
	[tilespmem:v18+s14+$0x0] =	vst.idx.msk $0xffff, v17  }
0x250: {  	v21 =	vadd.s32 v59, v36;
	v17 =	vor.u32 s21, v13;
	v20 =	vld.idx.msk [tilespmem:v20+s25+$0x0], $0xffff  }
0x251: {  	v22 =	vor.u32 v17, v19;
	_ =	sdelay $0x3  }
0x252: {  	v18 =	vshll.u32 v17, $0x7;
	[tilespmem:v21+s14+$0x0] =	vst.idx.msk $0xffff, v20  }
0x253: {  	v60 =	vor.u32 s21, v15;
	v21 =	vadd.s32 v18, v36;
	v20 =	vld.idx.msk [tilespmem:v22+s25+$0x0], $0xffff  }
0x254: {  	v22 =	vor.u32 v60, v19;
	_ =	sdelay $0x3  }
0x255: {  	v61 =	vshll.u32 v60, $0x7;
	[tilespmem:v21+s14+$0x0] =	vst.idx.msk $0xffff, v20  }
0x256: {  	v62 =	vor.u32 s21, v16;
	v21 =	vadd.s32 v61, v36;
	v20 =	vld.idx.msk [tilespmem:v22+s25+$0x0], $0xffff  }
0x257: {  	v19 =	vor.u32 v62, v19;
	_ =	sdelay $0x3  }
0x258: {  	s31 =	simm.s32 $0x10;
	[tilespmem:v21+s14+$0x0] =	vst.idx.msk $0xffff, v20  }
0x259: {  	v63 =	vshll.u32 v62, $0x7;
	s21 =	simm.s32 $0x20;
	v20 =	vor.u32 s31, v0;
	v21 =	vld.idx.msk [tilespmem:v19+s25+$0x0], $0xffff  }
.LBB2_12:
0x25a: {  	p1 =	sne.s32 s21, $0x30;
	v19 =	vshll.u32 v20, $0x7;
	v22 =	vadd.s32 v63, v36;
	v36 =	vmov v20  }
0x25b: {  	v20 =	vor.u32 v33, v19;
	_ =	sdelay $0x3  }
0x25c: {  	[tilespmem:v22+s14+$0x0] =	vst.idx.msk $0xffff, v21  }
0x25d: {  	v20 =	vld.idx.msk [tilespmem:v20+s25+$0x0], $0xffff  }
0x25e: {  	v21 =	vadd.s32 v35, v36  }
0x25f: {  	v22 =	vor.u32 v34, v19;
	_ =	sdelay $0x3  }
0x260: {  	[tilespmem:v21+s14+$0x0] =	vst.idx.msk $0xffff, v20  }
0x261: {  	v20 =	vld.idx.msk [tilespmem:v22+s25+$0x0], $0xffff  }
0x262: {  	v21 =	vadd.s32 v37, v36  }
0x263: {  	v22 =	vor.u32 v38, v19;
	_ =	sdelay $0x3  }
0x264: {  	[tilespmem:v21+s14+$0x0] =	vst.idx.msk $0xffff, v20  }
0x265: {  	v20 =	vld.idx.msk [tilespmem:v22+s25+$0x0], $0xffff  }
0x266: {  	v21 =	vadd.s32 v39, v36  }
0x267: {  	v22 =	vor.u32 v40, v19;
	_ =	sdelay $0x3  }
0x268: {  	[tilespmem:v21+s14+$0x0] =	vst.idx.msk $0xffff, v20  }
0x269: {  	v20 =	vld.idx.msk [tilespmem:v22+s25+$0x0], $0xffff  }
0x26a: {  	v21 =	vadd.s32 v41, v36  }
0x26b: {  	v22 =	vor.u32 v42, v19;
	_ =	sdelay $0x3  }
0x26c: {  	[tilespmem:v21+s14+$0x0] =	vst.idx.msk $0xffff, v20  }
0x26d: {  	v20 =	vld.idx.msk [tilespmem:v22+s25+$0x0], $0xffff  }
0x26e: {  	v21 =	vadd.s32 v43, v36  }
0x26f: {  	v22 =	vor.u32 v44, v19;
	_ =	sdelay $0x3  }
0x270: {  	[tilespmem:v21+s14+$0x0] =	vst.idx.msk $0xffff, v20  }
0x271: {  	v20 =	vld.idx.msk [tilespmem:v22+s25+$0x0], $0xffff  }
0x272: {  	v21 =	vadd.s32 v45, v36  }
0x273: {  	v22 =	vor.u32 v46, v19;
	_ =	sdelay $0x3  }
0x274: {  	[tilespmem:v21+s14+$0x0] =	vst.idx.msk $0xffff, v20  }
0x275: {  	v20 =	vld.idx.msk [tilespmem:v22+s25+$0x0], $0xffff  }
0x276: {  	v21 =	vadd.s32 v47, v36  }
0x277: {  	v22 =	vor.u32 v48, v19;
	_ =	sdelay $0x3  }
0x278: {  	[tilespmem:v21+s14+$0x0] =	vst.idx.msk $0xffff, v20  }
0x279: {  	v20 =	vld.idx.msk [tilespmem:v22+s25+$0x0], $0xffff  }
0x27a: {  	v21 =	vadd.s32 v49, v36  }
0x27b: {  	v22 =	vor.u32 v50, v19;
	_ =	sdelay $0x3  }
0x27c: {  	[tilespmem:v21+s14+$0x0] =	vst.idx.msk $0xffff, v20  }
0x27d: {  	v20 =	vld.idx.msk [tilespmem:v22+s25+$0x0], $0xffff  }
0x27e: {  	v21 =	vadd.s32 v51, v36  }
0x27f: {  	v22 =	vor.u32 v52, v19;
	_ =	sdelay $0x3  }
0x280: {  	[tilespmem:v21+s14+$0x0] =	vst.idx.msk $0xffff, v20  }
0x281: {  	v20 =	vld.idx.msk [tilespmem:v22+s25+$0x0], $0xffff  }
0x282: {  	v21 =	vadd.s32 v53, v36  }
0x283: {  	v22 =	vor.u32 v54, v19;
	_ =	sdelay $0x3  }
0x284: {  	[tilespmem:v21+s14+$0x0] =	vst.idx.msk $0xffff, v20  }
0x285: {  	v20 =	vld.idx.msk [tilespmem:v22+s25+$0x0], $0xffff  }
0x286: {  	v21 =	vadd.s32 v55, v36  }
0x287: {  	v22 =	vor.u32 v56, v19;
	_ =	sdelay $0x3  }
0x288: {  	[tilespmem:v21+s14+$0x0] =	vst.idx.msk $0xffff, v20  }
0x289: {  	v20 =	vld.idx.msk [tilespmem:v22+s25+$0x0], $0xffff  }
0x28a: {  	v21 =	vadd.s32 v57, v36  }
0x28b: {  	v22 =	vor.u32 v58, v19;
	_ =	sdelay $0x3  }
0x28c: {  	[tilespmem:v21+s14+$0x0] =	vst.idx.msk $0xffff, v20  }
0x28d: {  	v20 =	vld.idx.msk [tilespmem:v22+s25+$0x0], $0xffff  }
0x28e: {  	v21 =	vadd.s32 v59, v36  }
0x28f: {  	v22 =	vor.u32 v17, v19;
	_ =	sdelay $0x3  }
0x290: {  	[tilespmem:v21+s14+$0x0] =	vst.idx.msk $0xffff, v20  }
0x291: {  	v20 =	vld.idx.msk [tilespmem:v22+s25+$0x0], $0xffff  }
0x292: {  	v21 =	vadd.s32 v18, v36  }
0x293: {  	v22 =	vor.u32 v60, v19;
	_ =	sdelay $0x3  }
0x294: {  	[tilespmem:v21+s14+$0x0] =	vst.idx.msk $0xffff, v20  }
0x295: {  	v20 =	vld.idx.msk [tilespmem:v22+s25+$0x0], $0xffff  }
0x296: {  	v21 =	vadd.s32 v61, v36  }
0x297: {  	v19 =	vor.u32 v62, v19  }
.Ltmp6:
0x298: {  	(pc) =	sbr.rel @p1 .LBB2_12-.Ltmp6, $3  }
0x299: {  	_ =	sdelay $0x1  }
0x29a: {  	[tilespmem:v21+s14+$0x0] =	vst.idx.msk $0xffff, v20  }
0x29b: {  	v20 =	vor.u32 s21, v0;
	s21 =	sadd.s32 $0x10, s21;
	v21 =	vld.idx.msk [tilespmem:v19+s25+$0x0], $0xffff  }
0x29c: {  	v19 =	vshll.u32 v20, $0x7;
	v22 =	vadd.s32 v63, v36  }
0x29d: {  	v33 =	vor.u32 v33, v19;
	_ =	sdelay $0x3  }
0x29e: {  	[tilespmem:v22+s14+$0x0] =	vst.idx.msk $0xffff, v21  }
0x29f: {  	v22 =	vadd.s32 v35, v20;
	v21 =	vld.idx.msk [tilespmem:v33+s25+$0x0], $0xffff  }
0x2a0: {  	v36 =	vor.u32 v34, v19;
	_ =	sdelay $0x3  }
0x2a1: {  	[tilespmem:v22+s14+$0x0] =	vst.idx.msk $0xffff, v21  }
0x2a2: {  	v22 =	vadd.s32 v37, v20;
	v21 =	vld.idx.msk [tilespmem:v36+s25+$0x0], $0xffff  }
0x2a3: {  	v38 =	vor.u32 v38, v19;
	_ =	sdelay $0x3  }
0x2a4: {  	[tilespmem:v22+s14+$0x0] =	vst.idx.msk $0xffff, v21  }
0x2a5: {  	v22 =	vadd.s32 v39, v20;
	v21 =	vld.idx.msk [tilespmem:v38+s25+$0x0], $0xffff  }
0x2a6: {  	v40 =	vor.u32 v40, v19;
	_ =	sdelay $0x3  }
0x2a7: {  	[tilespmem:v22+s14+$0x0] =	vst.idx.msk $0xffff, v21  }
0x2a8: {  	v22 =	vadd.s32 v41, v20;
	v21 =	vld.idx.msk [tilespmem:v40+s25+$0x0], $0xffff  }
0x2a9: {  	v42 =	vor.u32 v42, v19;
	_ =	sdelay $0x3  }
0x2aa: {  	[tilespmem:v22+s14+$0x0] =	vst.idx.msk $0xffff, v21  }
0x2ab: {  	v22 =	vadd.s32 v43, v20;
	v21 =	vld.idx.msk [tilespmem:v42+s25+$0x0], $0xffff  }
0x2ac: {  	v44 =	vor.u32 v44, v19;
	_ =	sdelay $0x3  }
0x2ad: {  	[tilespmem:v22+s14+$0x0] =	vst.idx.msk $0xffff, v21  }
0x2ae: {  	v22 =	vadd.s32 v45, v20;
	v21 =	vld.idx.msk [tilespmem:v44+s25+$0x0], $0xffff  }
0x2af: {  	v46 =	vor.u32 v46, v19;
	_ =	sdelay $0x3  }
0x2b0: {  	[tilespmem:v22+s14+$0x0] =	vst.idx.msk $0xffff, v21  }
0x2b1: {  	v22 =	vadd.s32 v47, v20;
	v21 =	vld.idx.msk [tilespmem:v46+s25+$0x0], $0xffff  }
0x2b2: {  	v48 =	vor.u32 v48, v19;
	_ =	sdelay $0x3  }
0x2b3: {  	[tilespmem:v22+s14+$0x0] =	vst.idx.msk $0xffff, v21  }
0x2b4: {  	v22 =	vadd.s32 v49, v20;
	v21 =	vld.idx.msk [tilespmem:v48+s25+$0x0], $0xffff  }
0x2b5: {  	v50 =	vor.u32 v50, v19;
	_ =	sdelay $0x3  }
0x2b6: {  	[tilespmem:v22+s14+$0x0] =	vst.idx.msk $0xffff, v21  }
0x2b7: {  	v22 =	vadd.s32 v51, v20;
	v21 =	vld.idx.msk [tilespmem:v50+s25+$0x0], $0xffff  }
0x2b8: {  	v52 =	vor.u32 v52, v19;
	_ =	sdelay $0x3  }
0x2b9: {  	[tilespmem:v22+s14+$0x0] =	vst.idx.msk $0xffff, v21  }
0x2ba: {  	v22 =	vadd.s32 v53, v20;
	v21 =	vld.idx.msk [tilespmem:v52+s25+$0x0], $0xffff  }
0x2bb: {  	v54 =	vor.u32 v54, v19;
	_ =	sdelay $0x3  }
0x2bc: {  	[tilespmem:v22+s14+$0x0] =	vst.idx.msk $0xffff, v21  }
0x2bd: {  	v22 =	vadd.s32 v55, v20;
	v21 =	vld.idx.msk [tilespmem:v54+s25+$0x0], $0xffff  }
0x2be: {  	v56 =	vor.u32 v56, v19;
	_ =	sdelay $0x3  }
0x2bf: {  	[tilespmem:v22+s14+$0x0] =	vst.idx.msk $0xffff, v21  }
0x2c0: {  	v22 =	vadd.s32 v57, v20;
	v21 =	vld.idx.msk [tilespmem:v56+s25+$0x0], $0xffff  }
0x2c1: {  	v58 =	vor.u32 v58, v19;
	_ =	sdelay $0x3  }
0x2c2: {  	[tilespmem:v22+s14+$0x0] =	vst.idx.msk $0xffff, v21  }
0x2c3: {  	v22 =	vadd.s32 v59, v20;
	v21 =	vld.idx.msk [tilespmem:v58+s25+$0x0], $0xffff  }
0x2c4: {  	v17 =	vor.u32 v17, v19;
	_ =	sdelay $0x3  }
0x2c5: {  	[tilespmem:v22+s14+$0x0] =	vst.idx.msk $0xffff, v21  }
0x2c6: {  	v18 =	vadd.s32 v18, v20;
	v17 =	vld.idx.msk [tilespmem:v17+s25+$0x0], $0xffff  }
0x2c7: {  	v21 =	vor.u32 v60, v19;
	_ =	sdelay $0x3  }
0x2c8: {  	[tilespmem:v18+s14+$0x0] =	vst.idx.msk $0xffff, v17  }
0x2c9: {  	v18 =	vadd.s32 v61, v20;
	v17 =	vld.idx.msk [tilespmem:v21+s25+$0x0], $0xffff  }
0x2ca: {  	v19 =	vor.u32 v62, v19;
	_ =	sdelay $0x3  }
0x2cb: {  	s30 =	sadd.s32 $0x1, s30;
	[tilespmem:v18+s14+$0x0] =	vst.idx.msk $0xffff, v17  }
0x2cc: {  	p1 =	sne.s32 s30, $0x8;
	v18 =	vadd.s32 v63, v20;
	v17 =	vld.idx.msk [tilespmem:v19+s25+$0x0], $0xffff  }
.Ltmp7:
0x2cd: {  	_ = 	snop;
	(pc) =	sbr.rel @p1 .LBB2_11-.Ltmp7, $2  }
0x2ce: {  	_ =	sdelay $0x2  }
0x2cf: {  	[tilespmem:v18+s14+$0x0] =	vst.idx.msk $0xffff, v17  }
0x2d0: {  	_ =	swait.ge [sflag:s15], $0x40  }
0x2d1: {  	[sflag:s15] =	ssyncset.done $0x0  }
0x2d2: {  	[sflag:s15] =	ssyncadd.s32 $0xFFFFFFC0  }
0x2d3: {  	_ =	swait.ge [sflag:s15], $0x40  }
0x2d4: {  	[sflag:s15] =	ssyncset.done $0x0  }
0x2d5: {  	[sflag:s15] =	ssyncadd.s32 $0xFFFFFFC0  }
0x2d6: {  	_ =	swait.ge [sflag:s15], $0x40  }
0x2d7: {  	[sflag:s15] =	ssyncset.done $0x0  }
0x2d8: {  	[sflag:s15] =	ssyncadd.s32 $0xFFFFFFC0  }
0x2d9: {  	_ =	swait.ge [sflag:s15], $0x40  }
0x2da: {  	[sflag:s15] =	ssyncset.done $0x0  }
0x2db: {  	s21 =	simm.s32 $0x8A00;
	[sflag:s15] =	ssyncadd.s32 $0xFFFFFFC0  }
0x2dc: {  	[tilespmem:s25], [sflag:$0x9] =	stream.indirect.gather [hbm4b:s0+s24], $0x80, s21, s24, $0xb8;
	[tilespmem:$0x15400] =	vst v63  }
0x2dd: {  	_ =	swait.ge [sflag:s12], $0x2000  }
0x2de: {  	[sflag:s12] =	ssyncset.done $0x0  }
0x2df: {  	s28 =	simm.s32 $0x0;
	s30 =	simm.s32 $0x0;
	[sflag:s12] =	ssyncadd.s32 $0xFFFFE000  }
.LBB2_15:
0x2e0: {  	v17 =	vmov s28  }
0x2e1: {  	s21 =	sshll.u32 s30, $0x4;
	v17 =	vshll.u32 v17, $0x7  }
0x2e2: {  	v34 =	vor.u32 s21, v0;
	v19 =	vor.u32 v14, v17  }
0x2e3: {  	v17 =	vor.u32 v34, v19;
	_ =	sdelay $0x2  }
0x2e4: {  	s22 =	simm.s32 $0x40  }
0x2e5: {  	v53 =	vor.u32 s22, v0;
	v33 =	vshll.u32 v34, $0x7  }
0x2e6: {  	v35 =	vor.u32 s21, v1;
	v18 =	vadd.s32 v33, v53;
	v17 =	vld.idx.msk [tilespmem:v17+s26+$0x0], $0xffff  }
0x2e7: {  	v20 =	vor.u32 v35, v19;
	_ =	sdelay $0x3  }
0x2e8: {  	v36 =	vshll.u32 v35, $0x7;
	[tilespmem:v18+s14+$0x0] =	vst.idx.msk $0xffff, v17  }
0x2e9: {  	v37 =	vor.u32 s21, v2;
	v18 =	vadd.s32 v36, v53;
	v17 =	vld.idx.msk [tilespmem:v20+s26+$0x0], $0xffff  }
0x2ea: {  	v20 =	vor.u32 v37, v19;
	_ =	sdelay $0x3  }
0x2eb: {  	v38 =	vshll.u32 v37, $0x7;
	[tilespmem:v18+s14+$0x0] =	vst.idx.msk $0xffff, v17  }
0x2ec: {  	v39 =	vor.u32 s21, v3;
	v18 =	vadd.s32 v38, v53;
	v17 =	vld.idx.msk [tilespmem:v20+s26+$0x0], $0xffff  }
0x2ed: {  	v20 =	vor.u32 v39, v19;
	_ =	sdelay $0x3  }
0x2ee: {  	v40 =	vshll.u32 v39, $0x7;
	[tilespmem:v18+s14+$0x0] =	vst.idx.msk $0xffff, v17  }
0x2ef: {  	v41 =	vor.u32 s21, v4;
	v18 =	vadd.s32 v40, v53;
	v17 =	vld.idx.msk [tilespmem:v20+s26+$0x0], $0xffff  }
0x2f0: {  	v20 =	vor.u32 v41, v19;
	_ =	sdelay $0x3  }
0x2f1: {  	v42 =	vshll.u32 v41, $0x7;
	[tilespmem:v18+s14+$0x0] =	vst.idx.msk $0xffff, v17  }
0x2f2: {  	v43 =	vor.u32 s21, v5;
	v18 =	vadd.s32 v42, v53;
	v17 =	vld.idx.msk [tilespmem:v20+s26+$0x0], $0xffff  }
0x2f3: {  	v20 =	vor.u32 v43, v19;
	_ =	sdelay $0x3  }
0x2f4: {  	v44 =	vshll.u32 v43, $0x7;
	[tilespmem:v18+s14+$0x0] =	vst.idx.msk $0xffff, v17  }
0x2f5: {  	v45 =	vor.u32 s21, v6;
	v18 =	vadd.s32 v44, v53;
	v17 =	vld.idx.msk [tilespmem:v20+s26+$0x0], $0xffff  }
0x2f6: {  	v20 =	vor.u32 v45, v19;
	_ =	sdelay $0x3  }
0x2f7: {  	v46 =	vshll.u32 v45, $0x7;
	[tilespmem:v18+s14+$0x0] =	vst.idx.msk $0xffff, v17  }
0x2f8: {  	v47 =	vor.u32 s21, v7;
	v18 =	vadd.s32 v46, v53;
	v17 =	vld.idx.msk [tilespmem:v20+s26+$0x0], $0xffff  }
0x2f9: {  	v20 =	vor.u32 v47, v19;
	_ =	sdelay $0x3  }
0x2fa: {  	v48 =	vshll.u32 v47, $0x7;
	[tilespmem:v18+s14+$0x0] =	vst.idx.msk $0xffff, v17  }
0x2fb: {  	v49 =	vor.u32 s21, v8;
	v18 =	vadd.s32 v48, v53;
	v17 =	vld.idx.msk [tilespmem:v20+s26+$0x0], $0xffff  }
0x2fc: {  	v20 =	vor.u32 v49, v19;
	_ =	sdelay $0x3  }
0x2fd: {  	v50 =	vshll.u32 v49, $0x7;
	[tilespmem:v18+s14+$0x0] =	vst.idx.msk $0xffff, v17  }
0x2fe: {  	v51 =	vor.u32 s21, v9;
	v18 =	vadd.s32 v50, v53;
	v17 =	vld.idx.msk [tilespmem:v20+s26+$0x0], $0xffff  }
0x2ff: {  	v20 =	vor.u32 v51, v19;
	_ =	sdelay $0x3  }
0x300: {  	v52 =	vshll.u32 v51, $0x7;
	[tilespmem:v18+s14+$0x0] =	vst.idx.msk $0xffff, v17  }
0x301: {  	v54 =	vor.u32 s21, v10;
	v18 =	vadd.s32 v52, v53;
	v17 =	vld.idx.msk [tilespmem:v20+s26+$0x0], $0xffff  }
0x302: {  	v20 =	vor.u32 v54, v19;
	_ =	sdelay $0x3  }
0x303: {  	v55 =	vshll.u32 v54, $0x7;
	[tilespmem:v18+s14+$0x0] =	vst.idx.msk $0xffff, v17  }
0x304: {  	v56 =	vor.u32 s21, v11;
	v18 =	vadd.s32 v55, v53;
	v17 =	vld.idx.msk [tilespmem:v20+s26+$0x0], $0xffff  }
0x305: {  	v20 =	vor.u32 v56, v19;
	_ =	sdelay $0x3  }
0x306: {  	v57 =	vshll.u32 v56, $0x7;
	[tilespmem:v18+s14+$0x0] =	vst.idx.msk $0xffff, v17  }
0x307: {  	v58 =	vor.u32 s21, v12;
	v18 =	vadd.s32 v57, v53;
	v17 =	vld.idx.msk [tilespmem:v20+s26+$0x0], $0xffff  }
0x308: {  	v20 =	vor.u32 v58, v19;
	_ =	sdelay $0x3  }
0x309: {  	v59 =	vshll.u32 v58, $0x7;
	[tilespmem:v18+s14+$0x0] =	vst.idx.msk $0xffff, v17  }
0x30a: {  	v60 =	vor.u32 s21, v13;
	v18 =	vadd.s32 v59, v53;
	v17 =	vld.idx.msk [tilespmem:v20+s26+$0x0], $0xffff  }
0x30b: {  	v20 =	vor.u32 v60, v19;
	_ =	sdelay $0x3  }
0x30c: {  	v61 =	vshll.u32 v60, $0x7;
	[tilespmem:v18+s14+$0x0] =	vst.idx.msk $0xffff, v17  }
0x30d: {  	v62 =	vor.u32 s21, v15;
	v18 =	vadd.s32 v61, v53;
	v17 =	vld.idx.msk [tilespmem:v20+s26+$0x0], $0xffff  }
0x30e: {  	v20 =	vor.u32 v62, v19;
	_ =	sdelay $0x3  }
0x30f: {  	v63 =	vshll.u32 v62, $0x7;
	[tilespmem:v18+s14+$0x0] =	vst.idx.msk $0xffff, v17  }
0x310: {  	v22 =	vadd.s32 v63, v53;
	v18 =	vor.u32 s21, v16;
	v21 =	vld.idx.msk [tilespmem:v20+s26+$0x0], $0xffff  }
0x311: {  	v19 =	vor.u32 v18, v19;
	_ =	sdelay $0x2  }
0x312: {  	s29 =	simm.s32 $0x10  }
0x313: {  	s31 =	simm.s32 $0x20;
	v17 =	vshll.u32 v18, $0x7;
	v20 =	vmov s29;
	[tilespmem:v22+s14+$0x0] =	vst.idx.msk $0xffff, v21  }
.LBB2_16:
0x314: {  	p1 =	sne.s32 s31, $0x30;
	v20 =	vshll.u32 v20, $0x7;
	v21 =	vld.idx.msk [tilespmem:v19+s26+$0x0], $0xffff  }
0x315: {  	v19 =	vor.u32 v14, v20;
	v20 =	vadd.s32 v17, v53  }
0x316: {  	v22 =	vor.u32 v34, v19;
	_ =	sdelay $0x3  }
0x317: {  	s21 =	sadd.s32 $0x40, s29;
	s29 =	smov.u32 s31;
	[tilespmem:v20+s14+$0x0] =	vst.idx.msk $0xffff, v21  }
0x318: {  	v53 =	vor.u32 s21, v0;
	v20 =	vld.idx.msk [tilespmem:v22+s26+$0x0], $0xffff  }
0x319: {  	v21 =	vadd.s32 v33, v53  }
0x31a: {  	v22 =	vor.u32 v35, v19;
	_ =	sdelay $0x3  }
0x31b: {  	[tilespmem:v21+s14+$0x0] =	vst.idx.msk $0xffff, v20  }
0x31c: {  	v20 =	vld.idx.msk [tilespmem:v22+s26+$0x0], $0xffff  }
0x31d: {  	v21 =	vadd.s32 v36, v53  }
0x31e: {  	v22 =	vor.u32 v37, v19;
	_ =	sdelay $0x3  }
0x31f: {  	[tilespmem:v21+s14+$0x0] =	vst.idx.msk $0xffff, v20  }
0x320: {  	v20 =	vld.idx.msk [tilespmem:v22+s26+$0x0], $0xffff  }
0x321: {  	v21 =	vadd.s32 v38, v53  }
0x322: {  	v22 =	vor.u32 v39, v19;
	_ =	sdelay $0x3  }
0x323: {  	[tilespmem:v21+s14+$0x0] =	vst.idx.msk $0xffff, v20  }
0x324: {  	v20 =	vld.idx.msk [tilespmem:v22+s26+$0x0], $0xffff  }
0x325: {  	v21 =	vadd.s32 v40, v53  }
0x326: {  	v22 =	vor.u32 v41, v19;
	_ =	sdelay $0x3  }
0x327: {  	[tilespmem:v21+s14+$0x0] =	vst.idx.msk $0xffff, v20  }
0x328: {  	v20 =	vld.idx.msk [tilespmem:v22+s26+$0x0], $0xffff  }
0x329: {  	v21 =	vadd.s32 v42, v53  }
0x32a: {  	v22 =	vor.u32 v43, v19;
	_ =	sdelay $0x3  }
0x32b: {  	[tilespmem:v21+s14+$0x0] =	vst.idx.msk $0xffff, v20  }
0x32c: {  	v20 =	vld.idx.msk [tilespmem:v22+s26+$0x0], $0xffff  }
0x32d: {  	v21 =	vadd.s32 v44, v53  }
0x32e: {  	v22 =	vor.u32 v45, v19;
	_ =	sdelay $0x3  }
0x32f: {  	[tilespmem:v21+s14+$0x0] =	vst.idx.msk $0xffff, v20  }
0x330: {  	v20 =	vld.idx.msk [tilespmem:v22+s26+$0x0], $0xffff  }
0x331: {  	v21 =	vadd.s32 v46, v53  }
0x332: {  	v22 =	vor.u32 v47, v19;
	_ =	sdelay $0x3  }
0x333: {  	[tilespmem:v21+s14+$0x0] =	vst.idx.msk $0xffff, v20  }
0x334: {  	v20 =	vld.idx.msk [tilespmem:v22+s26+$0x0], $0xffff  }
0x335: {  	v21 =	vadd.s32 v48, v53  }
0x336: {  	v22 =	vor.u32 v49, v19;
	_ =	sdelay $0x3  }
0x337: {  	[tilespmem:v21+s14+$0x0] =	vst.idx.msk $0xffff, v20  }
0x338: {  	v20 =	vld.idx.msk [tilespmem:v22+s26+$0x0], $0xffff  }
0x339: {  	v21 =	vadd.s32 v50, v53  }
0x33a: {  	v22 =	vor.u32 v51, v19;
	_ =	sdelay $0x3  }
0x33b: {  	[tilespmem:v21+s14+$0x0] =	vst.idx.msk $0xffff, v20  }
0x33c: {  	v20 =	vld.idx.msk [tilespmem:v22+s26+$0x0], $0xffff  }
0x33d: {  	v21 =	vadd.s32 v52, v53  }
0x33e: {  	v22 =	vor.u32 v54, v19;
	_ =	sdelay $0x3  }
0x33f: {  	[tilespmem:v21+s14+$0x0] =	vst.idx.msk $0xffff, v20  }
0x340: {  	v20 =	vld.idx.msk [tilespmem:v22+s26+$0x0], $0xffff  }
0x341: {  	v21 =	vadd.s32 v55, v53  }
0x342: {  	v22 =	vor.u32 v56, v19;
	_ =	sdelay $0x3  }
0x343: {  	[tilespmem:v21+s14+$0x0] =	vst.idx.msk $0xffff, v20  }
0x344: {  	v20 =	vld.idx.msk [tilespmem:v22+s26+$0x0], $0xffff  }
0x345: {  	v21 =	vadd.s32 v57, v53  }
0x346: {  	v22 =	vor.u32 v58, v19;
	_ =	sdelay $0x3  }
0x347: {  	[tilespmem:v21+s14+$0x0] =	vst.idx.msk $0xffff, v20  }
0x348: {  	v20 =	vld.idx.msk [tilespmem:v22+s26+$0x0], $0xffff  }
0x349: {  	v21 =	vadd.s32 v59, v53  }
0x34a: {  	v22 =	vor.u32 v60, v19;
	_ =	sdelay $0x3  }
0x34b: {  	[tilespmem:v21+s14+$0x0] =	vst.idx.msk $0xffff, v20  }
0x34c: {  	v20 =	vld.idx.msk [tilespmem:v22+s26+$0x0], $0xffff  }
0x34d: {  	v21 =	vadd.s32 v61, v53  }
0x34e: {  	v22 =	vor.u32 v62, v19;
	_ =	sdelay $0x3  }
0x34f: {  	[tilespmem:v21+s14+$0x0] =	vst.idx.msk $0xffff, v20  }
0x350: {  	v21 =	vld.idx.msk [tilespmem:v22+s26+$0x0], $0xffff  }
0x351: {  	v22 =	vadd.s32 v63, v53  }
.Ltmp8:
0x352: {  	v19 =	vor.u32 v18, v19;
	(pc) =	sbr.rel @p1 .LBB2_16-.Ltmp8, $2  }
0x353: {  	_ =	sdelay $0x2  }
0x354: {  	s31 =	sadd.s32 $0x10, s31;
	v20 =	vmov s29;
	[tilespmem:v22+s14+$0x0] =	vst.idx.msk $0xffff, v21  }
0x355: {  	_ =	sdelay $0x2  }
0x356: {  	v20 =	vshll.u32 v20, $0x7  }
0x357: {  	v19 =	vld.idx.msk [tilespmem:v19+s26+$0x0], $0xffff;
	v21 =	vadd.s32 v17, v53;
	v20 =	vor.u32 v14, v20  }
0x358: {  	v22 =	vor.u32 v34, v20;
	_ =	sdelay $0x2  }
0x359: {  	s21 =	sadd.s32 $0x40, s29  }
0x35a: {  	[tilespmem:v21+s14+$0x0] =	vst.idx.msk $0xffff, v19;
	v19 =	vor.u32 s21, v0  }
0x35b: {  	v21 =	vld.idx.msk [tilespmem:v22+s26+$0x0], $0xffff;
	v22 =	vadd.s32 v33, v19  }
0x35c: {  	v53 =	vor.u32 v35, v20;
	_ =	sdelay $0x3  }
0x35d: {  	[tilespmem:v22+s14+$0x0] =	vst.idx.msk $0xffff, v21  }
0x35e: {  	v22 =	vadd.s32 v36, v19;
	v21 =	vld.idx.msk [tilespmem:v53+s26+$0x0], $0xffff  }
0x35f: {  	v37 =	vor.u32 v37, v20;
	_ =	sdelay $0x3  }
0x360: {  	[tilespmem:v22+s14+$0x0] =	vst.idx.msk $0xffff, v21  }
0x361: {  	v22 =	vadd.s32 v38, v19;
	v21 =	vld.idx.msk [tilespmem:v37+s26+$0x0], $0xffff  }
0x362: {  	v39 =	vor.u32 v39, v20;
	_ =	sdelay $0x3  }
0x363: {  	[tilespmem:v22+s14+$0x0] =	vst.idx.msk $0xffff, v21  }
0x364: {  	v22 =	vadd.s32 v40, v19;
	v21 =	vld.idx.msk [tilespmem:v39+s26+$0x0], $0xffff  }
0x365: {  	v41 =	vor.u32 v41, v20;
	_ =	sdelay $0x3  }
0x366: {  	[tilespmem:v22+s14+$0x0] =	vst.idx.msk $0xffff, v21  }
0x367: {  	v22 =	vadd.s32 v42, v19;
	v21 =	vld.idx.msk [tilespmem:v41+s26+$0x0], $0xffff  }
0x368: {  	v43 =	vor.u32 v43, v20;
	_ =	sdelay $0x3  }
0x369: {  	[tilespmem:v22+s14+$0x0] =	vst.idx.msk $0xffff, v21  }
0x36a: {  	v22 =	vadd.s32 v44, v19;
	v21 =	vld.idx.msk [tilespmem:v43+s26+$0x0], $0xffff  }
0x36b: {  	v45 =	vor.u32 v45, v20;
	_ =	sdelay $0x3  }
0x36c: {  	[tilespmem:v22+s14+$0x0] =	vst.idx.msk $0xffff, v21  }
0x36d: {  	v22 =	vadd.s32 v46, v19;
	v21 =	vld.idx.msk [tilespmem:v45+s26+$0x0], $0xffff  }
0x36e: {  	v47 =	vor.u32 v47, v20;
	_ =	sdelay $0x3  }
0x36f: {  	[tilespmem:v22+s14+$0x0] =	vst.idx.msk $0xffff, v21  }
0x370: {  	v22 =	vadd.s32 v48, v19;
	v21 =	vld.idx.msk [tilespmem:v47+s26+$0x0], $0xffff  }
0x371: {  	v49 =	vor.u32 v49, v20;
	_ =	sdelay $0x3  }
0x372: {  	[tilespmem:v22+s14+$0x0] =	vst.idx.msk $0xffff, v21  }
0x373: {  	v22 =	vadd.s32 v50, v19;
	v21 =	vld.idx.msk [tilespmem:v49+s26+$0x0], $0xffff  }
0x374: {  	v53 =	vor.u32 v51, v20;
	_ =	sdelay $0x3  }
0x375: {  	[tilespmem:v22+s14+$0x0] =	vst.idx.msk $0xffff, v21  }
0x376: {  	v22 =	vadd.s32 v52, v19;
	v21 =	vld.idx.msk [tilespmem:v53+s26+$0x0], $0xffff  }
0x377: {  	v54 =	vor.u32 v54, v20;
	_ =	sdelay $0x3  }
0x378: {  	[tilespmem:v22+s14+$0x0] =	vst.idx.msk $0xffff, v21  }
0x379: {  	v22 =	vadd.s32 v55, v19;
	v21 =	vld.idx.msk [tilespmem:v54+s26+$0x0], $0xffff  }
0x37a: {  	v56 =	vor.u32 v56, v20;
	_ =	sdelay $0x3  }
0x37b: {  	[tilespmem:v22+s14+$0x0] =	vst.idx.msk $0xffff, v21  }
0x37c: {  	v22 =	vadd.s32 v57, v19;
	v21 =	vld.idx.msk [tilespmem:v56+s26+$0x0], $0xffff  }
0x37d: {  	v58 =	vor.u32 v58, v20;
	_ =	sdelay $0x3  }
0x37e: {  	[tilespmem:v22+s14+$0x0] =	vst.idx.msk $0xffff, v21  }
0x37f: {  	v22 =	vadd.s32 v59, v19;
	v21 =	vld.idx.msk [tilespmem:v58+s26+$0x0], $0xffff  }
0x380: {  	v60 =	vor.u32 v60, v20;
	_ =	sdelay $0x3  }
0x381: {  	[tilespmem:v22+s14+$0x0] =	vst.idx.msk $0xffff, v21  }
0x382: {  	v22 =	vadd.s32 v61, v19;
	v21 =	vld.idx.msk [tilespmem:v60+s26+$0x0], $0xffff  }
0x383: {  	v62 =	vor.u32 v62, v20;
	_ =	sdelay $0x3  }
0x384: {  	[tilespmem:v22+s14+$0x0] =	vst.idx.msk $0xffff, v21  }
0x385: {  	v22 =	vadd.s32 v63, v19;
	v21 =	vld.idx.msk [tilespmem:v62+s26+$0x0], $0xffff  }
0x386: {  	v18 =	vor.u32 v18, v20;
	_ =	sdelay $0x3  }
0x387: {  	s30 =	sadd.s32 $0x1, s30;
	[tilespmem:v22+s14+$0x0] =	vst.idx.msk $0xffff, v21  }
0x388: {  	p1 =	sne.s32 s30, $0x8;
	v17 =	vadd.s32 v17, v19;
	v18 =	vld.idx.msk [tilespmem:v18+s26+$0x0], $0xffff  }
.Ltmp9:
0x389: {  	_ = 	snop;
	(pc) =	sbr.rel @p1 .LBB2_15-.Ltmp9, $2  }
0x38a: {  	_ =	sdelay $0x2  }
0x38b: {  	[tilespmem:v17+s14+$0x0] =	vst.idx.msk $0xffff, v18  }
0x38c: {  	s31 =	simm.s32 $0x8A80;
	s17 =	sadd.s32 $0x2BF2000, s17  }
0x38d: {  	[tilespmem:s26], [sflag:$0xA] =	stream.indirect.gather [hbm4b:s0+s24], $0x80, s31, s24, $0xb8;
	[tilespmem:$0x15400] =	vst v63  }
0x38e: {  	s17 =	sshrl.u32 s17, $0x3  }
0x38f: {  	s22 =	rddreg [dreg:$0xe];
	s17 =	sadd.s32 s3, s17  }
0x390: {  	[hbm4b:s17+s2] =	stream.strided.scatter [tilespmem:s14], [sflag:$0x7], $0x4000, s5, s2, $0x38;
	[tilespmem:$0x15400] =	vst v63  }
0x391: {  	s17 =	sadd.s32 s22, s18  }
0x392: {  	s21 =	sshll.u32 s17, $0x7  }
0x393: {  	p1 =	slt.u32 s17, $0x9C4;
	s17 =	sadd.s32 $0xFFFFF000, s21  }
0x394: {  	s17 =	smov.u32 @p1 s21  }
0x395: {  	s21 =	sshrl.u32 s17, $0x3  }
0x396: {  	s22 =	sadd.s32 s6, s21  }
0x397: {  	[tilespmem:s4], [sflag:$0x1] =	stream.linear.gather [hbm4b:s22+s4], $0x40, $0x38;
	[tilespmem:$0x15400] =	vst v63  }
0x398: {  	p1 =	seq.s32 s1, $0x27;
	s28 =	sadd.s32 $0x4E200, s17;
	s21 =	sadd.s32 s21, s8  }
0x399: {  	[tilespmem:s20], [sflag:$0x1] =	stream.linear.gather [hbm4b:s21+s4], $0x40, $0x38;
	[tilespmem:$0x15400] =	vst v63  }
.Ltmp10:
0x39a: {  	s17 =	sadd.s32 $0x4E240, s17;
	s21 =	sshrl.u32 s28, $0x3;
	(pc) =	sbr.rel @p1 .LBB2_36-.Ltmp10, $4  }
0x39b: {  	s29 =	simm.s32 $0x100;
	s17 =	sshrl.u32 s17, $0x3;
	s21 =	sadd.s32 s6, s21  }
0x39c: {  	[tilespmem:s29], [sflag:$0x1] =	stream.linear.gather [hbm4b:s21+s4], $0x40, $0x38;
	[tilespmem:$0x15400] =	vst v63  }
0x39d: {  	s30 =	simm.s32 $0x180;
	s17 =	sadd.s32 s6, s17  }
0x39e: {  	[tilespmem:s30], [sflag:$0x1] =	stream.linear.gather [hbm4b:s17+s4], $0x40, $0x38;
	[tilespmem:$0x15400] =	vst v63  }
0x39f: {  	s17 =	simm.s32 @!p0 $0x6  }
0x3a0: {  	_ =	swait.ge @!p0 [sflag:s17], $0x4800  }
0x3a1: {  	[sflag:s17] =	ssyncset.done @!p0 $0x0  }
0x3a2: {  	s7 =	sor.u32 $0x20, s7;
	[sflag:s17] =	ssyncadd.s32 @!p0 $0xFFFFB800;
	s17 =	simm.s32 @!p0 $0x8  }
0x3a3: {  	s21 =	sshll.u32 s7, $0xA;
	_ =	swait.ge @!p0 [sflag:s17], $0x4000  }
0x3a4: {  	p1 =	slt.u32 s7, $0x9C4;
	s7 =	sadd.s32 $0xFFFF8000, s21;
	[sflag:s17] =	ssyncset.done @!p0 $0x0  }
0x3a5: {  	s7 =	smov.u32 @p1 s21;
	[sflag:s17] =	ssyncadd.s32 @!p0 $0xFFFFC000  }
0x3a6: {  	s7 =	sshrl.u32 s7, $0x3;
	s17 =	rddreg [dreg:$0x1]  }
0x3a7: {  	s17 =	sadd.s32 s17, s7  }
0x3a8: {  	[tilespmem:s19], [sflag:$0x4] =	stream.strided.gather [hbm4b:s17+s2], $0x800, s5, s2, $0x38;
	[tilespmem:$0x15400] =	vst v63  }
0x3a9: {  	_ =	swait.ge [sflag:s11], $0x2000  }
0x3aa: {  	[sflag:s11] =	ssyncset.done $0x0  }
0x3ab: {  	s28 =	simm.s32 $0x0;
	s17 =	simm.s32 $0x0;
	[sflag:s11] =	ssyncadd.s32 $0xFFFFE000  }
.LBB2_20:
0x3ac: {  	s21 =	sshll.u32 s28, $0x4  }
0x3ad: {  	v34 =	vor.u32 s17, v0;
	v18 =	vmov s21  }
0x3ae: {  	v33 =	vor.u32 s21, v0;
	v19 =	vshll.u32 v34, $0x7;
	v20 =	vshll.u32 v18, $0x7;
	v18 =	vld [tilespmem:$0x1FFA0]  }
0x3af: {  	v17 =	vor.u32 v19, v33;
	_ =	sdelay $0x3  }
0x3b0: {  	v36 =	vadd.s32 v18, v20  }
0x3b1: {  	v35 =	vor.u32 s21, v1;
	v17 =	vld.idx.msk [tilespmem:v17+s25+$0x0], $0xffff;
	v18 =	vadd.s32 v36, v34  }
0x3b2: {  	v21 =	vor.u32 v19, v35;
	_ =	sdelay $0x3  }
0x3b3: {  	v37 =	vadd.s32 v32, v20;
	[tilespmem:v18+s19+$0x0] =	vst.idx.msk $0xffff, v17  }
0x3b4: {  	v38 =	vor.u32 s21, v2;
	v18 =	vadd.s32 v37, v34;
	v17 =	vld.idx.msk [tilespmem:v21+s25+$0x0], $0xffff  }
0x3b5: {  	v21 =	vor.u32 v19, v38;
	_ =	sdelay $0x3  }
0x3b6: {  	v39 =	vadd.s32 v31, v20;
	[tilespmem:v18+s19+$0x0] =	vst.idx.msk $0xffff, v17  }
0x3b7: {  	v40 =	vor.u32 s21, v3;
	v18 =	vadd.s32 v39, v34;
	v17 =	vld.idx.msk [tilespmem:v21+s25+$0x0], $0xffff  }
0x3b8: {  	v21 =	vor.u32 v19, v40;
	_ =	sdelay $0x3  }
0x3b9: {  	v41 =	vadd.s32 v30, v20;
	[tilespmem:v18+s19+$0x0] =	vst.idx.msk $0xffff, v17  }
0x3ba: {  	v42 =	vor.u32 s21, v4;
	v18 =	vadd.s32 v41, v34;
	v17 =	vld.idx.msk [tilespmem:v21+s25+$0x0], $0xffff  }
0x3bb: {  	v21 =	vor.u32 v19, v42;
	_ =	sdelay $0x3  }
0x3bc: {  	v43 =	vadd.s32 v29, v20;
	[tilespmem:v18+s19+$0x0] =	vst.idx.msk $0xffff, v17  }
0x3bd: {  	v44 =	vor.u32 s21, v5;
	v18 =	vadd.s32 v43, v34;
	v17 =	vld.idx.msk [tilespmem:v21+s25+$0x0], $0xffff  }
0x3be: {  	v21 =	vor.u32 v19, v44;
	_ =	sdelay $0x3  }
0x3bf: {  	v45 =	vadd.s32 v28, v20;
	[tilespmem:v18+s19+$0x0] =	vst.idx.msk $0xffff, v17  }
0x3c0: {  	v46 =	vor.u32 s21, v6;
	v18 =	vadd.s32 v45, v34;
	v17 =	vld.idx.msk [tilespmem:v21+s25+$0x0], $0xffff  }
0x3c1: {  	v21 =	vor.u32 v19, v46;
	_ =	sdelay $0x3  }
0x3c2: {  	v47 =	vadd.s32 v27, v20;
	[tilespmem:v18+s19+$0x0] =	vst.idx.msk $0xffff, v17  }
0x3c3: {  	v48 =	vor.u32 s21, v7;
	v18 =	vadd.s32 v47, v34;
	v17 =	vld.idx.msk [tilespmem:v21+s25+$0x0], $0xffff  }
0x3c4: {  	v21 =	vor.u32 v19, v48;
	_ =	sdelay $0x3  }
0x3c5: {  	v49 =	vadd.s32 v26, v20;
	[tilespmem:v18+s19+$0x0] =	vst.idx.msk $0xffff, v17  }
0x3c6: {  	v50 =	vor.u32 s21, v8;
	v18 =	vadd.s32 v49, v34;
	v17 =	vld.idx.msk [tilespmem:v21+s25+$0x0], $0xffff  }
0x3c7: {  	v21 =	vor.u32 v19, v50;
	_ =	sdelay $0x3  }
0x3c8: {  	v51 =	vadd.s32 v25, v20;
	[tilespmem:v18+s19+$0x0] =	vst.idx.msk $0xffff, v17  }
0x3c9: {  	v52 =	vor.u32 s21, v9;
	v18 =	vadd.s32 v51, v34;
	v17 =	vld.idx.msk [tilespmem:v21+s25+$0x0], $0xffff  }
0x3ca: {  	v21 =	vor.u32 v19, v52;
	_ =	sdelay $0x3  }
0x3cb: {  	v53 =	vadd.s32 v24, v20;
	[tilespmem:v18+s19+$0x0] =	vst.idx.msk $0xffff, v17  }
0x3cc: {  	v54 =	vor.u32 s21, v10;
	v18 =	vadd.s32 v53, v34;
	v17 =	vld.idx.msk [tilespmem:v21+s25+$0x0], $0xffff  }
0x3cd: {  	v21 =	vor.u32 v19, v54;
	_ =	sdelay $0x3  }
0x3ce: {  	v22 =	vld [tilespmem:$0x1FFF0];
	v55 =	vadd.s32 v23, v20;
	[tilespmem:v18+s19+$0x0] =	vst.idx.msk $0xffff, v17  }
0x3cf: {  	v56 =	vor.u32 s21, v11;
	v18 =	vadd.s32 v55, v34;
	v17 =	vld.idx.msk [tilespmem:v21+s25+$0x0], $0xffff  }
0x3d0: {  	v21 =	vor.u32 v19, v56;
	_ =	sdelay $0x3  }
0x3d1: {  	v57 =	vadd.s32 v22, v20;
	[tilespmem:v18+s19+$0x0] =	vst.idx.msk $0xffff, v17;
	v17 =	vld [tilespmem:$0x1FFE0]  }
0x3d2: {  	v58 =	vor.u32 s21, v12;
	v18 =	vld.idx.msk [tilespmem:v21+s25+$0x0], $0xffff;
	v21 =	vadd.s32 v57, v34  }
0x3d3: {  	v22 =	vor.u32 v19, v58;
	_ =	sdelay $0x3  }
0x3d4: {  	v17 =	vadd.s32 v17, v20;
	[tilespmem:v21+s19+$0x0] =	vst.idx.msk $0xffff, v18  }
0x3d5: {  	v18 =	vor.u32 s21, v13;
	v21 =	vld.idx.msk [tilespmem:v22+s25+$0x0], $0xffff;
	v22 =	vadd.s32 v17, v34  }
0x3d6: {  	v59 =	vld [tilespmem:$0x1FFD0];
	v61 =	vor.u32 v19, v18;
	_ =	sdelay $0x3  }
0x3d7: {  	[tilespmem:v22+s19+$0x0] =	vst.idx.msk $0xffff, v21  }
0x3d8: {  	v59 =	vadd.s32 v59, v20;
	v21 =	vld.idx.msk [tilespmem:v61+s25+$0x0], $0xffff  }
0x3d9: {  	v60 =	vor.u32 s21, v15;
	v22 =	vadd.s32 v59, v34;
	v61 =	vld [tilespmem:$0x1FFC0]  }
0x3da: {  	v63 =	vor.u32 v19, v60;
	_ =	sdelay $0x3  }
0x3db: {  	v61 =	vadd.s32 v61, v20;
	[tilespmem:v22+s19+$0x0] =	vst.idx.msk $0xffff, v21  }
0x3dc: {  	v21 =	vld.idx.msk [tilespmem:v63+s25+$0x0], $0xffff;
	v22 =	vadd.s32 v61, v34;
	_ =	sdelay $0x3  }
0x3dd: {  	v62 =	vor.u32 s21, v16  }
0x3de: {  	v19 =	vor.u32 v19, v62;
	[tilespmem:v22+s19+$0x0] =	vst.idx.msk $0xffff, v21;
	v21 =	vld [tilespmem:$0x1FFB0];
	_ =	sdelay $0x3  }
0x3df: {  	s30 =	simm.s32 $0x10  }
0x3e0: {  	s21 =	simm.s32 $0x20;
	v63 =	vadd.s32 v21, v20;
	v20 =	vor.u32 s30, v0;
	v21 =	vld.idx.msk [tilespmem:v19+s25+$0x0], $0xffff  }
.LBB2_21:
0x3e1: {  	p0 =	sne.s32 s21, $0x30;
	v19 =	vshll.u32 v20, $0x7;
	v22 =	vadd.s32 v63, v34;
	v34 =	vmov v20  }
0x3e2: {  	v20 =	vor.u32 v19, v33;
	_ =	sdelay $0x3  }
0x3e3: {  	[tilespmem:v22+s19+$0x0] =	vst.idx.msk $0xffff, v21  }
0x3e4: {  	v20 =	vld.idx.msk [tilespmem:v20+s25+$0x0], $0xffff  }
0x3e5: {  	v21 =	vadd.s32 v36, v34  }
0x3e6: {  	v22 =	vor.u32 v19, v35;
	_ =	sdelay $0x3  }
0x3e7: {  	[tilespmem:v21+s19+$0x0] =	vst.idx.msk $0xffff, v20  }
0x3e8: {  	v20 =	vld.idx.msk [tilespmem:v22+s25+$0x0], $0xffff  }
0x3e9: {  	v21 =	vadd.s32 v37, v34  }
0x3ea: {  	v22 =	vor.u32 v19, v38;
	_ =	sdelay $0x3  }
0x3eb: {  	[tilespmem:v21+s19+$0x0] =	vst.idx.msk $0xffff, v20  }
0x3ec: {  	v20 =	vld.idx.msk [tilespmem:v22+s25+$0x0], $0xffff  }
0x3ed: {  	v21 =	vadd.s32 v39, v34  }
0x3ee: {  	v22 =	vor.u32 v19, v40;
	_ =	sdelay $0x3  }
0x3ef: {  	[tilespmem:v21+s19+$0x0] =	vst.idx.msk $0xffff, v20  }
0x3f0: {  	v20 =	vld.idx.msk [tilespmem:v22+s25+$0x0], $0xffff  }
0x3f1: {  	v21 =	vadd.s32 v41, v34  }
0x3f2: {  	v22 =	vor.u32 v19, v42;
	_ =	sdelay $0x3  }
0x3f3: {  	[tilespmem:v21+s19+$0x0] =	vst.idx.msk $0xffff, v20  }
0x3f4: {  	v20 =	vld.idx.msk [tilespmem:v22+s25+$0x0], $0xffff  }
0x3f5: {  	v21 =	vadd.s32 v43, v34  }
0x3f6: {  	v22 =	vor.u32 v19, v44;
	_ =	sdelay $0x3  }
0x3f7: {  	[tilespmem:v21+s19+$0x0] =	vst.idx.msk $0xffff, v20  }
0x3f8: {  	v20 =	vld.idx.msk [tilespmem:v22+s25+$0x0], $0xffff  }
0x3f9: {  	v21 =	vadd.s32 v45, v34  }
0x3fa: {  	v22 =	vor.u32 v19, v46;
	_ =	sdelay $0x3  }
0x3fb: {  	[tilespmem:v21+s19+$0x0] =	vst.idx.msk $0xffff, v20  }
0x3fc: {  	v20 =	vld.idx.msk [tilespmem:v22+s25+$0x0], $0xffff  }
0x3fd: {  	v21 =	vadd.s32 v47, v34  }
0x3fe: {  	v22 =	vor.u32 v19, v48;
	_ =	sdelay $0x3  }
0x3ff: {  	[tilespmem:v21+s19+$0x0] =	vst.idx.msk $0xffff, v20  }
0x400: {  	v20 =	vld.idx.msk [tilespmem:v22+s25+$0x0], $0xffff  }
0x401: {  	v21 =	vadd.s32 v49, v34  }
0x402: {  	v22 =	vor.u32 v19, v50;
	_ =	sdelay $0x3  }
0x403: {  	[tilespmem:v21+s19+$0x0] =	vst.idx.msk $0xffff, v20  }
0x404: {  	v20 =	vld.idx.msk [tilespmem:v22+s25+$0x0], $0xffff  }
0x405: {  	v21 =	vadd.s32 v51, v34  }
0x406: {  	v22 =	vor.u32 v19, v52;
	_ =	sdelay $0x3  }
0x407: {  	[tilespmem:v21+s19+$0x0] =	vst.idx.msk $0xffff, v20  }
0x408: {  	v20 =	vld.idx.msk [tilespmem:v22+s25+$0x0], $0xffff  }
0x409: {  	v21 =	vadd.s32 v53, v34  }
0x40a: {  	v22 =	vor.u32 v19, v54;
	_ =	sdelay $0x3  }
0x40b: {  	[tilespmem:v21+s19+$0x0] =	vst.idx.msk $0xffff, v20  }
0x40c: {  	v20 =	vld.idx.msk [tilespmem:v22+s25+$0x0], $0xffff  }
0x40d: {  	v21 =	vadd.s32 v55, v34  }
0x40e: {  	v22 =	vor.u32 v19, v56;
	_ =	sdelay $0x3  }
0x40f: {  	[tilespmem:v21+s19+$0x0] =	vst.idx.msk $0xffff, v20  }
0x410: {  	v20 =	vld.idx.msk [tilespmem:v22+s25+$0x0], $0xffff  }
0x411: {  	v21 =	vadd.s32 v57, v34  }
0x412: {  	v22 =	vor.u32 v19, v58;
	_ =	sdelay $0x3  }
0x413: {  	[tilespmem:v21+s19+$0x0] =	vst.idx.msk $0xffff, v20  }
0x414: {  	v20 =	vld.idx.msk [tilespmem:v22+s25+$0x0], $0xffff  }
0x415: {  	v21 =	vadd.s32 v17, v34  }
0x416: {  	v22 =	vor.u32 v19, v18;
	_ =	sdelay $0x3  }
0x417: {  	[tilespmem:v21+s19+$0x0] =	vst.idx.msk $0xffff, v20  }
0x418: {  	v20 =	vld.idx.msk [tilespmem:v22+s25+$0x0], $0xffff  }
0x419: {  	v21 =	vadd.s32 v59, v34  }
0x41a: {  	v22 =	vor.u32 v19, v60;
	_ =	sdelay $0x3  }
0x41b: {  	[tilespmem:v21+s19+$0x0] =	vst.idx.msk $0xffff, v20  }
0x41c: {  	v20 =	vld.idx.msk [tilespmem:v22+s25+$0x0], $0xffff  }
0x41d: {  	v21 =	vadd.s32 v61, v34  }
0x41e: {  	v19 =	vor.u32 v19, v62  }
.Ltmp11:
0x41f: {  	(pc) =	sbr.rel @p0 .LBB2_21-.Ltmp11, $3  }
0x420: {  	_ =	sdelay $0x1  }
0x421: {  	[tilespmem:v21+s19+$0x0] =	vst.idx.msk $0xffff, v20  }
0x422: {  	v20 =	vor.u32 s21, v0;
	s21 =	sadd.s32 $0x10, s21;
	v21 =	vld.idx.msk [tilespmem:v19+s25+$0x0], $0xffff  }
0x423: {  	v19 =	vshll.u32 v20, $0x7;
	v22 =	vadd.s32 v63, v34  }
0x424: {  	v33 =	vor.u32 v19, v33;
	_ =	sdelay $0x3  }
0x425: {  	[tilespmem:v22+s19+$0x0] =	vst.idx.msk $0xffff, v21  }
0x426: {  	v22 =	vadd.s32 v36, v20;
	v21 =	vld.idx.msk [tilespmem:v33+s25+$0x0], $0xffff  }
0x427: {  	v36 =	vor.u32 v19, v35;
	_ =	sdelay $0x3  }
0x428: {  	[tilespmem:v22+s19+$0x0] =	vst.idx.msk $0xffff, v21  }
0x429: {  	v22 =	vadd.s32 v37, v20;
	v21 =	vld.idx.msk [tilespmem:v36+s25+$0x0], $0xffff  }
0x42a: {  	v38 =	vor.u32 v19, v38;
	_ =	sdelay $0x3  }
0x42b: {  	[tilespmem:v22+s19+$0x0] =	vst.idx.msk $0xffff, v21  }
0x42c: {  	v22 =	vadd.s32 v39, v20;
	v21 =	vld.idx.msk [tilespmem:v38+s25+$0x0], $0xffff  }
0x42d: {  	v40 =	vor.u32 v19, v40;
	_ =	sdelay $0x3  }
0x42e: {  	[tilespmem:v22+s19+$0x0] =	vst.idx.msk $0xffff, v21  }
0x42f: {  	v22 =	vadd.s32 v41, v20;
	v21 =	vld.idx.msk [tilespmem:v40+s25+$0x0], $0xffff  }
0x430: {  	v42 =	vor.u32 v19, v42;
	_ =	sdelay $0x3  }
0x431: {  	[tilespmem:v22+s19+$0x0] =	vst.idx.msk $0xffff, v21  }
0x432: {  	v22 =	vadd.s32 v43, v20;
	v21 =	vld.idx.msk [tilespmem:v42+s25+$0x0], $0xffff  }
0x433: {  	v44 =	vor.u32 v19, v44;
	_ =	sdelay $0x3  }
0x434: {  	[tilespmem:v22+s19+$0x0] =	vst.idx.msk $0xffff, v21  }
0x435: {  	v22 =	vadd.s32 v45, v20;
	v21 =	vld.idx.msk [tilespmem:v44+s25+$0x0], $0xffff  }
0x436: {  	v46 =	vor.u32 v19, v46;
	_ =	sdelay $0x3  }
0x437: {  	[tilespmem:v22+s19+$0x0] =	vst.idx.msk $0xffff, v21  }
0x438: {  	v22 =	vadd.s32 v47, v20;
	v21 =	vld.idx.msk [tilespmem:v46+s25+$0x0], $0xffff  }
0x439: {  	v48 =	vor.u32 v19, v48;
	_ =	sdelay $0x3  }
0x43a: {  	[tilespmem:v22+s19+$0x0] =	vst.idx.msk $0xffff, v21  }
0x43b: {  	v22 =	vadd.s32 v49, v20;
	v21 =	vld.idx.msk [tilespmem:v48+s25+$0x0], $0xffff  }
0x43c: {  	v50 =	vor.u32 v19, v50;
	_ =	sdelay $0x3  }
0x43d: {  	[tilespmem:v22+s19+$0x0] =	vst.idx.msk $0xffff, v21  }
0x43e: {  	v22 =	vadd.s32 v51, v20;
	v21 =	vld.idx.msk [tilespmem:v50+s25+$0x0], $0xffff  }
0x43f: {  	v52 =	vor.u32 v19, v52;
	_ =	sdelay $0x3  }
0x440: {  	[tilespmem:v22+s19+$0x0] =	vst.idx.msk $0xffff, v21  }
0x441: {  	v22 =	vadd.s32 v53, v20;
	v21 =	vld.idx.msk [tilespmem:v52+s25+$0x0], $0xffff  }
0x442: {  	v54 =	vor.u32 v19, v54;
	_ =	sdelay $0x3  }
0x443: {  	[tilespmem:v22+s19+$0x0] =	vst.idx.msk $0xffff, v21  }
0x444: {  	v22 =	vadd.s32 v55, v20;
	v21 =	vld.idx.msk [tilespmem:v54+s25+$0x0], $0xffff  }
0x445: {  	v56 =	vor.u32 v19, v56;
	_ =	sdelay $0x3  }
0x446: {  	[tilespmem:v22+s19+$0x0] =	vst.idx.msk $0xffff, v21  }
0x447: {  	v22 =	vadd.s32 v57, v20;
	v21 =	vld.idx.msk [tilespmem:v56+s25+$0x0], $0xffff  }
0x448: {  	v58 =	vor.u32 v19, v58;
	_ =	sdelay $0x3  }
0x449: {  	[tilespmem:v22+s19+$0x0] =	vst.idx.msk $0xffff, v21  }
0x44a: {  	v17 =	vadd.s32 v17, v20;
	v21 =	vld.idx.msk [tilespmem:v58+s25+$0x0], $0xffff  }
0x44b: {  	v18 =	vor.u32 v19, v18;
	_ =	sdelay $0x3  }
0x44c: {  	[tilespmem:v17+s19+$0x0] =	vst.idx.msk $0xffff, v21  }
0x44d: {  	v17 =	vld.idx.msk [tilespmem:v18+s25+$0x0], $0xffff;
	v18 =	vadd.s32 v59, v20  }
0x44e: {  	v21 =	vor.u32 v19, v60;
	_ =	sdelay $0x3  }
0x44f: {  	[tilespmem:v18+s19+$0x0] =	vst.idx.msk $0xffff, v17  }
0x450: {  	v18 =	vadd.s32 v61, v20;
	v17 =	vld.idx.msk [tilespmem:v21+s25+$0x0], $0xffff  }
0x451: {  	v19 =	vor.u32 v19, v62;
	_ =	sdelay $0x3  }
0x452: {  	s28 =	sadd.s32 $0x1, s28;
	[tilespmem:v18+s19+$0x0] =	vst.idx.msk $0xffff, v17  }
0x453: {  	p0 =	sne.s32 s28, $0x8;
	v18 =	vadd.s32 v63, v20;
	v17 =	vld.idx.msk [tilespmem:v19+s25+$0x0], $0xffff  }
.Ltmp12:
0x454: {  	_ = 	snop;
	(pc) =	sbr.rel @p0 .LBB2_20-.Ltmp12, $2  }
0x455: {  	_ =	sdelay $0x2  }
0x456: {  	[tilespmem:v18+s19+$0x0] =	vst.idx.msk $0xffff, v17  }
0x457: {  	s17 =	simm.s32 $0x8B00  }
0x458: {  	[tilespmem:s25], [sflag:$0x9] =	stream.indirect.gather [hbm4b:s0+s24], $0x80, s17, s24, $0xb8;
	[tilespmem:$0x15400] =	vst v63  }
0x459: {  	_ =	swait.ge [sflag:s12], $0x2000  }
0x45a: {  	[sflag:s12] =	ssyncset.done $0x0  }
0x45b: {  	s28 =	simm.s32 $0x0;
	s17 =	simm.s32 $0x0;
	[sflag:s12] =	ssyncadd.s32 $0xFFFFE000  }
.LBB2_24:
0x45c: {  	v17 =	vmov s17  }
0x45d: {  	s21 =	sshll.u32 s28, $0x4;
	v17 =	vshll.u32 v17, $0x7  }
0x45e: {  	v20 =	vld [tilespmem:$0x1FFA0];
	v33 =	vor.u32 s21, v0;
	v19 =	vor.u32 v14, v17  }
0x45f: {  	v17 =	vor.u32 v19, v33;
	_ =	sdelay $0x1  }
0x460: {  	v18 =	vmov s21  }
0x461: {  	s22 =	simm.s32 $0x40;
	v18 =	vshll.u32 v18, $0x7  }
0x462: {  	v53 =	vor.u32 s22, v0;
	v34 =	vadd.s32 v20, v18  }
0x463: {  	v35 =	vor.u32 s21, v1;
	v20 =	vadd.s32 v34, v53;
	v17 =	vld.idx.msk [tilespmem:v17+s26+$0x0], $0xffff  }
0x464: {  	v21 =	vor.u32 v19, v35;
	_ =	sdelay $0x3  }
0x465: {  	v36 =	vadd.s32 v32, v18;
	[tilespmem:v20+s19+$0x0] =	vst.idx.msk $0xffff, v17  }
0x466: {  	v37 =	vor.u32 s21, v2;
	v20 =	vadd.s32 v36, v53;
	v17 =	vld.idx.msk [tilespmem:v21+s26+$0x0], $0xffff  }
0x467: {  	v21 =	vor.u32 v19, v37;
	_ =	sdelay $0x3  }
0x468: {  	v38 =	vadd.s32 v31, v18;
	[tilespmem:v20+s19+$0x0] =	vst.idx.msk $0xffff, v17  }
0x469: {  	v39 =	vor.u32 s21, v3;
	v20 =	vadd.s32 v38, v53;
	v17 =	vld.idx.msk [tilespmem:v21+s26+$0x0], $0xffff  }
0x46a: {  	v21 =	vor.u32 v19, v39;
	_ =	sdelay $0x3  }
0x46b: {  	v40 =	vadd.s32 v30, v18;
	[tilespmem:v20+s19+$0x0] =	vst.idx.msk $0xffff, v17  }
0x46c: {  	v41 =	vor.u32 s21, v4;
	v20 =	vadd.s32 v40, v53;
	v17 =	vld.idx.msk [tilespmem:v21+s26+$0x0], $0xffff  }
0x46d: {  	v21 =	vor.u32 v19, v41;
	_ =	sdelay $0x3  }
0x46e: {  	v42 =	vadd.s32 v29, v18;
	[tilespmem:v20+s19+$0x0] =	vst.idx.msk $0xffff, v17  }
0x46f: {  	v43 =	vor.u32 s21, v5;
	v20 =	vadd.s32 v42, v53;
	v17 =	vld.idx.msk [tilespmem:v21+s26+$0x0], $0xffff  }
0x470: {  	v21 =	vor.u32 v19, v43;
	_ =	sdelay $0x3  }
0x471: {  	v44 =	vadd.s32 v28, v18;
	[tilespmem:v20+s19+$0x0] =	vst.idx.msk $0xffff, v17  }
0x472: {  	v45 =	vor.u32 s21, v6;
	v20 =	vadd.s32 v44, v53;
	v17 =	vld.idx.msk [tilespmem:v21+s26+$0x0], $0xffff  }
0x473: {  	v21 =	vor.u32 v19, v45;
	_ =	sdelay $0x3  }
0x474: {  	v46 =	vadd.s32 v27, v18;
	[tilespmem:v20+s19+$0x0] =	vst.idx.msk $0xffff, v17  }
0x475: {  	v47 =	vor.u32 s21, v7;
	v20 =	vadd.s32 v46, v53;
	v17 =	vld.idx.msk [tilespmem:v21+s26+$0x0], $0xffff  }
0x476: {  	v21 =	vor.u32 v19, v47;
	_ =	sdelay $0x3  }
0x477: {  	v48 =	vadd.s32 v26, v18;
	[tilespmem:v20+s19+$0x0] =	vst.idx.msk $0xffff, v17  }
0x478: {  	v49 =	vor.u32 s21, v8;
	v20 =	vadd.s32 v48, v53;
	v17 =	vld.idx.msk [tilespmem:v21+s26+$0x0], $0xffff  }
0x479: {  	v21 =	vor.u32 v19, v49;
	_ =	sdelay $0x3  }
0x47a: {  	v50 =	vadd.s32 v25, v18;
	[tilespmem:v20+s19+$0x0] =	vst.idx.msk $0xffff, v17  }
0x47b: {  	v51 =	vor.u32 s21, v9;
	v20 =	vadd.s32 v50, v53;
	v17 =	vld.idx.msk [tilespmem:v21+s26+$0x0], $0xffff  }
0x47c: {  	v21 =	vor.u32 v19, v51;
	_ =	sdelay $0x3  }
0x47d: {  	v52 =	vadd.s32 v24, v18;
	[tilespmem:v20+s19+$0x0] =	vst.idx.msk $0xffff, v17  }
0x47e: {  	v54 =	vor.u32 s21, v10;
	v20 =	vadd.s32 v52, v53;
	v17 =	vld.idx.msk [tilespmem:v21+s26+$0x0], $0xffff  }
0x47f: {  	v21 =	vor.u32 v19, v54;
	_ =	sdelay $0x3  }
0x480: {  	v22 =	vld [tilespmem:$0x1FFF0];
	v55 =	vadd.s32 v23, v18;
	[tilespmem:v20+s19+$0x0] =	vst.idx.msk $0xffff, v17  }
0x481: {  	v56 =	vor.u32 s21, v11;
	v20 =	vadd.s32 v55, v53;
	v17 =	vld.idx.msk [tilespmem:v21+s26+$0x0], $0xffff  }
0x482: {  	v21 =	vor.u32 v19, v56;
	_ =	sdelay $0x3  }
0x483: {  	v57 =	vadd.s32 v22, v18;
	v22 =	vld [tilespmem:$0x1FFE0];
	[tilespmem:v20+s19+$0x0] =	vst.idx.msk $0xffff, v17  }
0x484: {  	v58 =	vor.u32 s21, v12;
	v20 =	vadd.s32 v57, v53;
	v17 =	vld.idx.msk [tilespmem:v21+s26+$0x0], $0xffff  }
0x485: {  	v21 =	vor.u32 v19, v58;
	_ =	sdelay $0x3  }
0x486: {  	v59 =	vadd.s32 v22, v18;
	v22 =	vld [tilespmem:$0x1FFD0];
	[tilespmem:v20+s19+$0x0] =	vst.idx.msk $0xffff, v17  }
0x487: {  	v60 =	vor.u32 s21, v13;
	v20 =	vadd.s32 v59, v53;
	v17 =	vld.idx.msk [tilespmem:v21+s26+$0x0], $0xffff  }
0x488: {  	v21 =	vor.u32 v19, v60;
	_ =	sdelay $0x3  }
0x489: {  	v61 =	vadd.s32 v22, v18;
	v22 =	vld [tilespmem:$0x1FFC0];
	[tilespmem:v20+s19+$0x0] =	vst.idx.msk $0xffff, v17  }
0x48a: {  	v62 =	vor.u32 s21, v15;
	v20 =	vadd.s32 v61, v53;
	v17 =	vld.idx.msk [tilespmem:v21+s26+$0x0], $0xffff  }
0x48b: {  	v21 =	vor.u32 v19, v62;
	_ =	sdelay $0x3  }
0x48c: {  	v63 =	vadd.s32 v22, v18;
	[tilespmem:v20+s19+$0x0] =	vst.idx.msk $0xffff, v17  }
0x48d: {  	v20 =	vld.idx.msk [tilespmem:v21+s26+$0x0], $0xffff;
	v21 =	vadd.s32 v63, v53;
	_ =	sdelay $0x4  }
0x48e: {  	v17 =	vor.u32 s21, v16;
	[tilespmem:v21+s19+$0x0] =	vst.idx.msk $0xffff, v20;
	v20 =	vld [tilespmem:$0x1FFB0]  }
0x48f: {  	v19 =	vor.u32 v19, v17;
	_ =	sdelay $0x2  }
0x490: {  	s29 =	simm.s32 $0x10  }
0x491: {  	s21 =	simm.s32 $0x20;
	v18 =	vadd.s32 v20, v18;
	v20 =	vmov s29  }
.LBB2_25:
0x492: {  	p0 =	sne.s32 s21, $0x30;
	v20 =	vshll.u32 v20, $0x7;
	v21 =	vld.idx.msk [tilespmem:v19+s26+$0x0], $0xffff  }
0x493: {  	v19 =	vor.u32 v14, v20;
	v20 =	vadd.s32 v18, v53  }
0x494: {  	v22 =	vor.u32 v19, v33;
	_ =	sdelay $0x3  }
0x495: {  	s22 =	sadd.s32 $0x40, s29;
	s29 =	smov.u32 s21;
	[tilespmem:v20+s19+$0x0] =	vst.idx.msk $0xffff, v21  }
0x496: {  	v53 =	vor.u32 s22, v0;
	v20 =	vld.idx.msk [tilespmem:v22+s26+$0x0], $0xffff  }
0x497: {  	v21 =	vadd.s32 v34, v53  }
0x498: {  	v22 =	vor.u32 v19, v35;
	_ =	sdelay $0x3  }
0x499: {  	[tilespmem:v21+s19+$0x0] =	vst.idx.msk $0xffff, v20  }
0x49a: {  	v20 =	vld.idx.msk [tilespmem:v22+s26+$0x0], $0xffff  }
0x49b: {  	v21 =	vadd.s32 v36, v53  }
0x49c: {  	v22 =	vor.u32 v19, v37;
	_ =	sdelay $0x3  }
0x49d: {  	[tilespmem:v21+s19+$0x0] =	vst.idx.msk $0xffff, v20  }
0x49e: {  	v20 =	vld.idx.msk [tilespmem:v22+s26+$0x0], $0xffff  }
0x49f: {  	v21 =	vadd.s32 v38, v53  }
0x4a0: {  	v22 =	vor.u32 v19, v39;
	_ =	sdelay $0x3  }
0x4a1: {  	[tilespmem:v21+s19+$0x0] =	vst.idx.msk $0xffff, v20  }
0x4a2: {  	v20 =	vld.idx.msk [tilespmem:v22+s26+$0x0], $0xffff  }
0x4a3: {  	v21 =	vadd.s32 v40, v53  }
0x4a4: {  	v22 =	vor.u32 v19, v41;
	_ =	sdelay $0x3  }
0x4a5: {  	[tilespmem:v21+s19+$0x0] =	vst.idx.msk $0xffff, v20  }
0x4a6: {  	v20 =	vld.idx.msk [tilespmem:v22+s26+$0x0], $0xffff  }
0x4a7: {  	v21 =	vadd.s32 v42, v53  }
0x4a8: {  	v22 =	vor.u32 v19, v43;
	_ =	sdelay $0x3  }
0x4a9: {  	[tilespmem:v21+s19+$0x0] =	vst.idx.msk $0xffff, v20  }
0x4aa: {  	v20 =	vld.idx.msk [tilespmem:v22+s26+$0x0], $0xffff  }
0x4ab: {  	v21 =	vadd.s32 v44, v53  }
0x4ac: {  	v22 =	vor.u32 v19, v45;
	_ =	sdelay $0x3  }
0x4ad: {  	[tilespmem:v21+s19+$0x0] =	vst.idx.msk $0xffff, v20  }
0x4ae: {  	v20 =	vld.idx.msk [tilespmem:v22+s26+$0x0], $0xffff  }
0x4af: {  	v21 =	vadd.s32 v46, v53  }
0x4b0: {  	v22 =	vor.u32 v19, v47;
	_ =	sdelay $0x3  }
0x4b1: {  	[tilespmem:v21+s19+$0x0] =	vst.idx.msk $0xffff, v20  }
0x4b2: {  	v20 =	vld.idx.msk [tilespmem:v22+s26+$0x0], $0xffff  }
0x4b3: {  	v21 =	vadd.s32 v48, v53  }
0x4b4: {  	v22 =	vor.u32 v19, v49;
	_ =	sdelay $0x3  }
0x4b5: {  	[tilespmem:v21+s19+$0x0] =	vst.idx.msk $0xffff, v20  }
0x4b6: {  	v20 =	vld.idx.msk [tilespmem:v22+s26+$0x0], $0xffff  }
0x4b7: {  	v21 =	vadd.s32 v50, v53  }
0x4b8: {  	v22 =	vor.u32 v19, v51;
	_ =	sdelay $0x3  }
0x4b9: {  	[tilespmem:v21+s19+$0x0] =	vst.idx.msk $0xffff, v20  }
0x4ba: {  	v20 =	vld.idx.msk [tilespmem:v22+s26+$0x0], $0xffff  }
0x4bb: {  	v21 =	vadd.s32 v52, v53  }
0x4bc: {  	v22 =	vor.u32 v19, v54;
	_ =	sdelay $0x3  }
0x4bd: {  	[tilespmem:v21+s19+$0x0] =	vst.idx.msk $0xffff, v20  }
0x4be: {  	v20 =	vld.idx.msk [tilespmem:v22+s26+$0x0], $0xffff  }
0x4bf: {  	v21 =	vadd.s32 v55, v53  }
0x4c0: {  	v22 =	vor.u32 v19, v56;
	_ =	sdelay $0x3  }
0x4c1: {  	[tilespmem:v21+s19+$0x0] =	vst.idx.msk $0xffff, v20  }
0x4c2: {  	v20 =	vld.idx.msk [tilespmem:v22+s26+$0x0], $0xffff  }
0x4c3: {  	v21 =	vadd.s32 v57, v53  }
0x4c4: {  	v22 =	vor.u32 v19, v58;
	_ =	sdelay $0x3  }
0x4c5: {  	[tilespmem:v21+s19+$0x0] =	vst.idx.msk $0xffff, v20  }
0x4c6: {  	v20 =	vld.idx.msk [tilespmem:v22+s26+$0x0], $0xffff  }
0x4c7: {  	v21 =	vadd.s32 v59, v53  }
0x4c8: {  	v22 =	vor.u32 v19, v60;
	_ =	sdelay $0x3  }
0x4c9: {  	[tilespmem:v21+s19+$0x0] =	vst.idx.msk $0xffff, v20  }
0x4ca: {  	v20 =	vld.idx.msk [tilespmem:v22+s26+$0x0], $0xffff  }
0x4cb: {  	v21 =	vadd.s32 v61, v53  }
0x4cc: {  	v22 =	vor.u32 v19, v62;
	_ =	sdelay $0x3  }
0x4cd: {  	[tilespmem:v21+s19+$0x0] =	vst.idx.msk $0xffff, v20  }
0x4ce: {  	v21 =	vld.idx.msk [tilespmem:v22+s26+$0x0], $0xffff  }
0x4cf: {  	v22 =	vadd.s32 v63, v53  }
.Ltmp13:
0x4d0: {  	v19 =	vor.u32 v19, v17;
	(pc) =	sbr.rel @p0 .LBB2_25-.Ltmp13, $2  }
0x4d1: {  	_ =	sdelay $0x2  }
0x4d2: {  	s21 =	sadd.s32 $0x10, s21;
	v20 =	vmov s29;
	[tilespmem:v22+s19+$0x0] =	vst.idx.msk $0xffff, v21  }
0x4d3: {  	_ =	sdelay $0x2  }
0x4d4: {  	v20 =	vshll.u32 v20, $0x7  }
0x4d5: {  	v19 =	vld.idx.msk [tilespmem:v19+s26+$0x0], $0xffff;
	v21 =	vadd.s32 v18, v53;
	v20 =	vor.u32 v14, v20  }
0x4d6: {  	v22 =	vor.u32 v20, v33;
	_ =	sdelay $0x2  }
0x4d7: {  	s21 =	sadd.s32 $0x40, s29  }
0x4d8: {  	[tilespmem:v21+s19+$0x0] =	vst.idx.msk $0xffff, v19;
	v19 =	vor.u32 s21, v0  }
0x4d9: {  	v21 =	vld.idx.msk [tilespmem:v22+s26+$0x0], $0xffff;
	v22 =	vadd.s32 v34, v19  }
0x4da: {  	v53 =	vor.u32 v20, v35;
	_ =	sdelay $0x3  }
0x4db: {  	[tilespmem:v22+s19+$0x0] =	vst.idx.msk $0xffff, v21  }
0x4dc: {  	v22 =	vadd.s32 v36, v19;
	v21 =	vld.idx.msk [tilespmem:v53+s26+$0x0], $0xffff  }
0x4dd: {  	v37 =	vor.u32 v20, v37;
	_ =	sdelay $0x3  }
0x4de: {  	[tilespmem:v22+s19+$0x0] =	vst.idx.msk $0xffff, v21  }
0x4df: {  	v22 =	vadd.s32 v38, v19;
	v21 =	vld.idx.msk [tilespmem:v37+s26+$0x0], $0xffff  }
0x4e0: {  	v39 =	vor.u32 v20, v39;
	_ =	sdelay $0x3  }
0x4e1: {  	[tilespmem:v22+s19+$0x0] =	vst.idx.msk $0xffff, v21  }
0x4e2: {  	v22 =	vadd.s32 v40, v19;
	v21 =	vld.idx.msk [tilespmem:v39+s26+$0x0], $0xffff  }
0x4e3: {  	v41 =	vor.u32 v20, v41;
	_ =	sdelay $0x3  }
0x4e4: {  	[tilespmem:v22+s19+$0x0] =	vst.idx.msk $0xffff, v21  }
0x4e5: {  	v22 =	vadd.s32 v42, v19;
	v21 =	vld.idx.msk [tilespmem:v41+s26+$0x0], $0xffff  }
0x4e6: {  	v43 =	vor.u32 v20, v43;
	_ =	sdelay $0x3  }
0x4e7: {  	[tilespmem:v22+s19+$0x0] =	vst.idx.msk $0xffff, v21  }
0x4e8: {  	v22 =	vadd.s32 v44, v19;
	v21 =	vld.idx.msk [tilespmem:v43+s26+$0x0], $0xffff  }
0x4e9: {  	v45 =	vor.u32 v20, v45;
	_ =	sdelay $0x3  }
0x4ea: {  	[tilespmem:v22+s19+$0x0] =	vst.idx.msk $0xffff, v21  }
0x4eb: {  	v22 =	vadd.s32 v46, v19;
	v21 =	vld.idx.msk [tilespmem:v45+s26+$0x0], $0xffff  }
0x4ec: {  	v47 =	vor.u32 v20, v47;
	_ =	sdelay $0x3  }
0x4ed: {  	[tilespmem:v22+s19+$0x0] =	vst.idx.msk $0xffff, v21  }
0x4ee: {  	v22 =	vadd.s32 v48, v19;
	v21 =	vld.idx.msk [tilespmem:v47+s26+$0x0], $0xffff  }
0x4ef: {  	v49 =	vor.u32 v20, v49;
	_ =	sdelay $0x3  }
0x4f0: {  	[tilespmem:v22+s19+$0x0] =	vst.idx.msk $0xffff, v21  }
0x4f1: {  	v22 =	vadd.s32 v50, v19;
	v21 =	vld.idx.msk [tilespmem:v49+s26+$0x0], $0xffff  }
0x4f2: {  	v53 =	vor.u32 v20, v51;
	_ =	sdelay $0x3  }
0x4f3: {  	[tilespmem:v22+s19+$0x0] =	vst.idx.msk $0xffff, v21  }
0x4f4: {  	v22 =	vadd.s32 v52, v19;
	v21 =	vld.idx.msk [tilespmem:v53+s26+$0x0], $0xffff  }
0x4f5: {  	v54 =	vor.u32 v20, v54;
	_ =	sdelay $0x3  }
0x4f6: {  	[tilespmem:v22+s19+$0x0] =	vst.idx.msk $0xffff, v21  }
0x4f7: {  	v22 =	vadd.s32 v55, v19;
	v21 =	vld.idx.msk [tilespmem:v54+s26+$0x0], $0xffff  }
0x4f8: {  	v56 =	vor.u32 v20, v56;
	_ =	sdelay $0x3  }
0x4f9: {  	[tilespmem:v22+s19+$0x0] =	vst.idx.msk $0xffff, v21  }
0x4fa: {  	v22 =	vadd.s32 v57, v19;
	v21 =	vld.idx.msk [tilespmem:v56+s26+$0x0], $0xffff  }
0x4fb: {  	v58 =	vor.u32 v20, v58;
	_ =	sdelay $0x3  }
0x4fc: {  	[tilespmem:v22+s19+$0x0] =	vst.idx.msk $0xffff, v21  }
0x4fd: {  	v22 =	vadd.s32 v59, v19;
	v21 =	vld.idx.msk [tilespmem:v58+s26+$0x0], $0xffff  }
0x4fe: {  	v60 =	vor.u32 v20, v60;
	_ =	sdelay $0x3  }
0x4ff: {  	[tilespmem:v22+s19+$0x0] =	vst.idx.msk $0xffff, v21  }
0x500: {  	v22 =	vadd.s32 v61, v19;
	v21 =	vld.idx.msk [tilespmem:v60+s26+$0x0], $0xffff  }
0x501: {  	v62 =	vor.u32 v20, v62;
	_ =	sdelay $0x3  }
0x502: {  	[tilespmem:v22+s19+$0x0] =	vst.idx.msk $0xffff, v21  }
0x503: {  	v22 =	vadd.s32 v63, v19;
	v21 =	vld.idx.msk [tilespmem:v62+s26+$0x0], $0xffff  }
0x504: {  	v17 =	vor.u32 v20, v17;
	_ =	sdelay $0x3  }
0x505: {  	s28 =	sadd.s32 $0x1, s28;
	[tilespmem:v22+s19+$0x0] =	vst.idx.msk $0xffff, v21  }
0x506: {  	p0 =	sne.s32 s28, $0x8;
	v18 =	vadd.s32 v18, v19;
	v17 =	vld.idx.msk [tilespmem:v17+s26+$0x0], $0xffff  }
.Ltmp14:
0x507: {  	_ = 	snop;
	(pc) =	sbr.rel @p0 .LBB2_24-.Ltmp14, $2  }
0x508: {  	_ =	sdelay $0x2  }
0x509: {  	[tilespmem:v18+s19+$0x0] =	vst.idx.msk $0xffff, v17  }
0x50a: {  	s17 =	simm.s32 $0x8B80  }
0x50b: {  	[tilespmem:s26], [sflag:$0xA] =	stream.indirect.gather [hbm4b:s0+s24], $0x80, s17, s24, $0xb8;
	[tilespmem:$0x15400] =	vst v63  }
0x50c: {  	_ =	swait.ge [sflag:s9], $0x800  }
0x50d: {  	[sflag:s9] =	ssyncset.done $0x0  }
0x50e: {  	s7 =	sadd.s32 s3, s7;
	[sflag:s9] =	ssyncadd.s32 $0xFFFFF800  }
0x50f: {  	[hbm4b:s7+s2] =	stream.strided.scatter [tilespmem:s19], [sflag:$0x6], $0x4800, s5, s2, $0x38;
	[tilespmem:$0x15400] =	vst v63  }
0x510: {  	_ =	swait.ge [sflag:s11], $0x2000  }
0x511: {  	[sflag:s11] =	ssyncset.done $0x0  }
0x512: {  	s28 =	simm.s32 $0x0;
	s17 =	simm.s32 $0x0;
	[sflag:s11] =	ssyncadd.s32 $0xFFFFE000  }
.LBB2_28:
0x513: {  	s21 =	sshll.u32 s28, $0x4;
	v36 =	vor.u32 s17, v0  }
0x514: {  	v33 =	vor.u32 s21, v0;
	v19 =	vshll.u32 v36, $0x7  }
0x515: {  	v17 =	vor.u32 v33, v19;
	_ =	sdelay $0x3  }
0x516: {  	v35 =	vshll.u32 v33, $0x7  }
0x517: {  	v34 =	vor.u32 s21, v1;
	v18 =	vadd.s32 v35, v36;
	v17 =	vld.idx.msk [tilespmem:v17+s25+$0x0], $0xffff  }
0x518: {  	v20 =	vor.u32 v34, v19;
	_ =	sdelay $0x3  }
0x519: {  	v37 =	vshll.u32 v34, $0x7;
	[tilespmem:v18+s16+$0x0] =	vst.idx.msk $0xffff, v17  }
0x51a: {  	v38 =	vor.u32 s21, v2;
	v18 =	vadd.s32 v37, v36;
	v17 =	vld.idx.msk [tilespmem:v20+s25+$0x0], $0xffff  }
0x51b: {  	v20 =	vor.u32 v38, v19;
	_ =	sdelay $0x3  }
0x51c: {  	v39 =	vshll.u32 v38, $0x7;
	[tilespmem:v18+s16+$0x0] =	vst.idx.msk $0xffff, v17  }
0x51d: {  	v40 =	vor.u32 s21, v3;
	v18 =	vadd.s32 v39, v36;
	v17 =	vld.idx.msk [tilespmem:v20+s25+$0x0], $0xffff  }
0x51e: {  	v20 =	vor.u32 v40, v19;
	_ =	sdelay $0x3  }
0x51f: {  	v41 =	vshll.u32 v40, $0x7;
	[tilespmem:v18+s16+$0x0] =	vst.idx.msk $0xffff, v17  }
0x520: {  	v42 =	vor.u32 s21, v4;
	v18 =	vadd.s32 v41, v36;
	v17 =	vld.idx.msk [tilespmem:v20+s25+$0x0], $0xffff  }
0x521: {  	v20 =	vor.u32 v42, v19;
	_ =	sdelay $0x3  }
0x522: {  	v43 =	vshll.u32 v42, $0x7;
	[tilespmem:v18+s16+$0x0] =	vst.idx.msk $0xffff, v17  }
0x523: {  	v44 =	vor.u32 s21, v5;
	v18 =	vadd.s32 v43, v36;
	v17 =	vld.idx.msk [tilespmem:v20+s25+$0x0], $0xffff  }
0x524: {  	v20 =	vor.u32 v44, v19;
	_ =	sdelay $0x3  }
0x525: {  	v45 =	vshll.u32 v44, $0x7;
	[tilespmem:v18+s16+$0x0] =	vst.idx.msk $0xffff, v17  }
0x526: {  	v46 =	vor.u32 s21, v6;
	v18 =	vadd.s32 v45, v36;
	v17 =	vld.idx.msk [tilespmem:v20+s25+$0x0], $0xffff  }
0x527: {  	v20 =	vor.u32 v46, v19;
	_ =	sdelay $0x3  }
0x528: {  	v47 =	vshll.u32 v46, $0x7;
	[tilespmem:v18+s16+$0x0] =	vst.idx.msk $0xffff, v17  }
0x529: {  	v48 =	vor.u32 s21, v7;
	v18 =	vadd.s32 v47, v36;
	v17 =	vld.idx.msk [tilespmem:v20+s25+$0x0], $0xffff  }
0x52a: {  	v20 =	vor.u32 v48, v19;
	_ =	sdelay $0x3  }
0x52b: {  	v49 =	vshll.u32 v48, $0x7;
	[tilespmem:v18+s16+$0x0] =	vst.idx.msk $0xffff, v17  }
0x52c: {  	v50 =	vor.u32 s21, v8;
	v18 =	vadd.s32 v49, v36;
	v17 =	vld.idx.msk [tilespmem:v20+s25+$0x0], $0xffff  }
0x52d: {  	v20 =	vor.u32 v50, v19;
	_ =	sdelay $0x3  }
0x52e: {  	v51 =	vshll.u32 v50, $0x7;
	[tilespmem:v18+s16+$0x0] =	vst.idx.msk $0xffff, v17  }
0x52f: {  	v52 =	vor.u32 s21, v9;
	v18 =	vadd.s32 v51, v36;
	v17 =	vld.idx.msk [tilespmem:v20+s25+$0x0], $0xffff  }
0x530: {  	v20 =	vor.u32 v52, v19;
	_ =	sdelay $0x3  }
0x531: {  	v53 =	vshll.u32 v52, $0x7;
	[tilespmem:v18+s16+$0x0] =	vst.idx.msk $0xffff, v17  }
0x532: {  	v54 =	vor.u32 s21, v10;
	v18 =	vadd.s32 v53, v36;
	v17 =	vld.idx.msk [tilespmem:v20+s25+$0x0], $0xffff  }
0x533: {  	v20 =	vor.u32 v54, v19;
	_ =	sdelay $0x3  }
0x534: {  	v55 =	vshll.u32 v54, $0x7;
	[tilespmem:v18+s16+$0x0] =	vst.idx.msk $0xffff, v17  }
0x535: {  	v56 =	vor.u32 s21, v11;
	v18 =	vadd.s32 v55, v36;
	v17 =	vld.idx.msk [tilespmem:v20+s25+$0x0], $0xffff  }
0x536: {  	v20 =	vor.u32 v56, v19;
	_ =	sdelay $0x3  }
0x537: {  	v57 =	vshll.u32 v56, $0x7;
	[tilespmem:v18+s16+$0x0] =	vst.idx.msk $0xffff, v17  }
0x538: {  	v58 =	vor.u32 s21, v12;
	v18 =	vld.idx.msk [tilespmem:v20+s25+$0x0], $0xffff;
	v20 =	vadd.s32 v57, v36  }
0x539: {  	v21 =	vor.u32 v58, v19;
	_ =	sdelay $0x3  }
0x53a: {  	v17 =	vshll.u32 v58, $0x7;
	[tilespmem:v20+s16+$0x0] =	vst.idx.msk $0xffff, v18  }
0x53b: {  	v18 =	vor.u32 s21, v13;
	v20 =	vld.idx.msk [tilespmem:v21+s25+$0x0], $0xffff;
	v21 =	vadd.s32 v17, v36  }
0x53c: {  	v22 =	vor.u32 v18, v19;
	_ =	sdelay $0x3  }
0x53d: {  	v59 =	vshll.u32 v18, $0x7;
	[tilespmem:v21+s16+$0x0] =	vst.idx.msk $0xffff, v20  }
0x53e: {  	v60 =	vor.u32 s21, v15;
	v21 =	vadd.s32 v59, v36;
	v20 =	vld.idx.msk [tilespmem:v22+s25+$0x0], $0xffff  }
0x53f: {  	v22 =	vor.u32 v60, v19;
	_ =	sdelay $0x3  }
0x540: {  	v61 =	vshll.u32 v60, $0x7;
	[tilespmem:v21+s16+$0x0] =	vst.idx.msk $0xffff, v20  }
0x541: {  	v62 =	vor.u32 s21, v16;
	v21 =	vadd.s32 v61, v36;
	v20 =	vld.idx.msk [tilespmem:v22+s25+$0x0], $0xffff  }
0x542: {  	v19 =	vor.u32 v62, v19;
	_ =	sdelay $0x3  }
0x543: {  	s30 =	simm.s32 $0x10;
	[tilespmem:v21+s16+$0x0] =	vst.idx.msk $0xffff, v20  }
0x544: {  	v63 =	vshll.u32 v62, $0x7;
	s21 =	simm.s32 $0x20;
	v20 =	vor.u32 s30, v0;
	v21 =	vld.idx.msk [tilespmem:v19+s25+$0x0], $0xffff  }
.LBB2_29:
0x545: {  	p0 =	sne.s32 s21, $0x30;
	v19 =	vshll.u32 v20, $0x7;
	v22 =	vadd.s32 v63, v36;
	v36 =	vmov v20  }
0x546: {  	v20 =	vor.u32 v33, v19;
	_ =	sdelay $0x3  }
0x547: {  	[tilespmem:v22+s16+$0x0] =	vst.idx.msk $0xffff, v21  }
0x548: {  	v20 =	vld.idx.msk [tilespmem:v20+s25+$0x0], $0xffff  }
0x549: {  	v21 =	vadd.s32 v35, v36  }
0x54a: {  	v22 =	vor.u32 v34, v19;
	_ =	sdelay $0x3  }
0x54b: {  	[tilespmem:v21+s16+$0x0] =	vst.idx.msk $0xffff, v20  }
0x54c: {  	v20 =	vld.idx.msk [tilespmem:v22+s25+$0x0], $0xffff  }
0x54d: {  	v21 =	vadd.s32 v37, v36  }
0x54e: {  	v22 =	vor.u32 v38, v19;
	_ =	sdelay $0x3  }
0x54f: {  	[tilespmem:v21+s16+$0x0] =	vst.idx.msk $0xffff, v20  }
0x550: {  	v20 =	vld.idx.msk [tilespmem:v22+s25+$0x0], $0xffff  }
0x551: {  	v21 =	vadd.s32 v39, v36  }
0x552: {  	v22 =	vor.u32 v40, v19;
	_ =	sdelay $0x3  }
0x553: {  	[tilespmem:v21+s16+$0x0] =	vst.idx.msk $0xffff, v20  }
0x554: {  	v20 =	vld.idx.msk [tilespmem:v22+s25+$0x0], $0xffff  }
0x555: {  	v21 =	vadd.s32 v41, v36  }
0x556: {  	v22 =	vor.u32 v42, v19;
	_ =	sdelay $0x3  }
0x557: {  	[tilespmem:v21+s16+$0x0] =	vst.idx.msk $0xffff, v20  }
0x558: {  	v20 =	vld.idx.msk [tilespmem:v22+s25+$0x0], $0xffff  }
0x559: {  	v21 =	vadd.s32 v43, v36  }
0x55a: {  	v22 =	vor.u32 v44, v19;
	_ =	sdelay $0x3  }
0x55b: {  	[tilespmem:v21+s16+$0x0] =	vst.idx.msk $0xffff, v20  }
0x55c: {  	v20 =	vld.idx.msk [tilespmem:v22+s25+$0x0], $0xffff  }
0x55d: {  	v21 =	vadd.s32 v45, v36  }
0x55e: {  	v22 =	vor.u32 v46, v19;
	_ =	sdelay $0x3  }
0x55f: {  	[tilespmem:v21+s16+$0x0] =	vst.idx.msk $0xffff, v20  }
0x560: {  	v20 =	vld.idx.msk [tilespmem:v22+s25+$0x0], $0xffff  }
0x561: {  	v21 =	vadd.s32 v47, v36  }
0x562: {  	v22 =	vor.u32 v48, v19;
	_ =	sdelay $0x3  }
0x563: {  	[tilespmem:v21+s16+$0x0] =	vst.idx.msk $0xffff, v20  }
0x564: {  	v20 =	vld.idx.msk [tilespmem:v22+s25+$0x0], $0xffff  }
0x565: {  	v21 =	vadd.s32 v49, v36  }
0x566: {  	v22 =	vor.u32 v50, v19;
	_ =	sdelay $0x3  }
0x567: {  	[tilespmem:v21+s16+$0x0] =	vst.idx.msk $0xffff, v20  }
0x568: {  	v20 =	vld.idx.msk [tilespmem:v22+s25+$0x0], $0xffff  }
0x569: {  	v21 =	vadd.s32 v51, v36  }
0x56a: {  	v22 =	vor.u32 v52, v19;
	_ =	sdelay $0x3  }
0x56b: {  	[tilespmem:v21+s16+$0x0] =	vst.idx.msk $0xffff, v20  }
0x56c: {  	v20 =	vld.idx.msk [tilespmem:v22+s25+$0x0], $0xffff  }
0x56d: {  	v21 =	vadd.s32 v53, v36  }
0x56e: {  	v22 =	vor.u32 v54, v19;
	_ =	sdelay $0x3  }
0x56f: {  	[tilespmem:v21+s16+$0x0] =	vst.idx.msk $0xffff, v20  }
0x570: {  	v20 =	vld.idx.msk [tilespmem:v22+s25+$0x0], $0xffff  }
0x571: {  	v21 =	vadd.s32 v55, v36  }
0x572: {  	v22 =	vor.u32 v56, v19;
	_ =	sdelay $0x3  }
0x573: {  	[tilespmem:v21+s16+$0x0] =	vst.idx.msk $0xffff, v20  }
0x574: {  	v20 =	vld.idx.msk [tilespmem:v22+s25+$0x0], $0xffff  }
0x575: {  	v21 =	vadd.s32 v57, v36  }
0x576: {  	v22 =	vor.u32 v58, v19;
	_ =	sdelay $0x3  }
0x577: {  	[tilespmem:v21+s16+$0x0] =	vst.idx.msk $0xffff, v20  }
0x578: {  	v20 =	vld.idx.msk [tilespmem:v22+s25+$0x0], $0xffff  }
0x579: {  	v21 =	vadd.s32 v17, v36  }
0x57a: {  	v22 =	vor.u32 v18, v19;
	_ =	sdelay $0x3  }
0x57b: {  	[tilespmem:v21+s16+$0x0] =	vst.idx.msk $0xffff, v20  }
0x57c: {  	v20 =	vld.idx.msk [tilespmem:v22+s25+$0x0], $0xffff  }
0x57d: {  	v21 =	vadd.s32 v59, v36  }
0x57e: {  	v22 =	vor.u32 v60, v19;
	_ =	sdelay $0x3  }
0x57f: {  	[tilespmem:v21+s16+$0x0] =	vst.idx.msk $0xffff, v20  }
0x580: {  	v20 =	vld.idx.msk [tilespmem:v22+s25+$0x0], $0xffff  }
0x581: {  	v21 =	vadd.s32 v61, v36  }
0x582: {  	v19 =	vor.u32 v62, v19  }
.Ltmp15:
0x583: {  	(pc) =	sbr.rel @p0 .LBB2_29-.Ltmp15, $3  }
0x584: {  	_ =	sdelay $0x1  }
0x585: {  	[tilespmem:v21+s16+$0x0] =	vst.idx.msk $0xffff, v20  }
0x586: {  	v20 =	vor.u32 s21, v0;
	s21 =	sadd.s32 $0x10, s21;
	v21 =	vld.idx.msk [tilespmem:v19+s25+$0x0], $0xffff  }
0x587: {  	v19 =	vshll.u32 v20, $0x7;
	v22 =	vadd.s32 v63, v36  }
0x588: {  	v33 =	vor.u32 v33, v19;
	_ =	sdelay $0x3  }
0x589: {  	[tilespmem:v22+s16+$0x0] =	vst.idx.msk $0xffff, v21  }
0x58a: {  	v22 =	vadd.s32 v35, v20;
	v21 =	vld.idx.msk [tilespmem:v33+s25+$0x0], $0xffff  }
0x58b: {  	v36 =	vor.u32 v34, v19;
	_ =	sdelay $0x3  }
0x58c: {  	[tilespmem:v22+s16+$0x0] =	vst.idx.msk $0xffff, v21  }
0x58d: {  	v22 =	vadd.s32 v37, v20;
	v21 =	vld.idx.msk [tilespmem:v36+s25+$0x0], $0xffff  }
0x58e: {  	v38 =	vor.u32 v38, v19;
	_ =	sdelay $0x3  }
0x58f: {  	[tilespmem:v22+s16+$0x0] =	vst.idx.msk $0xffff, v21  }
0x590: {  	v22 =	vadd.s32 v39, v20;
	v21 =	vld.idx.msk [tilespmem:v38+s25+$0x0], $0xffff  }
0x591: {  	v40 =	vor.u32 v40, v19;
	_ =	sdelay $0x3  }
0x592: {  	[tilespmem:v22+s16+$0x0] =	vst.idx.msk $0xffff, v21  }
0x593: {  	v22 =	vadd.s32 v41, v20;
	v21 =	vld.idx.msk [tilespmem:v40+s25+$0x0], $0xffff  }
0x594: {  	v42 =	vor.u32 v42, v19;
	_ =	sdelay $0x3  }
0x595: {  	[tilespmem:v22+s16+$0x0] =	vst.idx.msk $0xffff, v21  }
0x596: {  	v22 =	vadd.s32 v43, v20;
	v21 =	vld.idx.msk [tilespmem:v42+s25+$0x0], $0xffff  }
0x597: {  	v44 =	vor.u32 v44, v19;
	_ =	sdelay $0x3  }
0x598: {  	[tilespmem:v22+s16+$0x0] =	vst.idx.msk $0xffff, v21  }
0x599: {  	v22 =	vadd.s32 v45, v20;
	v21 =	vld.idx.msk [tilespmem:v44+s25+$0x0], $0xffff  }
0x59a: {  	v46 =	vor.u32 v46, v19;
	_ =	sdelay $0x3  }
0x59b: {  	[tilespmem:v22+s16+$0x0] =	vst.idx.msk $0xffff, v21  }
0x59c: {  	v22 =	vadd.s32 v47, v20;
	v21 =	vld.idx.msk [tilespmem:v46+s25+$0x0], $0xffff  }
0x59d: {  	v48 =	vor.u32 v48, v19;
	_ =	sdelay $0x3  }
0x59e: {  	[tilespmem:v22+s16+$0x0] =	vst.idx.msk $0xffff, v21  }
0x59f: {  	v22 =	vadd.s32 v49, v20;
	v21 =	vld.idx.msk [tilespmem:v48+s25+$0x0], $0xffff  }
0x5a0: {  	v50 =	vor.u32 v50, v19;
	_ =	sdelay $0x3  }
0x5a1: {  	[tilespmem:v22+s16+$0x0] =	vst.idx.msk $0xffff, v21  }
0x5a2: {  	v22 =	vadd.s32 v51, v20;
	v21 =	vld.idx.msk [tilespmem:v50+s25+$0x0], $0xffff  }
0x5a3: {  	v52 =	vor.u32 v52, v19;
	_ =	sdelay $0x3  }
0x5a4: {  	[tilespmem:v22+s16+$0x0] =	vst.idx.msk $0xffff, v21  }
0x5a5: {  	v22 =	vadd.s32 v53, v20;
	v21 =	vld.idx.msk [tilespmem:v52+s25+$0x0], $0xffff  }
0x5a6: {  	v54 =	vor.u32 v54, v19;
	_ =	sdelay $0x3  }
0x5a7: {  	[tilespmem:v22+s16+$0x0] =	vst.idx.msk $0xffff, v21  }
0x5a8: {  	v22 =	vadd.s32 v55, v20;
	v21 =	vld.idx.msk [tilespmem:v54+s25+$0x0], $0xffff  }
0x5a9: {  	v56 =	vor.u32 v56, v19;
	_ =	sdelay $0x3  }
0x5aa: {  	[tilespmem:v22+s16+$0x0] =	vst.idx.msk $0xffff, v21  }
0x5ab: {  	v22 =	vadd.s32 v57, v20;
	v21 =	vld.idx.msk [tilespmem:v56+s25+$0x0], $0xffff  }
0x5ac: {  	v58 =	vor.u32 v58, v19;
	_ =	sdelay $0x3  }
0x5ad: {  	[tilespmem:v22+s16+$0x0] =	vst.idx.msk $0xffff, v21  }
0x5ae: {  	v17 =	vadd.s32 v17, v20;
	v21 =	vld.idx.msk [tilespmem:v58+s25+$0x0], $0xffff  }
0x5af: {  	v18 =	vor.u32 v18, v19;
	_ =	sdelay $0x3  }
0x5b0: {  	[tilespmem:v17+s16+$0x0] =	vst.idx.msk $0xffff, v21  }
0x5b1: {  	v17 =	vld.idx.msk [tilespmem:v18+s25+$0x0], $0xffff;
	v18 =	vadd.s32 v59, v20  }
0x5b2: {  	v21 =	vor.u32 v60, v19;
	_ =	sdelay $0x3  }
0x5b3: {  	[tilespmem:v18+s16+$0x0] =	vst.idx.msk $0xffff, v17  }
0x5b4: {  	v18 =	vadd.s32 v61, v20;
	v17 =	vld.idx.msk [tilespmem:v21+s25+$0x0], $0xffff  }
0x5b5: {  	v19 =	vor.u32 v62, v19;
	_ =	sdelay $0x3  }
0x5b6: {  	s28 =	sadd.s32 $0x1, s28;
	[tilespmem:v18+s16+$0x0] =	vst.idx.msk $0xffff, v17  }
0x5b7: {  	p0 =	sne.s32 s28, $0x8;
	v18 =	vadd.s32 v63, v20;
	v17 =	vld.idx.msk [tilespmem:v19+s25+$0x0], $0xffff  }
.Ltmp16:
0x5b8: {  	_ = 	snop;
	(pc) =	sbr.rel @p0 .LBB2_28-.Ltmp16, $2  }
0x5b9: {  	_ =	sdelay $0x2  }
0x5ba: {  	[tilespmem:v18+s16+$0x0] =	vst.idx.msk $0xffff, v17  }
0x5bb: {  	_ =	swait.ge [sflag:s23], $0x40  }
0x5bc: {  	[sflag:s23] =	ssyncset.done $0x0  }
0x5bd: {  	[sflag:s23] =	ssyncadd.s32 $0xFFFFFFC0  }
0x5be: {  	_ =	swait.ge [sflag:s23], $0x40  }
0x5bf: {  	[sflag:s23] =	ssyncset.done $0x0  }
0x5c0: {  	[sflag:s23] =	ssyncadd.s32 $0xFFFFFFC0  }
0x5c1: {  	_ =	swait.ge [sflag:s23], $0x40  }
0x5c2: {  	[sflag:s23] =	ssyncset.done $0x0  }
0x5c3: {  	[sflag:s23] =	ssyncadd.s32 $0xFFFFFFC0  }
0x5c4: {  	_ =	swait.ge [sflag:s23], $0x40  }
0x5c5: {  	[sflag:s23] =	ssyncset.done $0x0  }
0x5c6: {  	s17 =	simm.s32 $0x0;
	[sflag:s23] =	ssyncadd.s32 $0xFFFFFFC0  }
0x5c7: {  	[tilespmem:s25], [sflag:$0x9] =	stream.indirect.gather [hbm4b:s0+s24], $0x80, s17, s24, $0xb8;
	[tilespmem:$0x15400] =	vst v63  }
0x5c8: {  	_ =	swait.ge [sflag:s12], $0x2000  }
0x5c9: {  	[sflag:s12] =	ssyncset.done $0x0  }
0x5ca: {  	s28 =	simm.s32 $0x0;
	[sflag:s12] =	ssyncadd.s32 $0xFFFFE000  }
.LBB2_32:
0x5cb: {  	v17 =	vmov s17  }
0x5cc: {  	s21 =	sshll.u32 s28, $0x4;
	v17 =	vshll.u32 v17, $0x7  }
0x5cd: {  	v34 =	vor.u32 s21, v0;
	v19 =	vor.u32 v14, v17  }
0x5ce: {  	v17 =	vor.u32 v34, v19;
	_ =	sdelay $0x2  }
0x5cf: {  	s22 =	simm.s32 $0x40  }
0x5d0: {  	v53 =	vor.u32 s22, v0;
	v33 =	vshll.u32 v34, $0x7  }
0x5d1: {  	v35 =	vor.u32 s21, v1;
	v18 =	vadd.s32 v33, v53;
	v17 =	vld.idx.msk [tilespmem:v17+s26+$0x0], $0xffff  }
0x5d2: {  	v20 =	vor.u32 v35, v19;
	_ =	sdelay $0x3  }
0x5d3: {  	v36 =	vshll.u32 v35, $0x7;
	[tilespmem:v18+s16+$0x0] =	vst.idx.msk $0xffff, v17  }
0x5d4: {  	v37 =	vor.u32 s21, v2;
	v18 =	vadd.s32 v36, v53;
	v17 =	vld.idx.msk [tilespmem:v20+s26+$0x0], $0xffff  }
0x5d5: {  	v20 =	vor.u32 v37, v19;
	_ =	sdelay $0x3  }
0x5d6: {  	v38 =	vshll.u32 v37, $0x7;
	[tilespmem:v18+s16+$0x0] =	vst.idx.msk $0xffff, v17  }
0x5d7: {  	v39 =	vor.u32 s21, v3;
	v18 =	vadd.s32 v38, v53;
	v17 =	vld.idx.msk [tilespmem:v20+s26+$0x0], $0xffff  }
0x5d8: {  	v20 =	vor.u32 v39, v19;
	_ =	sdelay $0x3  }
0x5d9: {  	v40 =	vshll.u32 v39, $0x7;
	[tilespmem:v18+s16+$0x0] =	vst.idx.msk $0xffff, v17  }
0x5da: {  	v41 =	vor.u32 s21, v4;
	v18 =	vadd.s32 v40, v53;
	v17 =	vld.idx.msk [tilespmem:v20+s26+$0x0], $0xffff  }
0x5db: {  	v20 =	vor.u32 v41, v19;
	_ =	sdelay $0x3  }
0x5dc: {  	v42 =	vshll.u32 v41, $0x7;
	[tilespmem:v18+s16+$0x0] =	vst.idx.msk $0xffff, v17  }
0x5dd: {  	v43 =	vor.u32 s21, v5;
	v18 =	vadd.s32 v42, v53;
	v17 =	vld.idx.msk [tilespmem:v20+s26+$0x0], $0xffff  }
0x5de: {  	v20 =	vor.u32 v43, v19;
	_ =	sdelay $0x3  }
0x5df: {  	v44 =	vshll.u32 v43, $0x7;
	[tilespmem:v18+s16+$0x0] =	vst.idx.msk $0xffff, v17  }
0x5e0: {  	v45 =	vor.u32 s21, v6;
	v18 =	vadd.s32 v44, v53;
	v17 =	vld.idx.msk [tilespmem:v20+s26+$0x0], $0xffff  }
0x5e1: {  	v20 =	vor.u32 v45, v19;
	_ =	sdelay $0x3  }
0x5e2: {  	v46 =	vshll.u32 v45, $0x7;
	[tilespmem:v18+s16+$0x0] =	vst.idx.msk $0xffff, v17  }
0x5e3: {  	v47 =	vor.u32 s21, v7;
	v18 =	vadd.s32 v46, v53;
	v17 =	vld.idx.msk [tilespmem:v20+s26+$0x0], $0xffff  }
0x5e4: {  	v20 =	vor.u32 v47, v19;
	_ =	sdelay $0x3  }
0x5e5: {  	v48 =	vshll.u32 v47, $0x7;
	[tilespmem:v18+s16+$0x0] =	vst.idx.msk $0xffff, v17  }
0x5e6: {  	v49 =	vor.u32 s21, v8;
	v18 =	vadd.s32 v48, v53;
	v17 =	vld.idx.msk [tilespmem:v20+s26+$0x0], $0xffff  }
0x5e7: {  	v20 =	vor.u32 v49, v19;
	_ =	sdelay $0x3  }
0x5e8: {  	v50 =	vshll.u32 v49, $0x7;
	[tilespmem:v18+s16+$0x0] =	vst.idx.msk $0xffff, v17  }
0x5e9: {  	v51 =	vor.u32 s21, v9;
	v18 =	vadd.s32 v50, v53;
	v17 =	vld.idx.msk [tilespmem:v20+s26+$0x0], $0xffff  }
0x5ea: {  	v20 =	vor.u32 v51, v19;
	_ =	sdelay $0x3  }
0x5eb: {  	v52 =	vshll.u32 v51, $0x7;
	[tilespmem:v18+s16+$0x0] =	vst.idx.msk $0xffff, v17  }
0x5ec: {  	v54 =	vor.u32 s21, v10;
	v18 =	vadd.s32 v52, v53;
	v17 =	vld.idx.msk [tilespmem:v20+s26+$0x0], $0xffff  }
0x5ed: {  	v20 =	vor.u32 v54, v19;
	_ =	sdelay $0x3  }
0x5ee: {  	v55 =	vshll.u32 v54, $0x7;
	[tilespmem:v18+s16+$0x0] =	vst.idx.msk $0xffff, v17  }
0x5ef: {  	v56 =	vor.u32 s21, v11;
	v18 =	vadd.s32 v55, v53;
	v17 =	vld.idx.msk [tilespmem:v20+s26+$0x0], $0xffff  }
0x5f0: {  	v20 =	vor.u32 v56, v19;
	_ =	sdelay $0x3  }
0x5f1: {  	v57 =	vshll.u32 v56, $0x7;
	[tilespmem:v18+s16+$0x0] =	vst.idx.msk $0xffff, v17  }
0x5f2: {  	v58 =	vor.u32 s21, v12;
	v18 =	vadd.s32 v57, v53;
	v17 =	vld.idx.msk [tilespmem:v20+s26+$0x0], $0xffff  }
0x5f3: {  	v20 =	vor.u32 v58, v19;
	_ =	sdelay $0x3  }
0x5f4: {  	v59 =	vshll.u32 v58, $0x7;
	[tilespmem:v18+s16+$0x0] =	vst.idx.msk $0xffff, v17  }
0x5f5: {  	v60 =	vor.u32 s21, v13;
	v18 =	vadd.s32 v59, v53;
	v17 =	vld.idx.msk [tilespmem:v20+s26+$0x0], $0xffff  }
0x5f6: {  	v20 =	vor.u32 v60, v19;
	_ =	sdelay $0x3  }
0x5f7: {  	v61 =	vshll.u32 v60, $0x7;
	[tilespmem:v18+s16+$0x0] =	vst.idx.msk $0xffff, v17  }
0x5f8: {  	v62 =	vor.u32 s21, v15;
	v18 =	vadd.s32 v61, v53;
	v17 =	vld.idx.msk [tilespmem:v20+s26+$0x0], $0xffff  }
0x5f9: {  	v20 =	vor.u32 v62, v19;
	_ =	sdelay $0x3  }
0x5fa: {  	v63 =	vshll.u32 v62, $0x7;
	[tilespmem:v18+s16+$0x0] =	vst.idx.msk $0xffff, v17  }
0x5fb: {  	v22 =	vadd.s32 v63, v53;
	v18 =	vor.u32 s21, v16;
	v21 =	vld.idx.msk [tilespmem:v20+s26+$0x0], $0xffff  }
0x5fc: {  	v19 =	vor.u32 v18, v19;
	_ =	sdelay $0x2  }
0x5fd: {  	s29 =	simm.s32 $0x10  }
0x5fe: {  	s30 =	simm.s32 $0x20;
	v17 =	vshll.u32 v18, $0x7;
	v20 =	vmov s29;
	[tilespmem:v22+s16+$0x0] =	vst.idx.msk $0xffff, v21  }
.LBB2_33:
0x5ff: {  	p0 =	sne.s32 s30, $0x30;
	v20 =	vshll.u32 v20, $0x7;
	v21 =	vld.idx.msk [tilespmem:v19+s26+$0x0], $0xffff  }
0x600: {  	v19 =	vor.u32 v14, v20;
	v20 =	vadd.s32 v17, v53  }
0x601: {  	v22 =	vor.u32 v34, v19;
	_ =	sdelay $0x3  }
0x602: {  	s21 =	sadd.s32 $0x40, s29;
	s29 =	smov.u32 s30;
	[tilespmem:v20+s16+$0x0] =	vst.idx.msk $0xffff, v21  }
0x603: {  	v53 =	vor.u32 s21, v0;
	v20 =	vld.idx.msk [tilespmem:v22+s26+$0x0], $0xffff  }
0x604: {  	v21 =	vadd.s32 v33, v53  }
0x605: {  	v22 =	vor.u32 v35, v19;
	_ =	sdelay $0x3  }
0x606: {  	[tilespmem:v21+s16+$0x0] =	vst.idx.msk $0xffff, v20  }
0x607: {  	v20 =	vld.idx.msk [tilespmem:v22+s26+$0x0], $0xffff  }
0x608: {  	v21 =	vadd.s32 v36, v53  }
0x609: {  	v22 =	vor.u32 v37, v19;
	_ =	sdelay $0x3  }
0x60a: {  	[tilespmem:v21+s16+$0x0] =	vst.idx.msk $0xffff, v20  }
0x60b: {  	v20 =	vld.idx.msk [tilespmem:v22+s26+$0x0], $0xffff  }
0x60c: {  	v21 =	vadd.s32 v38, v53  }
0x60d: {  	v22 =	vor.u32 v39, v19;
	_ =	sdelay $0x3  }
0x60e: {  	[tilespmem:v21+s16+$0x0] =	vst.idx.msk $0xffff, v20  }
0x60f: {  	v20 =	vld.idx.msk [tilespmem:v22+s26+$0x0], $0xffff  }
0x610: {  	v21 =	vadd.s32 v40, v53  }
0x611: {  	v22 =	vor.u32 v41, v19;
	_ =	sdelay $0x3  }
0x612: {  	[tilespmem:v21+s16+$0x0] =	vst.idx.msk $0xffff, v20  }
0x613: {  	v20 =	vld.idx.msk [tilespmem:v22+s26+$0x0], $0xffff  }
0x614: {  	v21 =	vadd.s32 v42, v53  }
0x615: {  	v22 =	vor.u32 v43, v19;
	_ =	sdelay $0x3  }
0x616: {  	[tilespmem:v21+s16+$0x0] =	vst.idx.msk $0xffff, v20  }
0x617: {  	v20 =	vld.idx.msk [tilespmem:v22+s26+$0x0], $0xffff  }
0x618: {  	v21 =	vadd.s32 v44, v53  }
0x619: {  	v22 =	vor.u32 v45, v19;
	_ =	sdelay $0x3  }
0x61a: {  	[tilespmem:v21+s16+$0x0] =	vst.idx.msk $0xffff, v20  }
0x61b: {  	v20 =	vld.idx.msk [tilespmem:v22+s26+$0x0], $0xffff  }
0x61c: {  	v21 =	vadd.s32 v46, v53  }
0x61d: {  	v22 =	vor.u32 v47, v19;
	_ =	sdelay $0x3  }
0x61e: {  	[tilespmem:v21+s16+$0x0] =	vst.idx.msk $0xffff, v20  }
0x61f: {  	v20 =	vld.idx.msk [tilespmem:v22+s26+$0x0], $0xffff  }
0x620: {  	v21 =	vadd.s32 v48, v53  }
0x621: {  	v22 =	vor.u32 v49, v19;
	_ =	sdelay $0x3  }
0x622: {  	[tilespmem:v21+s16+$0x0] =	vst.idx.msk $0xffff, v20  }
0x623: {  	v20 =	vld.idx.msk [tilespmem:v22+s26+$0x0], $0xffff  }
0x624: {  	v21 =	vadd.s32 v50, v53  }
0x625: {  	v22 =	vor.u32 v51, v19;
	_ =	sdelay $0x3  }
0x626: {  	[tilespmem:v21+s16+$0x0] =	vst.idx.msk $0xffff, v20  }
0x627: {  	v20 =	vld.idx.msk [tilespmem:v22+s26+$0x0], $0xffff  }
0x628: {  	v21 =	vadd.s32 v52, v53  }
0x629: {  	v22 =	vor.u32 v54, v19;
	_ =	sdelay $0x3  }
0x62a: {  	[tilespmem:v21+s16+$0x0] =	vst.idx.msk $0xffff, v20  }
0x62b: {  	v20 =	vld.idx.msk [tilespmem:v22+s26+$0x0], $0xffff  }
0x62c: {  	v21 =	vadd.s32 v55, v53  }
0x62d: {  	v22 =	vor.u32 v56, v19;
	_ =	sdelay $0x3  }
0x62e: {  	[tilespmem:v21+s16+$0x0] =	vst.idx.msk $0xffff, v20  }
0x62f: {  	v20 =	vld.idx.msk [tilespmem:v22+s26+$0x0], $0xffff  }
0x630: {  	v21 =	vadd.s32 v57, v53  }
0x631: {  	v22 =	vor.u32 v58, v19;
	_ =	sdelay $0x3  }
0x632: {  	[tilespmem:v21+s16+$0x0] =	vst.idx.msk $0xffff, v20  }
0x633: {  	v20 =	vld.idx.msk [tilespmem:v22+s26+$0x0], $0xffff  }
0x634: {  	v21 =	vadd.s32 v59, v53  }
0x635: {  	v22 =	vor.u32 v60, v19;
	_ =	sdelay $0x3  }
0x636: {  	[tilespmem:v21+s16+$0x0] =	vst.idx.msk $0xffff, v20  }
0x637: {  	v20 =	vld.idx.msk [tilespmem:v22+s26+$0x0], $0xffff  }
0x638: {  	v21 =	vadd.s32 v61, v53  }
0x639: {  	v22 =	vor.u32 v62, v19;
	_ =	sdelay $0x3  }
0x63a: {  	[tilespmem:v21+s16+$0x0] =	vst.idx.msk $0xffff, v20  }
0x63b: {  	v21 =	vld.idx.msk [tilespmem:v22+s26+$0x0], $0xffff  }
0x63c: {  	v22 =	vadd.s32 v63, v53  }
.Ltmp17:
0x63d: {  	v19 =	vor.u32 v18, v19;
	(pc) =	sbr.rel @p0 .LBB2_33-.Ltmp17, $2  }
0x63e: {  	_ =	sdelay $0x2  }
0x63f: {  	s30 =	sadd.s32 $0x10, s30;
	v20 =	vmov s29;
	[tilespmem:v22+s16+$0x0] =	vst.idx.msk $0xffff, v21  }
0x640: {  	_ =	sdelay $0x2  }
0x641: {  	v20 =	vshll.u32 v20, $0x7  }
0x642: {  	v19 =	vld.idx.msk [tilespmem:v19+s26+$0x0], $0xffff;
	v21 =	vadd.s32 v17, v53;
	v20 =	vor.u32 v14, v20  }
0x643: {  	v22 =	vor.u32 v34, v20;
	_ =	sdelay $0x2  }
0x644: {  	s21 =	sadd.s32 $0x40, s29  }
0x645: {  	[tilespmem:v21+s16+$0x0] =	vst.idx.msk $0xffff, v19;
	v19 =	vor.u32 s21, v0  }
0x646: {  	v21 =	vld.idx.msk [tilespmem:v22+s26+$0x0], $0xffff;
	v22 =	vadd.s32 v33, v19  }
0x647: {  	v53 =	vor.u32 v35, v20;
	_ =	sdelay $0x3  }
0x648: {  	[tilespmem:v22+s16+$0x0] =	vst.idx.msk $0xffff, v21  }
0x649: {  	v22 =	vadd.s32 v36, v19;
	v21 =	vld.idx.msk [tilespmem:v53+s26+$0x0], $0xffff  }
0x64a: {  	v37 =	vor.u32 v37, v20;
	_ =	sdelay $0x3  }
0x64b: {  	[tilespmem:v22+s16+$0x0] =	vst.idx.msk $0xffff, v21  }
0x64c: {  	v22 =	vadd.s32 v38, v19;
	v21 =	vld.idx.msk [tilespmem:v37+s26+$0x0], $0xffff  }
0x64d: {  	v39 =	vor.u32 v39, v20;
	_ =	sdelay $0x3  }
0x64e: {  	[tilespmem:v22+s16+$0x0] =	vst.idx.msk $0xffff, v21  }
0x64f: {  	v22 =	vadd.s32 v40, v19;
	v21 =	vld.idx.msk [tilespmem:v39+s26+$0x0], $0xffff  }
0x650: {  	v41 =	vor.u32 v41, v20;
	_ =	sdelay $0x3  }
0x651: {  	[tilespmem:v22+s16+$0x0] =	vst.idx.msk $0xffff, v21  }
0x652: {  	v22 =	vadd.s32 v42, v19;
	v21 =	vld.idx.msk [tilespmem:v41+s26+$0x0], $0xffff  }
0x653: {  	v43 =	vor.u32 v43, v20;
	_ =	sdelay $0x3  }
0x654: {  	[tilespmem:v22+s16+$0x0] =	vst.idx.msk $0xffff, v21  }
0x655: {  	v22 =	vadd.s32 v44, v19;
	v21 =	vld.idx.msk [tilespmem:v43+s26+$0x0], $0xffff  }
0x656: {  	v45 =	vor.u32 v45, v20;
	_ =	sdelay $0x3  }
0x657: {  	[tilespmem:v22+s16+$0x0] =	vst.idx.msk $0xffff, v21  }
0x658: {  	v22 =	vadd.s32 v46, v19;
	v21 =	vld.idx.msk [tilespmem:v45+s26+$0x0], $0xffff  }
0x659: {  	v47 =	vor.u32 v47, v20;
	_ =	sdelay $0x3  }
0x65a: {  	[tilespmem:v22+s16+$0x0] =	vst.idx.msk $0xffff, v21  }
0x65b: {  	v22 =	vadd.s32 v48, v19;
	v21 =	vld.idx.msk [tilespmem:v47+s26+$0x0], $0xffff  }
0x65c: {  	v49 =	vor.u32 v49, v20;
	_ =	sdelay $0x3  }
0x65d: {  	[tilespmem:v22+s16+$0x0] =	vst.idx.msk $0xffff, v21  }
0x65e: {  	v22 =	vadd.s32 v50, v19;
	v21 =	vld.idx.msk [tilespmem:v49+s26+$0x0], $0xffff  }
0x65f: {  	v53 =	vor.u32 v51, v20;
	_ =	sdelay $0x3  }
0x660: {  	[tilespmem:v22+s16+$0x0] =	vst.idx.msk $0xffff, v21  }
0x661: {  	v22 =	vadd.s32 v52, v19;
	v21 =	vld.idx.msk [tilespmem:v53+s26+$0x0], $0xffff  }
0x662: {  	v54 =	vor.u32 v54, v20;
	_ =	sdelay $0x3  }
0x663: {  	[tilespmem:v22+s16+$0x0] =	vst.idx.msk $0xffff, v21  }
0x664: {  	v22 =	vadd.s32 v55, v19;
	v21 =	vld.idx.msk [tilespmem:v54+s26+$0x0], $0xffff  }
0x665: {  	v56 =	vor.u32 v56, v20;
	_ =	sdelay $0x3  }
0x666: {  	[tilespmem:v22+s16+$0x0] =	vst.idx.msk $0xffff, v21  }
0x667: {  	v22 =	vadd.s32 v57, v19;
	v21 =	vld.idx.msk [tilespmem:v56+s26+$0x0], $0xffff  }
0x668: {  	v58 =	vor.u32 v58, v20;
	_ =	sdelay $0x3  }
0x669: {  	[tilespmem:v22+s16+$0x0] =	vst.idx.msk $0xffff, v21  }
0x66a: {  	v22 =	vadd.s32 v59, v19;
	v21 =	vld.idx.msk [tilespmem:v58+s26+$0x0], $0xffff  }
0x66b: {  	v60 =	vor.u32 v60, v20;
	_ =	sdelay $0x3  }
0x66c: {  	[tilespmem:v22+s16+$0x0] =	vst.idx.msk $0xffff, v21  }
0x66d: {  	v22 =	vadd.s32 v61, v19;
	v21 =	vld.idx.msk [tilespmem:v60+s26+$0x0], $0xffff  }
0x66e: {  	v62 =	vor.u32 v62, v20;
	_ =	sdelay $0x3  }
0x66f: {  	[tilespmem:v22+s16+$0x0] =	vst.idx.msk $0xffff, v21  }
0x670: {  	v22 =	vadd.s32 v63, v19;
	v21 =	vld.idx.msk [tilespmem:v62+s26+$0x0], $0xffff  }
0x671: {  	v18 =	vor.u32 v18, v20;
	_ =	sdelay $0x3  }
0x672: {  	s28 =	sadd.s32 $0x1, s28;
	[tilespmem:v22+s16+$0x0] =	vst.idx.msk $0xffff, v21  }
0x673: {  	p0 =	sne.s32 s28, $0x8;
	v17 =	vadd.s32 v17, v19;
	v18 =	vld.idx.msk [tilespmem:v18+s26+$0x0], $0xffff  }
.Ltmp18:
0x674: {  	_ = 	snop;
	(pc) =	sbr.rel @p0 .LBB2_32-.Ltmp18, $2  }
0x675: {  	_ =	sdelay $0x2  }
0x676: {  	[tilespmem:v17+s16+$0x0] =	vst.idx.msk $0xffff, v18  }
0x677: {  	[tilespmem:s26], [sflag:$0xA] =	stream.indirect.gather [hbm4b:s0+s24], $0x80, s20, s24, $0xb8;
	[tilespmem:$0x15400] =	vst v63  }
0x678: {  	s7 =	sadd.s32 $0x57E400, s7;
	s29 =	rddreg [dreg:$0xf]  }
0x679: {  	[hbm4b:s7+s2] =	stream.strided.scatter [tilespmem:s16], [sflag:$0x8], $0x4000, s5, s2, $0x38;
	[tilespmem:$0x15400] =	vst v63  }
0x67a: {  	s7 =	sadd.s32 s29, s18  }
0x67b: {  	s17 =	sshll.u32 s7, $0x7  }
0x67c: {  	p0 =	slt.u32 s7, $0x9C4;
	s7 =	sadd.s32 $0xFFFFF000, s17  }
0x67d: {  	s7 =	smov.u32 @p0 s17  }
0x67e: {  	s7 =	sshrl.u32 s7, $0x3  }
0x67f: {  	s21 =	simm.s32 $0x8A00;
	s1 =	sadd.s32 $0x1, s1;
	s30 =	sadd.s32 s6, s7  }
0x680: {  	[tilespmem:s21], [sflag:$0x2] =	stream.linear.gather [hbm4b:s30+s4], $0x40, $0x38;
	[tilespmem:$0x15400] =	vst v63  }
0x681: {  	p0 =	sne.s32 s1, $0x28;
	s7 =	sadd.s32 s7, s8  }
0x682: {  	[tilespmem:s31], [sflag:$0x2] =	stream.linear.gather [hbm4b:s7+s4], $0x40, $0x38;
	[tilespmem:$0x15400] =	vst v63  }
.Ltmp19:
0x683: {  	_ = 	snop;
	(pc) =	sbr.rel @p0 .LBB2_2-.Ltmp19, $4  }
.Ltmp20:
0x684: {  	s28 =	simm.s32 $0x8B00;
	s22 =	sadd.s32 $0x9C40, s30;
	(pc) =	sbr.rel @!p0 .LBB2_36-.Ltmp20, $4  }
0x685: {  	[tilespmem:s28], [sflag:$0x2] =	stream.linear.gather [hbm4b:s22+s4], $0x40, $0x38;
	[tilespmem:$0x15400] =	vst v63  }
0x686: {  	s29 =	sadd.s32 $0x9C48, s30;
	s30 =	simm.s32 $0x8B80  }
0x687: {  	[tilespmem:s30], [sflag:$0x2] =	stream.linear.gather [hbm4b:s29+s4], $0x40, $0x38;
	[tilespmem:$0x15400] =	vst v63  }
0x688: {  	_ = 	snop  }
.LBB2_37:
0x689: {  	_ =	sfence.sel $0x180000  }
0x68a: {  	[bflag:$0x0] =	sbarrier.arrive $0xFFFF  }
0x68b: {  	_ =	strace $0x90000047  }
0x68c: {  	s0 =	stileid.u32;
	[bflag:$0x2] =	sbarrier.arrive $0xFFFF  }
0x68d: {  	p0 =	sne.s32 s0, $0x0;
	s0 =	rddreg [dreg:$0x4]  }
0x68e: {  	s0 =	sadd.s32 @!p0 $0x100000, s0  }
0x68f: {  	[sflag:s0] =	ssyncadd.tile.s32 @!p0 $0x1;
	_ =	shalt  }
.Lfunc_end2:
_tile_overlayer_lowered:
.L_overlay_start_2:
0x690: {  	(tag) =	ssettag $0x2  }
0x691: {  	s0 =	rddreg [dreg:$0x0];
	s2 =	stileid.u32  }
0x692: {  	s1 =	rddreg [dreg:$0x1];
	p0 =	sne.s32 s2, $0x0  }
0x693: {  	s3 =	rddreg [dreg:$0x2];
	[bflag:$0x3] =	sbarrier.arrive $0xFFFF;
	s2 =	simm.s32 @!p0 $0x1C0B  }
0x694: {  	[timem:s3], [sflag:s2] =	dma.local @!p0 [hbm:s0], s1  }
0x695: {  	s0 =	simm.s32 @!p0 $0xB  }
0x696: {  	_ =	swait.ge @!p0 [sflag:s0], s1  }
0x697: {  	s1 =	ssub.s32 @!p0 $0x0, s1;
	[sflag:s0] =	ssyncset.done @!p0 $0x0  }
0x698: {  	[sflag:s0] =	ssyncadd.s32 @!p0 s1  }
0x699: {  	[bflag:$0x3] =	sbarrier.arrive $0xFFFF  }
0x69a: {  	_ =	shalt  }

</sc_bundles>
